<compile_context>
chip_gen: v7x
topology: tpu7x:2x2x1
jax: 0.10.2.dev20260603
libtpu: 0.0.44.dev20260713+nightly
codegen_flags: <defaults>
</compile_context>

<pallas_src>
import dataclasses
import functools

import jax
import jax.numpy as jnp
from jax.experimental import pallas as pl
from jax.experimental.pallas import tpu as pltpu
from jax.experimental.pallas import tpu_sc as plsc

_TOP_M = 1024
_KAPPA = 0.05
_XI_H = 0.005
_RHO_F = 0.2
_C_V = 2.0
_LEAK = 0.01
_SIGMA = 2.0
_RADIUS = 4
_THRESH = 0.5

_M_LTM = 100000
_BLK = 2048
_NB2 = 25
_NBT = 2 * _NB2
_BIG_I = 2**30





def _prep_body(ks_ref, w_ref, b_ref, kp_ref, qn_ref):
    kp = jax.lax.dot(ks_ref[...].astype(jnp.bfloat16),
                     w_ref[...].astype(jnp.bfloat16),
                     preferred_element_type=jnp.float32) + b_ref[...]
    kp_ref[...] = kp
    qnorm = jnp.sqrt(jnp.sum(kp * kp, axis=1, keepdims=True))
    qn_ref[...] = kp / (qnorm + 1e-6)


def _proj(K_sel, W, b):
    return pl.pallas_call(
        _prep_body,
        out_shape=[
            jax.ShapeDtypeStruct((_TOP_M, 64), jnp.float32),
            jax.ShapeDtypeStruct((_TOP_M, 64), jnp.float32),
        ],
    )(K_sel, W, b.reshape(1, 64))


def _argmax_body(qn_ref, ltm_ref, val_ref, idx_ref):
    c = pl.program_id(0)
    i = pl.program_id(1)
    blk = c * _NB2 + i

    @pl.when(i == 0)
    def _init():
        val_ref[...] = jnp.full_like(val_ref, -jnp.inf)
        idx_ref[...] = jnp.zeros_like(idx_ref)

    x = ltm_ref[...]
    norm = jnp.sqrt(jnp.sum(x * x, axis=1, keepdims=True))
    kn = x / (norm + 1e-6)
    sim = jax.lax.dot_general(
        qn_ref[...].astype(jnp.bfloat16), kn.astype(jnp.bfloat16),
        ((((1,), (1,))), ((), ())), preferred_element_type=jnp.float32)

    def scan(masked):
        rv = val_ref[0]
        ri = idx_ref[0]
        if masked:
            lane = jax.lax.broadcasted_iota(jnp.int32, (_TOP_M, 128), 1)
        for g in range(_BLK // 128):
            s = sim[:, g * 128:(g + 1) * 128]
            colbase = blk * _BLK + g * 128
            ch = s > rv
            if masked:
                ch = jnp.logical_and(ch, (colbase + lane) < _M_LTM)
            rv = jnp.where(ch, s, rv)
            ri = jnp.where(ch, colbase, ri)
        val_ref[0] = rv
        idx_ref[0] = ri

    @pl.when(blk < _NBT - 2)
    def _fast():
        scan(False)

    @pl.when(blk >= _NBT - 2)
    def _tail():
        scan(True)


def _combine_body(val_ref, idx_ref, bi_ref, cnt_ref):
    v0 = val_ref[0]
    v1 = val_ref[1]
    lane = jax.lax.broadcasted_iota(jnp.int32, (_TOP_M, 128), 1)
    i0 = idx_ref[0] + lane
    i1 = idx_ref[1] + lane
    take1 = v1 > v0
    vm = jnp.where(take1, v1, v0)
    im = jnp.where(take1, i1, i0)
    m = jnp.max(vm, axis=1, keepdims=True)
    bi_ref[...] = jnp.min(jnp.where(vm == m, im, _BIG_I), axis=1,
                          keepdims=True)
    cnt_ref[...] = jnp.sum((m <= _THRESH).astype(jnp.int32)).reshape(1, 1)


def _sim_argmax(qn, ltm_K):
    val, idx = pl.pallas_call(
        _argmax_body,
        grid=(2, _NB2),
        in_specs=[
            pl.BlockSpec((_TOP_M, 64), lambda c, i: (0, 0)),
            pl.BlockSpec((_BLK, 64),
                         lambda c, i: (jnp.minimum(c * _NB2 + i, _NBT - 2), 0)),
        ],
        out_specs=[
            pl.BlockSpec((1, _TOP_M, 128), lambda c, i: (c, 0, 0)),
            pl.BlockSpec((1, _TOP_M, 128), lambda c, i: (c, 0, 0)),
        ],
        out_shape=[
            jax.ShapeDtypeStruct((2, _TOP_M, 128), jnp.float32),
            jax.ShapeDtypeStruct((2, _TOP_M, 128), jnp.int32),
        ],
        compiler_params=pltpu.CompilerParams(
            dimension_semantics=("parallel", "arbitrary")),
    )(qn, ltm_K)
    bi, cnt = pl.pallas_call(
        _combine_body,
        out_shape=[
            jax.ShapeDtypeStruct((_TOP_M, 1), jnp.int32),
            jax.ShapeDtypeStruct((1, 1), jnp.int32),
        ],
    )(val, idx)
    return bi[:, 0], cnt[0, 0]


def _merge_body(ic_ref, ir_ref, Vs_ref, Kp_ref, es_ref, om_ref,
                dV_ref, dK_ref, de_ref, dh_ref):
    ic = ic_ref[...]
    ir = ir_ref[...]
    al = om_ref[...]
    ciota = jax.lax.broadcasted_iota(jnp.int32, (_TOP_M, 128), 1)

    def mm(p, e):
        return jax.lax.dot(p.astype(jnp.bfloat16), e.astype(jnp.bfloat16),
                           preferred_element_type=jnp.float32)

    dV_ref[...] = mm(ic == ir, al * Vs_ref[...])
    kt = jnp.concatenate([Kp_ref[...], Kp_ref[...]], axis=1)
    ek = jnp.where((ciota >> 6) == (ic & 1), al * kt, 0.0)
    dK_ref[...] = mm((ic >> 1) == (ir >> 1), ek)
    et = jnp.concatenate([es_ref[...]] * 32, axis=1)
    ee = jnp.where((ciota >> 2) == (ic & 31), al * et, 0.0)
    de_ref[...] = mm((ic >> 5) == (ir >> 5), ee)
    eh = jnp.where(ciota == (ic & 127), al, 0.0)
    dh_ref[...] = mm((ic >> 7) == (ir >> 7), eh)


def _merged_updates(best_idx, V_sel, K_proj, e_sel, omega):
    shp = jax.ShapeDtypeStruct((_TOP_M, 128), jnp.float32)
    return pl.pallas_call(
        _merge_body,
        out_shape=[shp, shp, shp, shp],
    )(best_idx.reshape(_TOP_M, 1), best_idx.reshape(1, _TOP_M),
      V_sel, K_proj, e_sel, omega.reshape(_TOP_M, 1))


def _blur_body(b_ref, st_ref, lt_ref, out_ref):
    B = b_ref[...]
    t = st_ref[...]
    r0 = jax.lax.dot(B.astype(jnp.bfloat16),
                     t.reshape(64, 64 * 64).astype(jnp.bfloat16),
                     preferred_element_type=jnp.float32).reshape(64, 64, 64)
    slabs = [jax.lax.dot(B.astype(jnp.bfloat16), r0[a].astype(jnp.bfloat16),
                         preferred_element_type=jnp.float32)
             for a in range(64)]
    r1 = jnp.stack(slabs, axis=0)
    r2 = jax.lax.dot(r1.reshape(64 * 64, 64).astype(jnp.bfloat16),
                     B.astype(jnp.bfloat16),
                     preferred_element_type=jnp.float32)
    out_ref[...] = lt_ref[...] + _XI_H * r2.reshape(64, 64, 64)


def _terrain(stm_terrain, ltm_terrain):
    import numpy as np
    x = np.arange(-_RADIUS, _RADIUS + 1, dtype=np.float32)
    k = np.exp(-0.5 * (x / _SIGMA) ** 2)
    k = k / k.sum()
    B = np.zeros((64, 64), dtype=np.float32)
    for j in range(2 * _RADIUS + 1):
        off = j - _RADIUS
        for i in range(64):
            if 0 <= i + off < 64:
                B[i, i + off] = k[j]
    return pl.pallas_call(
        _blur_body,
        out_shape=jax.ShapeDtypeStruct((64, 64, 64), jnp.float32),
    )(jnp.asarray(B), stm_terrain, ltm_terrain)


def _vnorm_body(v_ref, out_ref):
    x = v_ref[...]
    n = jnp.sqrt(jnp.sum(x * x, axis=1, keepdims=True))
    scale = jnp.minimum(1.0, _C_V / (n + 1e-6))
    out_ref[...] = x * scale


def _vnorm(stm_V):
    return pl.pallas_call(
        _vnorm_body,
        grid=(2,),
        in_specs=[pl.BlockSpec((8192, 128), lambda i: (i, 0))],
        out_specs=pl.BlockSpec((8192, 128), lambda i: (i, 0)),
        out_shape=jax.ShapeDtypeStruct((16384, 128), jnp.float32),
        compiler_params=pltpu.CompilerParams(
            dimension_semantics=("parallel",)),
    )(stm_V)


_NW = 32
_RPW = _TOP_M // _NW


def _sc_apply(best_idx, dV, dK, de, dh, srcV, srcK2, srcE2, srcH2,
              vr, kr, er, hr):
    mesh = plsc.VectorSubcoreMesh(core_axis_name="c", subcore_axis_name="s")
    cp = pltpu.CompilerParams()
    if "needs_layout_passes" in pltpu.CompilerParams.__dataclass_fields__:
        cp = dataclasses.replace(cp, needs_layout_passes=False)

    @functools.partial(
        pl.kernel, mesh=mesh, out_type=(), compiler_params=cp,
        scratch_types=[
            pltpu.VMEM((_RPW,), jnp.int32),
            pltpu.VMEM((_RPW,), jnp.int32),
            pltpu.VMEM((_RPW, 128), jnp.float32),
            pltpu.VMEM((_RPW, 128), jnp.float32),
            pltpu.SemaphoreType.DMA,
        ])
    def body(idx_hbm, dV_hbm, dK_hbm, de_hbm, dh_hbm,
             srcV_hbm, srcK_hbm, srcE_hbm, srcH_hbm,
             outV_hbm, outK_hbm, outE_hbm, outH_hbm,
             idx_v, gid_v, upd, bas, sem):
        wid = jax.lax.axis_index("s") * 2 + jax.lax.axis_index("c")
        base = wid * _RPW
        pltpu.sync_copy(idx_hbm.at[pl.ds(base, _RPW)], idx_v)

        def table(upd_hbm, src_hbm, out_hbm, shift):
            for ch in range(_RPW // 16):
                s = pl.ds(ch * 16, 16)
                gid_v.at[s][...] = jax.lax.shift_right_logical(
                    idx_v.at[s][...], shift)
            pltpu.sync_copy(upd_hbm.at[pl.ds(base, _RPW)], upd)
            pltpu.async_copy(src_hbm.at[gid_v], bas, sem).wait()

            @pl.loop(0, _RPW)
            def _(r):
                for c in range(128 // 16):
                    s = pl.ds(c * 16, 16)
                    bas[r, s] = bas[r, s] + upd[r, s]

            pltpu.sync_copy(bas, out_hbm.at[gid_v])

        table(dV_hbm, srcV_hbm, outV_hbm, 0)
        table(dK_hbm, srcK_hbm, outK_hbm, 1)
        table(de_hbm, srcE_hbm, outE_hbm, 5)
        table(dh_hbm, srcH_hbm, outH_hbm, 7)

    body(best_idx, dV, dK, de, dh, srcV, srcK2, srcE2, srcH2,
         vr, kr, er, hr)


def kernel(stm_K, stm_V, stm_e, stm_h, stm_active, ltm_K, ltm_V, ltm_e, ltm_h,
           stm_terrain, ltm_terrain, fatigue, W, b):
    masked_h = jnp.where(stm_active, stm_h, -jnp.inf)
    top_h, top_idx = jax.lax.top_k(masked_h, _TOP_M)
    K_sel = stm_K[top_idx]
    V_sel = stm_V[top_idx]
    e_sel = stm_e[top_idx]
    h_sel = stm_h[top_idx]
    K_proj, qn = _proj(K_sel, W, b)
    omega = _KAPPA * h_sel
    best_idx, new_count = _sim_argmax(qn, ltm_K)
    dV, dK, de, dh = _merged_updates(best_idx, V_sel, K_proj, e_sel, omega)
    srcK2 = ltm_K.reshape(-1, 128)
    srcE2 = ltm_e.reshape(-1, 128)
    srcH2 = jnp.pad(ltm_h, (0, 96)).reshape(-1, 128)
    vr = jax.new_ref(jnp.copy(ltm_V))
    kr = jax.new_ref(jnp.copy(srcK2))
    er = jax.new_ref(jnp.copy(srcE2))
    hr = jax.new_ref(jnp.copy(srcH2))
    _sc_apply(best_idx, dV, dK, de, dh, ltm_V, srcK2, srcE2, srcH2,
              vr, kr, er, hr)
    ltm_V_new = vr[...]
    ltm_K_new = kr[...].reshape(ltm_K.shape)
    ltm_e_new = er[...].reshape(ltm_e.shape)
    ltm_h_new = hr[...].reshape(-1)[:ltm_h.shape[0]]
    ltm_terrain_new = _terrain(stm_terrain, ltm_terrain)
    stm_V_norm = _vnorm(stm_V)
    fatigue_new = _RHO_F * ((1.0 - _LEAK) * fatigue + jnp.sum(omega))
    return (ltm_K_new, ltm_V_new, ltm_e_new, ltm_h_new, ltm_terrain_new,
            stm_V_norm, fatigue_new, new_count)

# --- scband reference (transcript-rebuilt; emitter-appended) ---
"""Pipeline reference for scband-sleep-consolidator-33483565040117 (READ-ONLY COPY).

The authoritative reference and input builder live on the scoring server;
editing this copy changes nothing except your own understanding.
"""

import jax, jax.numpy as jnp
import numpy as np

N_STM = 16384
M_LTM = 100000
D_SK = 16
D_LK = 64
D_V = 128
D_E = 4
G = 64
TOP_M = 1024
KAPPA = 0.05
XI_H = 0.005
RHO_F = 0.2
C_V = 2.0
LEAK = 0.01
SIGMA = 2.0
RADIUS = 4
THRESH = 0.5


def _gauss_kernel(sigma, radius):
    x = jnp.arange(-radius, radius + 1, dtype=jnp.float32)
    k = jnp.exp(-0.5 * (x / sigma) ** 2)
    return k / jnp.sum(k)


def _blur_axis(t, kern, axis):
    r = (kern.shape[0] - 1) // 2
    pad = [(0, 0)] * t.ndim
    pad[axis] = (r, r)
    tp = jnp.pad(t, pad)
    L = t.shape[axis]
    out = jnp.zeros_like(t)
    for j in range(kern.shape[0]):
        sl = [slice(None)] * t.ndim
        sl[axis] = slice(j, j + L)
        out = out + kern[j] * tp[tuple(sl)]
    return out


def _blur3d(t, sigma, radius):
    k = _gauss_kernel(sigma, radius)
    for ax in range(3):
        t = _blur_axis(t, k, ax)
    return t


def setup_inputs(seed: int = 0):
    key = jax.random.key(seed)
    ks = jax.random.split(key, 16)
    inp = {}
    inp["stm_K"] = jax.random.normal(ks[0], (N_STM, D_SK), dtype=jnp.float32)
    inp["stm_V"] = jax.random.normal(ks[1], (N_STM, D_V), dtype=jnp.float32)
    inp["stm_e"] = jax.random.normal(ks[2], (N_STM, D_E), dtype=jnp.float32)
    inp["stm_h"] = jax.random.uniform(ks[3], (N_STM,), dtype=jnp.float32)
    inp["stm_active"] = jnp.ones((N_STM,), dtype=bool)
    inp["ltm_K"] = jax.random.normal(ks[4], (M_LTM, D_LK), dtype=jnp.float32)
    inp["ltm_V"] = jax.random.normal(ks[5], (M_LTM, D_V), dtype=jnp.float32)
    inp["ltm_e"] = jax.random.normal(ks[6], (M_LTM, D_E), dtype=jnp.float32)
    inp["ltm_h"] = jax.random.uniform(ks[7], (M_LTM,), dtype=jnp.float32)
    inp["stm_terrain"] = jax.random.normal(ks[8], (G, G, G), dtype=jnp.float32)
    inp["ltm_terrain"] = jax.random.normal(ks[9], (G, G, G), dtype=jnp.float32)
    inp["fatigue"] = jnp.zeros((1,), dtype=jnp.float32)
    inp["W"] = jax.random.normal(ks[10], (D_SK, D_LK), dtype=jnp.float32) / jnp.sqrt(float(D_SK))
    inp["b"] = jnp.zeros((D_LK,), dtype=jnp.float32)
    return inp


def reference(stm_K, stm_V, stm_e, stm_h, stm_active, ltm_K, ltm_V, ltm_e, ltm_h, stm_terrain, ltm_terrain, fatigue, W, b):
    # select top-m most-active STM centers
    masked_h = jnp.where(stm_active, stm_h, -jnp.inf)
    top_h, top_idx = jax.lax.top_k(masked_h, TOP_M)
    K_sel = stm_K[top_idx]
    V_sel = stm_V[top_idx]
    e_sel = stm_e[top_idx]
    h_sel = stm_h[top_idx]
    # project STM keys into LTM key space
    K_proj = K_sel @ W + b
    omega = KAPPA * h_sel
    # nearest-neighbor LTM slot by cosine similarity
    qn = K_proj / (jnp.linalg.norm(K_proj, axis=-1, keepdims=True) + 1e-6)
    kn = ltm_K / (jnp.linalg.norm(ltm_K, axis=-1, keepdims=True) + 1e-6)
    sim = qn @ kn.T
    best_idx = jnp.argmax(sim, axis=-1)
    best_sim = jnp.take_along_axis(sim, best_idx[:, None], axis=-1)[:, 0]
    new_count = jnp.sum(best_sim <= THRESH)
    # scatter-add consolidated memories into LTM, weighted by write intensity omega
    alpha = omega[:, None]
    ltm_V_new = ltm_V.at[best_idx].add(alpha * V_sel)
    ltm_K_new = ltm_K.at[best_idx].add(alpha * K_proj)
    ltm_e_new = ltm_e.at[best_idx].add(alpha * e_sel)
    ltm_h_new = ltm_h.at[best_idx].add(omega)
    # terrain merge with gaussian blur
    blurred = _blur3d(stm_terrain, SIGMA, RADIUS)
    ltm_terrain_new = ltm_terrain + XI_H * blurred
    # STM value normalization (clip value norms to c_v)
    vnorm = jnp.linalg.norm(stm_V, axis=-1)
    scale = jnp.minimum(1.0, C_V / (vnorm + 1e-6))
    stm_V_norm = stm_V * scale[:, None]
    # fatigue update + post-sleep decay
    fatigue_new = RHO_F * ((1.0 - LEAK) * fatigue + jnp.sum(omega))
    return (ltm_K_new, ltm_V_new, ltm_e_new, ltm_h_new, ltm_terrain_new, stm_V_norm, fatigue_new, new_count)

if __name__ == "__main__":
    import jax
    _d = setup_inputs()
    print(jax.jit(kernel)(*tuple(_d.values())))

</pallas_src>

<mosaic_0001>
#map = affine_map<(d0, d1) -> (0)>
#map1 = affine_map<(d0, d1) -> (0, 0)>
module attributes {stable_mosaic.version = 14 : i64} {
  func.func @new_body(%arg0: i32, %arg1: i32, %arg2: memref<1024xi32, #tpu.memory_space<hbm>>, %arg3: memref<1024x128xf32, #tpu.memory_space<hbm>>, %arg4: memref<1024x128xf32, #tpu.memory_space<hbm>>, %arg5: memref<1024x128xf32, #tpu.memory_space<hbm>>, %arg6: memref<1024x128xf32, #tpu.memory_space<hbm>>, %arg7: memref<100000x128xf32, #tpu.memory_space<hbm>>, %arg8: memref<50000x128xf32, #tpu.memory_space<hbm>>, %arg9: memref<3125x128xf32, #tpu.memory_space<hbm>>, %arg10: memref<782x128xf32, #tpu.memory_space<hbm>>, %arg11: memref<100000x128xf32, #tpu.memory_space<hbm>>, %arg12: memref<50000x128xf32, #tpu.memory_space<hbm>>, %arg13: memref<3125x128xf32, #tpu.memory_space<hbm>>, %arg14: memref<782x128xf32, #tpu.memory_space<hbm>>, %arg15: memref<100000x128xf32, #tpu.memory_space<hbm>>, %arg16: memref<50000x128xf32, #tpu.memory_space<hbm>>, %arg17: memref<3125x128xf32, #tpu.memory_space<hbm>>, %arg18: memref<782x128xf32, #tpu.memory_space<hbm>>, %arg19: memref<32xi32, #tpu.memory_space<vmem>>, %arg20: memref<32xi32, #tpu.memory_space<vmem>>, %arg21: memref<32x128xf32, #tpu.memory_space<vmem>>, %arg22: memref<32x128xf32, #tpu.memory_space<vmem>>, %arg23: memref<!tpu.dma_semaphore, #tpu.memory_space<semaphore_mem>>) attributes {dimension_semantics = [#tpu.dimension_semantics<core_parallel>, #tpu.dimension_semantics<subcore_parallel>], iteration_bounds = array<i64: 2, 16>, scalar_prefetch = 0 : i64, scratch_operands = 5 : i64, tpu.core_type = #tpu.core_type<sc_vector_subcore>, window_params = [{transform_indices = #map}, {transform_indices = #map1}, {transform_indices = #map1}, {transform_indices = #map1}, {transform_indices = #map1}, {transform_indices = #map1}, {transform_indices = #map1}, {transform_indices = #map1}, {transform_indices = #map1}, {transform_indices = #map1}, {transform_indices = #map1}, {transform_indices = #map1}, {transform_indices = #map1}, {transform_indices = #map1}, {transform_indices = #map1}, {transform_indices = #map1}, {transform_indices = #map1}]} {
    %mul3A = arith.constant 2 : i32
    %mul3A_0 = arith.muli %arg1, %mul3A : i32
    %add3A = arith.addi %mul3A_0, %arg0 : i32
    %mul3A_1 = arith.constant 32 : i32
    %mul3A_2 = arith.muli %add3A, %mul3A_1 : i32
    "tpu.region"() ({
      %run_scoped3A = tpu.sem_alloc : memref<!tpu.dma_semaphore, #tpu.memory_space<semaphore_mem>>
      %dma_start3A_97 = tpu.memref_slice %arg2[%mul3A_2] : memref<1024xi32, #tpu.memory_space<hbm>> -> memref<32xi32, #tpu.memory_space<hbm>>
      %dma_start3A_98 = tpu.memref_slice %arg2[%mul3A_2] : memref<1024xi32, #tpu.memory_space<hbm>> -> memref<32xi32, #tpu.memory_space<hbm>>
      tpu.enqueue_dma source(%dma_start3A_98 : memref<32xi32, #tpu.memory_space<hbm>>) target(%arg19 : memref<32xi32, #tpu.memory_space<vmem>>) target_semaphore(%run_scoped3A : memref<!tpu.dma_semaphore, #tpu.memory_space<semaphore_mem>>)
      %dma_wait3A_99 = tpu.memref_slice %arg2[%mul3A_2] : memref<1024xi32, #tpu.memory_space<hbm>> -> memref<32xi32, #tpu.memory_space<hbm>>
      %dma_wait3A_100 = tpu.memref_slice %arg2[%mul3A_2] : memref<1024xi32, #tpu.memory_space<hbm>> -> memref<32xi32, #tpu.memory_space<hbm>>
      tpu.wait_dma2 semaphore(%run_scoped3A : memref<!tpu.dma_semaphore, #tpu.memory_space<semaphore_mem>>) src(%dma_wait3A_100 : memref<32xi32, #tpu.memory_space<hbm>>) dst(%arg19 : memref<32xi32, #tpu.memory_space<vmem>>)
      tpu.yield
    }) : () -> ()
    %get3A = arith.constant 0 : index
    %get3A_3 = tpu.vector_load %arg19[%get3A] {strides = array<i32>} : memref<32xi32, #tpu.memory_space<vmem>>, vector<16xi32>,
    %shift_right_logical3A = arith.constant 0 : i32
    %shift_right_logical3A_4 = vector.broadcast %shift_right_logical3A : i32 to vector<16xi32>
    %shift_right_logical3A_5 = arith.shrui %get3A_3, %shift_right_logical3A_4 : vector<16xi32>
    %swap3A = arith.constant 0 : index
    %swap3A_6 = tpu.vector_load %arg20[%swap3A] {strides = array<i32>} : memref<32xi32, #tpu.memory_space<vmem>>, vector<16xi32>,
    tpu.vector_store %arg20[%swap3A], %shift_right_logical3A_5 {strides = array<i32>} : memref<32xi32, #tpu.memory_space<vmem>>, vector<16xi32>,
    %get3A_7 = arith.constant 16 : index
    %get3A_8 = tpu.vector_load %arg19[%get3A_7] {strides = array<i32>} : memref<32xi32, #tpu.memory_space<vmem>>, vector<16xi32>,
    %shift_right_logical3A_9 = arith.constant 0 : i32
    %shift_right_logical3A_10 = vector.broadcast %shift_right_logical3A_9 : i32 to vector<16xi32>
    %shift_right_logical3A_11 = arith.shrui %get3A_8, %shift_right_logical3A_10 : vector<16xi32>
    %swap3A_12 = arith.constant 16 : index
    %swap3A_13 = tpu.vector_load %arg20[%swap3A_12] {strides = array<i32>} : memref<32xi32, #tpu.memory_space<vmem>>, vector<16xi32>,
    tpu.vector_store %arg20[%swap3A_12], %shift_right_logical3A_11 {strides = array<i32>} : memref<32xi32, #tpu.memory_space<vmem>>, vector<16xi32>,
    "tpu.region"() ({
      %run_scoped3A = tpu.sem_alloc : memref<!tpu.dma_semaphore, #tpu.memory_space<semaphore_mem>>
      %dma_start3A_97 = arith.constant 0 : i32
      %dma_start3A_98 = tpu.memref_slice %arg3[%mul3A_2, %dma_start3A_97] : memref<1024x128xf32, #tpu.memory_space<hbm>> -> memref<32x128xf32, #tpu.memory_space<hbm>>
      %dma_start3A_99 = arith.constant 0 : i32
      %dma_start3A_100 = tpu.memref_slice %arg3[%mul3A_2, %dma_start3A_99] : memref<1024x128xf32, #tpu.memory_space<hbm>> -> memref<32x128xf32, #tpu.memory_space<hbm>>
      tpu.enqueue_dma source(%dma_start3A_100 : memref<32x128xf32, #tpu.memory_space<hbm>>) target(%arg21 : memref<32x128xf32, #tpu.memory_space<vmem>>) target_semaphore(%run_scoped3A : memref<!tpu.dma_semaphore, #tpu.memory_space<semaphore_mem>>)
      %dma_wait3A_101 = arith.constant 0 : i32
      %dma_wait3A_102 = tpu.memref_slice %arg3[%mul3A_2, %dma_wait3A_101] : memref<1024x128xf32, #tpu.memory_space<hbm>> -> memref<32x128xf32, #tpu.memory_space<hbm>>
      %dma_wait3A_103 = arith.constant 0 : i32
      %dma_wait3A_104 = tpu.memref_slice %arg3[%mul3A_2, %dma_wait3A_103] : memref<1024x128xf32, #tpu.memory_space<hbm>> -> memref<32x128xf32, #tpu.memory_space<hbm>>
      tpu.wait_dma2 semaphore(%run_scoped3A : memref<!tpu.dma_semaphore, #tpu.memory_space<semaphore_mem>>) src(%dma_wait3A_104 : memref<32x128xf32, #tpu.memory_space<hbm>>) dst(%arg21 : memref<32x128xf32, #tpu.memory_space<vmem>>)
      tpu.yield
    }) : () -> ()
    %dma_start3A = arith.constant 0 : i32
    %dma_start3A_14 = arith.constant 0 : i32
    %dma_start3A_15 = tpu.memref_slice %arg7[%dma_start3A, %dma_start3A_14] : memref<100000x128xf32, #tpu.memory_space<hbm>> -> memref<100000x128xf32, #tpu.memory_space<hbm>>
    tpu.enqueue_indirect_dma source(%dma_start3A_15 : memref<100000x128xf32, #tpu.memory_space<hbm>>) target(%arg22 : memref<32x128xf32, #tpu.memory_space<vmem>>) offsets(%arg20 : memref<32xi32, #tpu.memory_space<vmem>>) semaphore(%arg23 : memref<!tpu.dma_semaphore, #tpu.memory_space<semaphore_mem>>)
    %dma_wait3A = arith.constant 0 : i32
    %dma_wait3A_16 = arith.constant 0 : i32
    %dma_wait3A_17 = tpu.memref_slice %arg7[%dma_wait3A, %dma_wait3A_16] : memref<100000x128xf32, #tpu.memory_space<hbm>> -> memref<100000x128xf32, #tpu.memory_space<hbm>>
    tpu.wait_indirect_dma semaphore(%arg23 : memref<!tpu.dma_semaphore, #tpu.memory_space<semaphore_mem>>) src(%dma_wait3A_17 : memref<100000x128xf32, #tpu.memory_space<hbm>>) dst(%arg22 : memref<32x128xf32, #tpu.memory_space<vmem>>)
    %scan3A = arith.constant 0 : i32
    %scan3A_18 = arith.constant 32 : i32
    %scan3A_19 = arith.addi %scan3A, %scan3A_18 : i32
    %scan3A_20 = arith.constant 1 : i32
    scf.for %scan3A_97 = %scan3A to %scan3A_19 step %scan3A_20  : i32 {
      %mul3A_98 = arith.constant 1 : i32
      %mul3A_99 = arith.muli %scan3A_97, %mul3A_98 : i32
      %add3A_100 = arith.constant 0 : i32
      %add3A_101 = arith.addi %add3A_100, %mul3A_99 : i32
      %get3A_102 = arith.index_cast %add3A_101 : i32 to index
      %get3A_103 = arith.constant 0 : index
      %get3A_104 = tpu.vector_load %arg22[%get3A_102, %get3A_103] {strides = array<i32>} : memref<32x128xf32, #tpu.memory_space<vmem>>, vector<16xf32>,
      %get3A_105 = arith.index_cast %add3A_101 : i32 to index
      %get3A_106 = arith.constant 0 : index
      %get3A_107 = tpu.vector_load %arg21[%get3A_105, %get3A_106] {strides = array<i32>} : memref<32x128xf32, #tpu.memory_space<vmem>>, vector<16xf32>,
      %add3A_108 = arith.addf %get3A_104, %get3A_107 : vector<16xf32>
      %swap3A_109 = arith.index_cast %add3A_101 : i32 to index
      %swap3A_110 = arith.constant 0 : index
      %swap3A_111 = tpu.vector_load %arg22[%swap3A_109, %swap3A_110] {strides = array<i32>} : memref<32x128xf32, #tpu.memory_space<vmem>>, vector<16xf32>,
      tpu.vector_store %arg22[%swap3A_109, %swap3A_110], %add3A_108 {strides = array<i32>} : memref<32x128xf32, #tpu.memory_space<vmem>>, vector<16xf32>,
      %get3A_112 = arith.index_cast %add3A_101 : i32 to index
      %get3A_113 = arith.constant 16 : index
      %get3A_114 = tpu.vector_load %arg22[%get3A_112, %get3A_113] {strides = array<i32>} : memref<32x128xf32, #tpu.memory_space<vmem>>, vector<16xf32>,
      %get3A_115 = arith.index_cast %add3A_101 : i32 to index
      %get3A_116 = arith.constant 16 : index
      %get3A_117 = tpu.vector_load %arg21[%get3A_115, %get3A_116] {strides = array<i32>} : memref<32x128xf32, #tpu.memory_space<vmem>>, vector<16xf32>,
      %add3A_118 = arith.addf %get3A_114, %get3A_117 : vector<16xf32>
      %swap3A_119 = arith.index_cast %add3A_101 : i32 to index
      %swap3A_120 = arith.constant 16 : index
      %swap3A_121 = tpu.vector_load %arg22[%swap3A_119, %swap3A_120] {strides = array<i32>} : memref<32x128xf32, #tpu.memory_space<vmem>>, vector<16xf32>,
      tpu.vector_store %arg22[%swap3A_119, %swap3A_120], %add3A_118 {strides = array<i32>} : memref<32x128xf32, #tpu.memory_space<vmem>>, vector<16xf32>,
      %get3A_122 = arith.index_cast %add3A_101 : i32 to index
      %get3A_123 = arith.constant 32 : index
      %get3A_124 = tpu.vector_load %arg22[%get3A_122, %get3A_123] {strides = array<i32>} : memref<32x128xf32, #tpu.memory_space<vmem>>, vector<16xf32>,
      %get3A_125 = arith.index_cast %add3A_101 : i32 to index
      %get3A_126 = arith.constant 32 : index
      %get3A_127 = tpu.vector_load %arg21[%get3A_125, %get3A_126] {strides = array<i32>} : memref<32x128xf32, #tpu.memory_space<vmem>>, vector<16xf32>,
      %add3A_128 = arith.addf %get3A_124, %get3A_127 : vector<16xf32>
      %swap3A_129 = arith.index_cast %add3A_101 : i32 to index
      %swap3A_130 = arith.constant 32 : index
      %swap3A_131 = tpu.vector_load %arg22[%swap3A_129, %swap3A_130] {strides = array<i32>} : memref<32x128xf32, #tpu.memory_space<vmem>>, vector<16xf32>,
      tpu.vector_store %arg22[%swap3A_129, %swap3A_130], %add3A_128 {strides = array<i32>} : memref<32x128xf32, #tpu.memory_space<vmem>>, vector<16xf32>,
      %get3A_132 = arith.index_cast %add3A_101 : i32 to index
      %get3A_133 = arith.constant 48 : index
      %get3A_134 = tpu.vector_load %arg22[%get3A_132, %get3A_133] {strides = array<i32>} : memref<32x128xf32, #tpu.memory_space<vmem>>, vector<16xf32>,
      %get3A_135 = arith.index_cast %add3A_101 : i32 to index
      %get3A_136 = arith.constant 48 : index
      %get3A_137 = tpu.vector_load %arg21[%get3A_135, %get3A_136] {strides = array<i32>} : memref<32x128xf32, #tpu.memory_space<vmem>>, vector<16xf32>,
      %add3A_138 = arith.addf %get3A_134, %get3A_137 : vector<16xf32>
      %swap3A_139 = arith.index_cast %add3A_101 : i32 to index
      %swap3A_140 = arith.constant 48 : index
      %swap3A_141 = tpu.vector_load %arg22[%swap3A_139, %swap3A_140] {strides = array<i32>} : memref<32x128xf32, #tpu.memory_space<vmem>>, vector<16xf32>,
      tpu.vector_store %arg22[%swap3A_139, %swap3A_140], %add3A_138 {strides = array<i32>} : memref<32x128xf32, #tpu.memory_space<vmem>>, vector<16xf32>,
      %get3A_142 = arith.index_cast %add3A_101 : i32 to index
      %get3A_143 = arith.constant 64 : index
      %get3A_144 = tpu.vector_load %arg22[%get3A_142, %get3A_143] {strides = array<i32>} : memref<32x128xf32, #tpu.memory_space<vmem>>, vector<16xf32>,
      %get3A_145 = arith.index_cast %add3A_101 : i32 to index
      %get3A_146 = arith.constant 64 : index
      %get3A_147 = tpu.vector_load %arg21[%get3A_145, %get3A_146] {strides = array<i32>} : memref<32x128xf32, #tpu.memory_space<vmem>>, vector<16xf32>,
      %add3A_148 = arith.addf %get3A_144, %get3A_147 : vector<16xf32>
      %swap3A_149 = arith.index_cast %add3A_101 : i32 to index
      %swap3A_150 = arith.constant 64 : index
      %swap3A_151 = tpu.vector_load %arg22[%swap3A_149, %swap3A_150] {strides = array<i32>} : memref<32x128xf32, #tpu.memory_space<vmem>>, vector<16xf32>,
      tpu.vector_store %arg22[%swap3A_149, %swap3A_150], %add3A_148 {strides = array<i32>} : memref<32x128xf32, #tpu.memory_space<vmem>>, vector<16xf32>,
      %get3A_152 = arith.index_cast %add3A_101 : i32 to index
      %get3A_153 = arith.constant 80 : index
      %get3A_154 = tpu.vector_load %arg22[%get3A_152, %get3A_153] {strides = array<i32>} : memref<32x128xf32, #tpu.memory_space<vmem>>, vector<16xf32>,
      %get3A_155 = arith.index_cast %add3A_101 : i32 to index
      %get3A_156 = arith.constant 80 : index
      %get3A_157 = tpu.vector_load %arg21[%get3A_155, %get3A_156] {strides = array<i32>} : memref<32x128xf32, #tpu.memory_space<vmem>>, vector<16xf32>,
      %add3A_158 = arith.addf %get3A_154, %get3A_157 : vector<16xf32>
      %swap3A_159 = arith.index_cast %add3A_101 : i32 to index
      %swap3A_160 = arith.constant 80 : index
      %swap3A_161 = tpu.vector_load %arg22[%swap3A_159, %swap3A_160] {strides = array<i32>} : memref<32x128xf32, #tpu.memory_space<vmem>>, vector<16xf32>,
      tpu.vector_store %arg22[%swap3A_159, %swap3A_160], %add3A_158 {strides = array<i32>} : memref<32x128xf32, #tpu.memory_space<vmem>>, vector<16xf32>,
      %get3A_162 = arith.index_cast %add3A_101 : i32 to index
      %get3A_163 = arith.constant 96 : index
      %get3A_164 = tpu.vector_load %arg22[%get3A_162, %get3A_163] {strides = array<i32>} : memref<32x128xf32, #tpu.memory_space<vmem>>, vector<16xf32>,
      %get3A_165 = arith.index_cast %add3A_101 : i32 to index
      %get3A_166 = arith.constant 96 : index
      %get3A_167 = tpu.vector_load %arg21[%get3A_165, %get3A_166] {strides = array<i32>} : memref<32x128xf32, #tpu.memory_space<vmem>>, vector<16xf32>,
      %add3A_168 = arith.addf %get3A_164, %get3A_167 : vector<16xf32>
      %swap3A_169 = arith.index_cast %add3A_101 : i32 to index
      %swap3A_170 = arith.constant 96 : index
      %swap3A_171 = tpu.vector_load %arg22[%swap3A_169, %swap3A_170] {strides = array<i32>} : memref<32x128xf32, #tpu.memory_space<vmem>>, vector<16xf32>,
      tpu.vector_store %arg22[%swap3A_169, %swap3A_170], %add3A_168 {strides = array<i32>} : memref<32x128xf32, #tpu.memory_space<vmem>>, vector<16xf32>,
      %get3A_172 = arith.index_cast %add3A_101 : i32 to index
      %get3A_173 = arith.constant 112 : index
      %get3A_174 = tpu.vector_load %arg22[%get3A_172, %get3A_173] {strides = array<i32>} : memref<32x128xf32, #tpu.memory_space<vmem>>, vector<16xf32>,
      %get3A_175 = arith.index_cast %add3A_101 : i32 to index
      %get3A_176 = arith.constant 112 : index
      %get3A_177 = tpu.vector_load %arg21[%get3A_175, %get3A_176] {strides = array<i32>} : memref<32x128xf32, #tpu.memory_space<vmem>>, vector<16xf32>,
      %add3A_178 = arith.addf %get3A_174, %get3A_177 : vector<16xf32>
      %swap3A_179 = arith.index_cast %add3A_101 : i32 to index
      %swap3A_180 = arith.constant 112 : index
      %swap3A_181 = tpu.vector_load %arg22[%swap3A_179, %swap3A_180] {strides = array<i32>} : memref<32x128xf32, #tpu.memory_space<vmem>>, vector<16xf32>,
      tpu.vector_store %arg22[%swap3A_179, %swap3A_180], %add3A_178 {strides = array<i32>} : memref<32x128xf32, #tpu.memory_space<vmem>>, vector<16xf32>,
    }
    %scan3A_21 = arith.constant 32 : i32
    "tpu.region"() ({
      %run_scoped3A = tpu.sem_alloc : memref<!tpu.dma_semaphore, #tpu.memory_space<semaphore_mem>>
      %dma_start3A_97 = arith.constant 0 : i32
      %dma_start3A_98 = arith.constant 0 : i32
      %dma_start3A_99 = tpu.memref_slice %arg11[%dma_start3A_97, %dma_start3A_98] : memref<100000x128xf32, #tpu.memory_space<hbm>> -> memref<100000x128xf32, #tpu.memory_space<hbm>>
      tpu.enqueue_indirect_dma source(%arg22 : memref<32x128xf32, #tpu.memory_space<vmem>>) target(%dma_start3A_99 : memref<100000x128xf32, #tpu.memory_space<hbm>>) offsets(%arg20 : memref<32xi32, #tpu.memory_space<vmem>>) semaphore(%run_scoped3A : memref<!tpu.dma_semaphore, #tpu.memory_space<semaphore_mem>>)
      %dma_wait3A_100 = arith.constant 0 : i32
      %dma_wait3A_101 = arith.constant 0 : i32
      %dma_wait3A_102 = tpu.memref_slice %arg11[%dma_wait3A_100, %dma_wait3A_101] : memref<100000x128xf32, #tpu.memory_space<hbm>> -> memref<100000x128xf32, #tpu.memory_space<hbm>>
      tpu.wait_indirect_dma semaphore(%run_scoped3A : memref<!tpu.dma_semaphore, #tpu.memory_space<semaphore_mem>>) src(%arg22 : memref<32x128xf32, #tpu.memory_space<vmem>>) dst(%dma_wait3A_102 : memref<100000x128xf32, #tpu.memory_space<hbm>>)
      tpu.yield
    }) : () -> ()
    %get3A_22 = arith.constant 0 : index
    %get3A_23 = tpu.vector_load %arg19[%get3A_22] {strides = array<i32>} : memref<32xi32, #tpu.memory_space<vmem>>, vector<16xi32>,
    %shift_right_logical3A_24 = arith.constant 1 : i32
    %shift_right_logical3A_25 = vector.broadcast %shift_right_logical3A_24 : i32 to vector<16xi32>
    %shift_right_logical3A_26 = arith.shrui %get3A_23, %shift_right_logical3A_25 : vector<16xi32>
    %swap3A_27 = arith.constant 0 : index
    %swap3A_28 = tpu.vector_load %arg20[%swap3A_27] {strides = array<i32>} : memref<32xi32, #tpu.memory_space<vmem>>, vector<16xi32>,
    tpu.vector_store %arg20[%swap3A_27], %shift_right_logical3A_26 {strides = array<i32>} : memref<32xi32, #tpu.memory_space<vmem>>, vector<16xi32>,
    %get3A_29 = arith.constant 16 : index
    %get3A_30 = tpu.vector_load %arg19[%get3A_29] {strides = array<i32>} : memref<32xi32, #tpu.memory_space<vmem>>, vector<16xi32>,
    %shift_right_logical3A_31 = arith.constant 1 : i32
    %shift_right_logical3A_32 = vector.broadcast %shift_right_logical3A_31 : i32 to vector<16xi32>
    %shift_right_logical3A_33 = arith.shrui %get3A_30, %shift_right_logical3A_32 : vector<16xi32>
    %swap3A_34 = arith.constant 16 : index
    %swap3A_35 = tpu.vector_load %arg20[%swap3A_34] {strides = array<i32>} : memref<32xi32, #tpu.memory_space<vmem>>, vector<16xi32>,
    tpu.vector_store %arg20[%swap3A_34], %shift_right_logical3A_33 {strides = array<i32>} : memref<32xi32, #tpu.memory_space<vmem>>, vector<16xi32>,
    "tpu.region"() ({
      %run_scoped3A = tpu.sem_alloc : memref<!tpu.dma_semaphore, #tpu.memory_space<semaphore_mem>>
      %dma_start3A_97 = arith.constant 0 : i32
      %dma_start3A_98 = tpu.memref_slice %arg4[%mul3A_2, %dma_start3A_97] : memref<1024x128xf32, #tpu.memory_space<hbm>> -> memref<32x128xf32, #tpu.memory_space<hbm>>
      %dma_start3A_99 = arith.constant 0 : i32
      %dma_start3A_100 = tpu.memref_slice %arg4[%mul3A_2, %dma_start3A_99] : memref<1024x128xf32, #tpu.memory_space<hbm>> -> memref<32x128xf32, #tpu.memory_space<hbm>>
      tpu.enqueue_dma source(%dma_start3A_100 : memref<32x128xf32, #tpu.memory_space<hbm>>) target(%arg21 : memref<32x128xf32, #tpu.memory_space<vmem>>) target_semaphore(%run_scoped3A : memref<!tpu.dma_semaphore, #tpu.memory_space<semaphore_mem>>)
      %dma_wait3A_101 = arith.constant 0 : i32
      %dma_wait3A_102 = tpu.memref_slice %arg4[%mul3A_2, %dma_wait3A_101] : memref<1024x128xf32, #tpu.memory_space<hbm>> -> memref<32x128xf32, #tpu.memory_space<hbm>>
      %dma_wait3A_103 = arith.constant 0 : i32
      %dma_wait3A_104 = tpu.memref_slice %arg4[%mul3A_2, %dma_wait3A_103] : memref<1024x128xf32, #tpu.memory_space<hbm>> -> memref<32x128xf32, #tpu.memory_space<hbm>>
      tpu.wait_dma2 semaphore(%run_scoped3A : memref<!tpu.dma_semaphore, #tpu.memory_space<semaphore_mem>>) src(%dma_wait3A_104 : memref<32x128xf32, #tpu.memory_space<hbm>>) dst(%arg21 : memref<32x128xf32, #tpu.memory_space<vmem>>)
      tpu.yield
    }) : () -> ()
    %dma_start3A_36 = arith.constant 0 : i32
    %dma_start3A_37 = arith.constant 0 : i32
    %dma_start3A_38 = tpu.memref_slice %arg8[%dma_start3A_36, %dma_start3A_37] : memref<50000x128xf32, #tpu.memory_space<hbm>> -> memref<50000x128xf32, #tpu.memory_space<hbm>>
    tpu.enqueue_indirect_dma source(%dma_start3A_38 : memref<50000x128xf32, #tpu.memory_space<hbm>>) target(%arg22 : memref<32x128xf32, #tpu.memory_space<vmem>>) offsets(%arg20 : memref<32xi32, #tpu.memory_space<vmem>>) semaphore(%arg23 : memref<!tpu.dma_semaphore, #tpu.memory_space<semaphore_mem>>)
    %dma_wait3A_39 = arith.constant 0 : i32
    %dma_wait3A_40 = arith.constant 0 : i32
    %dma_wait3A_41 = tpu.memref_slice %arg8[%dma_wait3A_39, %dma_wait3A_40] : memref<50000x128xf32, #tpu.memory_space<hbm>> -> memref<50000x128xf32, #tpu.memory_space<hbm>>
    tpu.wait_indirect_dma semaphore(%arg23 : memref<!tpu.dma_semaphore, #tpu.memory_space<semaphore_mem>>) src(%dma_wait3A_41 : memref<50000x128xf32, #tpu.memory_space<hbm>>) dst(%arg22 : memref<32x128xf32, #tpu.memory_space<vmem>>)
    %scan3A_42 = arith.constant 0 : i32
    %scan3A_43 = arith.constant 32 : i32
    %scan3A_44 = arith.addi %scan3A_42, %scan3A_43 : i32
    %scan3A_45 = arith.constant 1 : i32
    scf.for %scan3A_97 = %scan3A_42 to %scan3A_44 step %scan3A_45  : i32 {
      %mul3A_98 = arith.constant 1 : i32
      %mul3A_99 = arith.muli %scan3A_97, %mul3A_98 : i32
      %add3A_100 = arith.constant 0 : i32
      %add3A_101 = arith.addi %add3A_100, %mul3A_99 : i32
      %get3A_102 = arith.index_cast %add3A_101 : i32 to index
      %get3A_103 = arith.constant 0 : index
      %get3A_104 = tpu.vector_load %arg22[%get3A_102, %get3A_103] {strides = array<i32>} : memref<32x128xf32, #tpu.memory_space<vmem>>, vector<16xf32>,
      %get3A_105 = arith.index_cast %add3A_101 : i32 to index
      %get3A_106 = arith.constant 0 : index
      %get3A_107 = tpu.vector_load %arg21[%get3A_105, %get3A_106] {strides = array<i32>} : memref<32x128xf32, #tpu.memory_space<vmem>>, vector<16xf32>,
      %add3A_108 = arith.addf %get3A_104, %get3A_107 : vector<16xf32>
      %swap3A_109 = arith.index_cast %add3A_101 : i32 to index
      %swap3A_110 = arith.constant 0 : index
      %swap3A_111 = tpu.vector_load %arg22[%swap3A_109, %swap3A_110] {strides = array<i32>} : memref<32x128xf32, #tpu.memory_space<vmem>>, vector<16xf32>,
      tpu.vector_store %arg22[%swap3A_109, %swap3A_110], %add3A_108 {strides = array<i32>} : memref<32x128xf32, #tpu.memory_space<vmem>>, vector<16xf32>,
      %get3A_112 = arith.index_cast %add3A_101 : i32 to index
      %get3A_113 = arith.constant 16 : index
      %get3A_114 = tpu.vector_load %arg22[%get3A_112, %get3A_113] {strides = array<i32>} : memref<32x128xf32, #tpu.memory_space<vmem>>, vector<16xf32>,
      %get3A_115 = arith.index_cast %add3A_101 : i32 to index
      %get3A_116 = arith.constant 16 : index
      %get3A_117 = tpu.vector_load %arg21[%get3A_115, %get3A_116] {strides = array<i32>} : memref<32x128xf32, #tpu.memory_space<vmem>>, vector<16xf32>,
      %add3A_118 = arith.addf %get3A_114, %get3A_117 : vector<16xf32>
      %swap3A_119 = arith.index_cast %add3A_101 : i32 to index
      %swap3A_120 = arith.constant 16 : index
      %swap3A_121 = tpu.vector_load %arg22[%swap3A_119, %swap3A_120] {strides = array<i32>} : memref<32x128xf32, #tpu.memory_space<vmem>>, vector<16xf32>,
      tpu.vector_store %arg22[%swap3A_119, %swap3A_120], %add3A_118 {strides = array<i32>} : memref<32x128xf32, #tpu.memory_space<vmem>>, vector<16xf32>,
      %get3A_122 = arith.index_cast %add3A_101 : i32 to index
      %get3A_123 = arith.constant 32 : index
      %get3A_124 = tpu.vector_load %arg22[%get3A_122, %get3A_123] {strides = array<i32>} : memref<32x128xf32, #tpu.memory_space<vmem>>, vector<16xf32>,
      %get3A_125 = arith.index_cast %add3A_101 : i32 to index
      %get3A_126 = arith.constant 32 : index
      %get3A_127 = tpu.vector_load %arg21[%get3A_125, %get3A_126] {strides = array<i32>} : memref<32x128xf32, #tpu.memory_space<vmem>>, vector<16xf32>,
      %add3A_128 = arith.addf %get3A_124, %get3A_127 : vector<16xf32>
      %swap3A_129 = arith.index_cast %add3A_101 : i32 to index
      %swap3A_130 = arith.constant 32 : index
      %swap3A_131 = tpu.vector_load %arg22[%swap3A_129, %swap3A_130] {strides = array<i32>} : memref<32x128xf32, #tpu.memory_space<vmem>>, vector<16xf32>,
      tpu.vector_store %arg22[%swap3A_129, %swap3A_130], %add3A_128 {strides = array<i32>} : memref<32x128xf32, #tpu.memory_space<vmem>>, vector<16xf32>,
      %get3A_132 = arith.index_cast %add3A_101 : i32 to index
      %get3A_133 = arith.constant 48 : index
      %get3A_134 = tpu.vector_load %arg22[%get3A_132, %get3A_133] {strides = array<i32>} : memref<32x128xf32, #tpu.memory_space<vmem>>, vector<16xf32>,
      %get3A_135 = arith.index_cast %add3A_101 : i32 to index
      %get3A_136 = arith.constant 48 : index
      %get3A_137 = tpu.vector_load %arg21[%get3A_135, %get3A_136] {strides = array<i32>} : memref<32x128xf32, #tpu.memory_space<vmem>>, vector<16xf32>,
      %add3A_138 = arith.addf %get3A_134, %get3A_137 : vector<16xf32>
      %swap3A_139 = arith.index_cast %add3A_101 : i32 to index
      %swap3A_140 = arith.constant 48 : index
      %swap3A_141 = tpu.vector_load %arg22[%swap3A_139, %swap3A_140] {strides = array<i32>} : memref<32x128xf32, #tpu.memory_space<vmem>>, vector<16xf32>,
      tpu.vector_store %arg22[%swap3A_139, %swap3A_140], %add3A_138 {strides = array<i32>} : memref<32x128xf32, #tpu.memory_space<vmem>>, vector<16xf32>,
      %get3A_142 = arith.index_cast %add3A_101 : i32 to index
      %get3A_143 = arith.constant 64 : index
      %get3A_144 = tpu.vector_load %arg22[%get3A_142, %get3A_143] {strides = array<i32>} : memref<32x128xf32, #tpu.memory_space<vmem>>, vector<16xf32>,
      %get3A_145 = arith.index_cast %add3A_101 : i32 to index
      %get3A_146 = arith.constant 64 : index
      %get3A_147 = tpu.vector_load %arg21[%get3A_145, %get3A_146] {strides = array<i32>} : memref<32x128xf32, #tpu.memory_space<vmem>>, vector<16xf32>,
      %add3A_148 = arith.addf %get3A_144, %get3A_147 : vector<16xf32>
      %swap3A_149 = arith.index_cast %add3A_101 : i32 to index
      %swap3A_150 = arith.constant 64 : index
      %swap3A_151 = tpu.vector_load %arg22[%swap3A_149, %swap3A_150] {strides = array<i32>} : memref<32x128xf32, #tpu.memory_space<vmem>>, vector<16xf32>,
      tpu.vector_store %arg22[%swap3A_149, %swap3A_150], %add3A_148 {strides = array<i32>} : memref<32x128xf32, #tpu.memory_space<vmem>>, vector<16xf32>,
      %get3A_152 = arith.index_cast %add3A_101 : i32 to index
      %get3A_153 = arith.constant 80 : index
      %get3A_154 = tpu.vector_load %arg22[%get3A_152, %get3A_153] {strides = array<i32>} : memref<32x128xf32, #tpu.memory_space<vmem>>, vector<16xf32>,
      %get3A_155 = arith.index_cast %add3A_101 : i32 to index
      %get3A_156 = arith.constant 80 : index
      %get3A_157 = tpu.vector_load %arg21[%get3A_155, %get3A_156] {strides = array<i32>} : memref<32x128xf32, #tpu.memory_space<vmem>>, vector<16xf32>,
      %add3A_158 = arith.addf %get3A_154, %get3A_157 : vector<16xf32>
      %swap3A_159 = arith.index_cast %add3A_101 : i32 to index
      %swap3A_160 = arith.constant 80 : index
      %swap3A_161 = tpu.vector_load %arg22[%swap3A_159, %swap3A_160] {strides = array<i32>} : memref<32x128xf32, #tpu.memory_space<vmem>>, vector<16xf32>,
      tpu.vector_store %arg22[%swap3A_159, %swap3A_160], %add3A_158 {strides = array<i32>} : memref<32x128xf32, #tpu.memory_space<vmem>>, vector<16xf32>,
      %get3A_162 = arith.index_cast %add3A_101 : i32 to index
      %get3A_163 = arith.constant 96 : index
      %get3A_164 = tpu.vector_load %arg22[%get3A_162, %get3A_163] {strides = array<i32>} : memref<32x128xf32, #tpu.memory_space<vmem>>, vector<16xf32>,
      %get3A_165 = arith.index_cast %add3A_101 : i32 to index
      %get3A_166 = arith.constant 96 : index
      %get3A_167 = tpu.vector_load %arg21[%get3A_165, %get3A_166] {strides = array<i32>} : memref<32x128xf32, #tpu.memory_space<vmem>>, vector<16xf32>,
      %add3A_168 = arith.addf %get3A_164, %get3A_167 : vector<16xf32>
      %swap3A_169 = arith.index_cast %add3A_101 : i32 to index
      %swap3A_170 = arith.constant 96 : index
      %swap3A_171 = tpu.vector_load %arg22[%swap3A_169, %swap3A_170] {strides = array<i32>} : memref<32x128xf32, #tpu.memory_space<vmem>>, vector<16xf32>,
      tpu.vector_store %arg22[%swap3A_169, %swap3A_170], %add3A_168 {strides = array<i32>} : memref<32x128xf32, #tpu.memory_space<vmem>>, vector<16xf32>,
      %get3A_172 = arith.index_cast %add3A_101 : i32 to index
      %get3A_173 = arith.constant 112 : index
      %get3A_174 = tpu.vector_load %arg22[%get3A_172, %get3A_173] {strides = array<i32>} : memref<32x128xf32, #tpu.memory_space<vmem>>, vector<16xf32>,
      %get3A_175 = arith.index_cast %add3A_101 : i32 to index
      %get3A_176 = arith.constant 112 : index
      %get3A_177 = tpu.vector_load %arg21[%get3A_175, %get3A_176] {strides = array<i32>} : memref<32x128xf32, #tpu.memory_space<vmem>>, vector<16xf32>,
      %add3A_178 = arith.addf %get3A_174, %get3A_177 : vector<16xf32>
      %swap3A_179 = arith.index_cast %add3A_101 : i32 to index
      %swap3A_180 = arith.constant 112 : index
      %swap3A_181 = tpu.vector_load %arg22[%swap3A_179, %swap3A_180] {strides = array<i32>} : memref<32x128xf32, #tpu.memory_space<vmem>>, vector<16xf32>,
      tpu.vector_store %arg22[%swap3A_179, %swap3A_180], %add3A_178 {strides = array<i32>} : memref<32x128xf32, #tpu.memory_space<vmem>>, vector<16xf32>,
    }
    %scan3A_46 = arith.constant 32 : i32
    "tpu.region"() ({
      %run_scoped3A = tpu.sem_alloc : memref<!tpu.dma_semaphore, #tpu.memory_space<semaphore_mem>>
      %dma_start3A_97 = arith.constant 0 : i32
      %dma_start3A_98 = arith.constant 0 : i32
      %dma_start3A_99 = tpu.memref_slice %arg12[%dma_start3A_97, %dma_start3A_98] : memref<50000x128xf32, #tpu.memory_space<hbm>> -> memref<50000x128xf32, #tpu.memory_space<hbm>>
      tpu.enqueue_indirect_dma source(%arg22 : memref<32x128xf32, #tpu.memory_space<vmem>>) target(%dma_start3A_99 : memref<50000x128xf32, #tpu.memory_space<hbm>>) offsets(%arg20 : memref<32xi32, #tpu.memory_space<vmem>>) semaphore(%run_scoped3A : memref<!tpu.dma_semaphore, #tpu.memory_space<semaphore_mem>>)
      %dma_wait3A_100 = arith.constant 0 : i32
      %dma_wait3A_101 = arith.constant 0 : i32
      %dma_wait3A_102 = tpu.memref_slice %arg12[%dma_wait3A_100, %dma_wait3A_101] : memref<50000x128xf32, #tpu.memory_space<hbm>> -> memref<50000x128xf32, #tpu.memory_space<hbm>>
      tpu.wait_indirect_dma semaphore(%run_scoped3A : memref<!tpu.dma_semaphore, #tpu.memory_space<semaphore_mem>>) src(%arg22 : memref<32x128xf32, #tpu.memory_space<vmem>>) dst(%dma_wait3A_102 : memref<50000x128xf32, #tpu.memory_space<hbm>>)
      tpu.yield
    }) : () -> ()
    %get3A_47 = arith.constant 0 : index
    %get3A_48 = tpu.vector_load %arg19[%get3A_47] {strides = array<i32>} : memref<32xi32, #tpu.memory_space<vmem>>, vector<16xi32>,
    %shift_right_logical3A_49 = arith.constant 5 : i32
    %shift_right_logical3A_50 = vector.broadcast %shift_right_logical3A_49 : i32 to vector<16xi32>
    %shift_right_logical3A_51 = arith.shrui %get3A_48, %shift_right_logical3A_50 : vector<16xi32>
    %swap3A_52 = arith.constant 0 : index
    %swap3A_53 = tpu.vector_load %arg20[%swap3A_52] {strides = array<i32>} : memref<32xi32, #tpu.memory_space<vmem>>, vector<16xi32>,
    tpu.vector_store %arg20[%swap3A_52], %shift_right_logical3A_51 {strides = array<i32>} : memref<32xi32, #tpu.memory_space<vmem>>, vector<16xi32>,
    %get3A_54 = arith.constant 16 : index
    %get3A_55 = tpu.vector_load %arg19[%get3A_54] {strides = array<i32>} : memref<32xi32, #tpu.memory_space<vmem>>, vector<16xi32>,
    %shift_right_logical3A_56 = arith.constant 5 : i32
    %shift_right_logical3A_57 = vector.broadcast %shift_right_logical3A_56 : i32 to vector<16xi32>
    %shift_right_logical3A_58 = arith.shrui %get3A_55, %shift_right_logical3A_57 : vector<16xi32>
    %swap3A_59 = arith.constant 16 : index
    %swap3A_60 = tpu.vector_load %arg20[%swap3A_59] {strides = array<i32>} : memref<32xi32, #tpu.memory_space<vmem>>, vector<16xi32>,
    tpu.vector_store %arg20[%swap3A_59], %shift_right_logical3A_58 {strides = array<i32>} : memref<32xi32, #tpu.memory_space<vmem>>, vector<16xi32>,
    "tpu.region"() ({
      %run_scoped3A = tpu.sem_alloc : memref<!tpu.dma_semaphore, #tpu.memory_space<semaphore_mem>>
      %dma_start3A_97 = arith.constant 0 : i32
      %dma_start3A_98 = tpu.memref_slice %arg5[%mul3A_2, %dma_start3A_97] : memref<1024x128xf32, #tpu.memory_space<hbm>> -> memref<32x128xf32, #tpu.memory_space<hbm>>
      %dma_start3A_99 = arith.constant 0 : i32
      %dma_start3A_100 = tpu.memref_slice %arg5[%mul3A_2, %dma_start3A_99] : memref<1024x128xf32, #tpu.memory_space<hbm>> -> memref<32x128xf32, #tpu.memory_space<hbm>>
      tpu.enqueue_dma source(%dma_start3A_100 : memref<32x128xf32, #tpu.memory_space<hbm>>) target(%arg21 : memref<32x128xf32, #tpu.memory_space<vmem>>) target_semaphore(%run_scoped3A : memref<!tpu.dma_semaphore, #tpu.memory_space<semaphore_mem>>)
      %dma_wait3A_101 = arith.constant 0 : i32
      %dma_wait3A_102 = tpu.memref_slice %arg5[%mul3A_2, %dma_wait3A_101] : memref<1024x128xf32, #tpu.memory_space<hbm>> -> memref<32x128xf32, #tpu.memory_space<hbm>>
      %dma_wait3A_103 = arith.constant 0 : i32
      %dma_wait3A_104 = tpu.memref_slice %arg5[%mul3A_2, %dma_wait3A_103] : memref<1024x128xf32, #tpu.memory_space<hbm>> -> memref<32x128xf32, #tpu.memory_space<hbm>>
      tpu.wait_dma2 semaphore(%run_scoped3A : memref<!tpu.dma_semaphore, #tpu.memory_space<semaphore_mem>>) src(%dma_wait3A_104 : memref<32x128xf32, #tpu.memory_space<hbm>>) dst(%arg21 : memref<32x128xf32, #tpu.memory_space<vmem>>)
      tpu.yield
    }) : () -> ()
    %dma_start3A_61 = arith.constant 0 : i32
    %dma_start3A_62 = arith.constant 0 : i32
    %dma_start3A_63 = tpu.memref_slice %arg9[%dma_start3A_61, %dma_start3A_62] : memref<3125x128xf32, #tpu.memory_space<hbm>> -> memref<3125x128xf32, #tpu.memory_space<hbm>>
    tpu.enqueue_indirect_dma source(%dma_start3A_63 : memref<3125x128xf32, #tpu.memory_space<hbm>>) target(%arg22 : memref<32x128xf32, #tpu.memory_space<vmem>>) offsets(%arg20 : memref<32xi32, #tpu.memory_space<vmem>>) semaphore(%arg23 : memref<!tpu.dma_semaphore, #tpu.memory_space<semaphore_mem>>)
    %dma_wait3A_64 = arith.constant 0 : i32
    %dma_wait3A_65 = arith.constant 0 : i32
    %dma_wait3A_66 = tpu.memref_slice %arg9[%dma_wait3A_64, %dma_wait3A_65] : memref<3125x128xf32, #tpu.memory_space<hbm>> -> memref<3125x128xf32, #tpu.memory_space<hbm>>
    tpu.wait_indirect_dma semaphore(%arg23 : memref<!tpu.dma_semaphore, #tpu.memory_space<semaphore_mem>>) src(%dma_wait3A_66 : memref<3125x128xf32, #tpu.memory_space<hbm>>) dst(%arg22 : memref<32x128xf32, #tpu.memory_space<vmem>>)
    %scan3A_67 = arith.constant 0 : i32
    %scan3A_68 = arith.constant 32 : i32
    %scan3A_69 = arith.addi %scan3A_67, %scan3A_68 : i32
    %scan3A_70 = arith.constant 1 : i32
    scf.for %scan3A_97 = %scan3A_67 to %scan3A_69 step %scan3A_70  : i32 {
      %mul3A_98 = arith.constant 1 : i32
      %mul3A_99 = arith.muli %scan3A_97, %mul3A_98 : i32
      %add3A_100 = arith.constant 0 : i32
      %add3A_101 = arith.addi %add3A_100, %mul3A_99 : i32
      %get3A_102 = arith.index_cast %add3A_101 : i32 to index
      %get3A_103 = arith.constant 0 : index
      %get3A_104 = tpu.vector_load %arg22[%get3A_102, %get3A_103] {strides = array<i32>} : memref<32x128xf32, #tpu.memory_space<vmem>>, vector<16xf32>,
      %get3A_105 = arith.index_cast %add3A_101 : i32 to index
      %get3A_106 = arith.constant 0 : index
      %get3A_107 = tpu.vector_load %arg21[%get3A_105, %get3A_106] {strides = array<i32>} : memref<32x128xf32, #tpu.memory_space<vmem>>, vector<16xf32>,
      %add3A_108 = arith.addf %get3A_104, %get3A_107 : vector<16xf32>
      %swap3A_109 = arith.index_cast %add3A_101 : i32 to index
      %swap3A_110 = arith.constant 0 : index
      %swap3A_111 = tpu.vector_load %arg22[%swap3A_109, %swap3A_110] {strides = array<i32>} : memref<32x128xf32, #tpu.memory_space<vmem>>, vector<16xf32>,
      tpu.vector_store %arg22[%swap3A_109, %swap3A_110], %add3A_108 {strides = array<i32>} : memref<32x128xf32, #tpu.memory_space<vmem>>, vector<16xf32>,
      %get3A_112 = arith.index_cast %add3A_101 : i32 to index
      %get3A_113 = arith.constant 16 : index
      %get3A_114 = tpu.vector_load %arg22[%get3A_112, %get3A_113] {strides = array<i32>} : memref<32x128xf32, #tpu.memory_space<vmem>>, vector<16xf32>,
      %get3A_115 = arith.index_cast %add3A_101 : i32 to index
      %get3A_116 = arith.constant 16 : index
      %get3A_117 = tpu.vector_load %arg21[%get3A_115, %get3A_116] {strides = array<i32>} : memref<32x128xf32, #tpu.memory_space<vmem>>, vector<16xf32>,
      %add3A_118 = arith.addf %get3A_114, %get3A_117 : vector<16xf32>
      %swap3A_119 = arith.index_cast %add3A_101 : i32 to index
      %swap3A_120 = arith.constant 16 : index
      %swap3A_121 = tpu.vector_load %arg22[%swap3A_119, %swap3A_120] {strides = array<i32>} : memref<32x128xf32, #tpu.memory_space<vmem>>, vector<16xf32>,
      tpu.vector_store %arg22[%swap3A_119, %swap3A_120], %add3A_118 {strides = array<i32>} : memref<32x128xf32, #tpu.memory_space<vmem>>, vector<16xf32>,
      %get3A_122 = arith.index_cast %add3A_101 : i32 to index
      %get3A_123 = arith.constant 32 : index
      %get3A_124 = tpu.vector_load %arg22[%get3A_122, %get3A_123] {strides = array<i32>} : memref<32x128xf32, #tpu.memory_space<vmem>>, vector<16xf32>,
      %get3A_125 = arith.index_cast %add3A_101 : i32 to index
      %get3A_126 = arith.constant 32 : index
      %get3A_127 = tpu.vector_load %arg21[%get3A_125, %get3A_126] {strides = array<i32>} : memref<32x128xf32, #tpu.memory_space<vmem>>, vector<16xf32>,
      %add3A_128 = arith.addf %get3A_124, %get3A_127 : vector<16xf32>
      %swap3A_129 = arith.index_cast %add3A_101 : i32 to index
      %swap3A_130 = arith.constant 32 : index
      %swap3A_131 = tpu.vector_load %arg22[%swap3A_129, %swap3A_130] {strides = array<i32>} : memref<32x128xf32, #tpu.memory_space<vmem>>, vector<16xf32>,
      tpu.vector_store %arg22[%swap3A_129, %swap3A_130], %add3A_128 {strides = array<i32>} : memref<32x128xf32, #tpu.memory_space<vmem>>, vector<16xf32>,
      %get3A_132 = arith.index_cast %add3A_101 : i32 to index
      %get3A_133 = arith.constant 48 : index
      %get3A_134 = tpu.vector_load %arg22[%get3A_132, %get3A_133] {strides = array<i32>} : memref<32x128xf32, #tpu.memory_space<vmem>>, vector<16xf32>,
      %get3A_135 = arith.index_cast %add3A_101 : i32 to index
      %get3A_136 = arith.constant 48 : index
      %get3A_137 = tpu.vector_load %arg21[%get3A_135, %get3A_136] {strides = array<i32>} : memref<32x128xf32, #tpu.memory_space<vmem>>, vector<16xf32>,
      %add3A_138 = arith.addf %get3A_134, %get3A_137 : vector<16xf32>
      %swap3A_139 = arith.index_cast %add3A_101 : i32 to index
      %swap3A_140 = arith.constant 48 : index
      %swap3A_141 = tpu.vector_load %arg22[%swap3A_139, %swap3A_140] {strides = array<i32>} : memref<32x128xf32, #tpu.memory_space<vmem>>, vector<16xf32>,
      tpu.vector_store %arg22[%swap3A_139, %swap3A_140], %add3A_138 {strides = array<i32>} : memref<32x128xf32, #tpu.memory_space<vmem>>, vector<16xf32>,
      %get3A_142 = arith.index_cast %add3A_101 : i32 to index
      %get3A_143 = arith.constant 64 : index
      %get3A_144 = tpu.vector_load %arg22[%get3A_142, %get3A_143] {strides = array<i32>} : memref<32x128xf32, #tpu.memory_space<vmem>>, vector<16xf32>,
      %get3A_145 = arith.index_cast %add3A_101 : i32 to index
      %get3A_146 = arith.constant 64 : index
      %get3A_147 = tpu.vector_load %arg21[%get3A_145, %get3A_146] {strides = array<i32>} : memref<32x128xf32, #tpu.memory_space<vmem>>, vector<16xf32>,
      %add3A_148 = arith.addf %get3A_144, %get3A_147 : vector<16xf32>
      %swap3A_149 = arith.index_cast %add3A_101 : i32 to index
      %swap3A_150 = arith.constant 64 : index
      %swap3A_151 = tpu.vector_load %arg22[%swap3A_149, %swap3A_150] {strides = array<i32>} : memref<32x128xf32, #tpu.memory_space<vmem>>, vector<16xf32>,
      tpu.vector_store %arg22[%swap3A_149, %swap3A_150], %add3A_148 {strides = array<i32>} : memref<32x128xf32, #tpu.memory_space<vmem>>, vector<16xf32>,
      %get3A_152 = arith.index_cast %add3A_101 : i32 to index
      %get3A_153 = arith.constant 80 : index
      %get3A_154 = tpu.vector_load %arg22[%get3A_152, %get3A_153] {strides = array<i32>} : memref<32x128xf32, #tpu.memory_space<vmem>>, vector<16xf32>,
      %get3A_155 = arith.index_cast %add3A_101 : i32 to index
      %get3A_156 = arith.constant 80 : index
      %get3A_157 = tpu.vector_load %arg21[%get3A_155, %get3A_156] {strides = array<i32>} : memref<32x128xf32, #tpu.memory_space<vmem>>, vector<16xf32>,
      %add3A_158 = arith.addf %get3A_154, %get3A_157 : vector<16xf32>
      %swap3A_159 = arith.index_cast %add3A_101 : i32 to index
      %swap3A_160 = arith.constant 80 : index
      %swap3A_161 = tpu.vector_load %arg22[%swap3A_159, %swap3A_160] {strides = array<i32>} : memref<32x128xf32, #tpu.memory_space<vmem>>, vector<16xf32>,
      tpu.vector_store %arg22[%swap3A_159, %swap3A_160], %add3A_158 {strides = array<i32>} : memref<32x128xf32, #tpu.memory_space<vmem>>, vector<16xf32>,
      %get3A_162 = arith.index_cast %add3A_101 : i32 to index
      %get3A_163 = arith.constant 96 : index
      %get3A_164 = tpu.vector_load %arg22[%get3A_162, %get3A_163] {strides = array<i32>} : memref<32x128xf32, #tpu.memory_space<vmem>>, vector<16xf32>,
      %get3A_165 = arith.index_cast %add3A_101 : i32 to index
      %get3A_166 = arith.constant 96 : index
      %get3A_167 = tpu.vector_load %arg21[%get3A_165, %get3A_166] {strides = array<i32>} : memref<32x128xf32, #tpu.memory_space<vmem>>, vector<16xf32>,
      %add3A_168 = arith.addf %get3A_164, %get3A_167 : vector<16xf32>
      %swap3A_169 = arith.index_cast %add3A_101 : i32 to index
      %swap3A_170 = arith.constant 96 : index
      %swap3A_171 = tpu.vector_load %arg22[%swap3A_169, %swap3A_170] {strides = array<i32>} : memref<32x128xf32, #tpu.memory_space<vmem>>, vector<16xf32>,
      tpu.vector_store %arg22[%swap3A_169, %swap3A_170], %add3A_168 {strides = array<i32>} : memref<32x128xf32, #tpu.memory_space<vmem>>, vector<16xf32>,
      %get3A_172 = arith.index_cast %add3A_101 : i32 to index
      %get3A_173 = arith.constant 112 : index
      %get3A_174 = tpu.vector_load %arg22[%get3A_172, %get3A_173] {strides = array<i32>} : memref<32x128xf32, #tpu.memory_space<vmem>>, vector<16xf32>,
      %get3A_175 = arith.index_cast %add3A_101 : i32 to index
      %get3A_176 = arith.constant 112 : index
      %get3A_177 = tpu.vector_load %arg21[%get3A_175, %get3A_176] {strides = array<i32>} : memref<32x128xf32, #tpu.memory_space<vmem>>, vector<16xf32>,
      %add3A_178 = arith.addf %get3A_174, %get3A_177 : vector<16xf32>
      %swap3A_179 = arith.index_cast %add3A_101 : i32 to index
      %swap3A_180 = arith.constant 112 : index
      %swap3A_181 = tpu.vector_load %arg22[%swap3A_179, %swap3A_180] {strides = array<i32>} : memref<32x128xf32, #tpu.memory_space<vmem>>, vector<16xf32>,
      tpu.vector_store %arg22[%swap3A_179, %swap3A_180], %add3A_178 {strides = array<i32>} : memref<32x128xf32, #tpu.memory_space<vmem>>, vector<16xf32>,
    }
    %scan3A_71 = arith.constant 32 : i32
    "tpu.region"() ({
      %run_scoped3A = tpu.sem_alloc : memref<!tpu.dma_semaphore, #tpu.memory_space<semaphore_mem>>
      %dma_start3A_97 = arith.constant 0 : i32
      %dma_start3A_98 = arith.constant 0 : i32
      %dma_start3A_99 = tpu.memref_slice %arg13[%dma_start3A_97, %dma_start3A_98] : memref<3125x128xf32, #tpu.memory_space<hbm>> -> memref<3125x128xf32, #tpu.memory_space<hbm>>
      tpu.enqueue_indirect_dma source(%arg22 : memref<32x128xf32, #tpu.memory_space<vmem>>) target(%dma_start3A_99 : memref<3125x128xf32, #tpu.memory_space<hbm>>) offsets(%arg20 : memref<32xi32, #tpu.memory_space<vmem>>) semaphore(%run_scoped3A : memref<!tpu.dma_semaphore, #tpu.memory_space<semaphore_mem>>)
      %dma_wait3A_100 = arith.constant 0 : i32
      %dma_wait3A_101 = arith.constant 0 : i32
      %dma_wait3A_102 = tpu.memref_slice %arg13[%dma_wait3A_100, %dma_wait3A_101] : memref<3125x128xf32, #tpu.memory_space<hbm>> -> memref<3125x128xf32, #tpu.memory_space<hbm>>
      tpu.wait_indirect_dma semaphore(%run_scoped3A : memref<!tpu.dma_semaphore, #tpu.memory_space<semaphore_mem>>) src(%arg22 : memref<32x128xf32, #tpu.memory_space<vmem>>) dst(%dma_wait3A_102 : memref<3125x128xf32, #tpu.memory_space<hbm>>)
      tpu.yield
    }) : () -> ()
    %get3A_72 = arith.constant 0 : index
    %get3A_73 = tpu.vector_load %arg19[%get3A_72] {strides = array<i32>} : memref<32xi32, #tpu.memory_space<vmem>>, vector<16xi32>,
    %shift_right_logical3A_74 = arith.constant 7 : i32
    %shift_right_logical3A_75 = vector.broadcast %shift_right_logical3A_74 : i32 to vector<16xi32>
    %shift_right_logical3A_76 = arith.shrui %get3A_73, %shift_right_logical3A_75 : vector<16xi32>
    %swap3A_77 = arith.constant 0 : index
    %swap3A_78 = tpu.vector_load %arg20[%swap3A_77] {strides = array<i32>} : memref<32xi32, #tpu.memory_space<vmem>>, vector<16xi32>,
    tpu.vector_store %arg20[%swap3A_77], %shift_right_logical3A_76 {strides = array<i32>} : memref<32xi32, #tpu.memory_space<vmem>>, vector<16xi32>,
    %get3A_79 = arith.constant 16 : index
    %get3A_80 = tpu.vector_load %arg19[%get3A_79] {strides = array<i32>} : memref<32xi32, #tpu.memory_space<vmem>>, vector<16xi32>,
    %shift_right_logical3A_81 = arith.constant 7 : i32
    %shift_right_logical3A_82 = vector.broadcast %shift_right_logical3A_81 : i32 to vector<16xi32>
    %shift_right_logical3A_83 = arith.shrui %get3A_80, %shift_right_logical3A_82 : vector<16xi32>
    %swap3A_84 = arith.constant 16 : index
    %swap3A_85 = tpu.vector_load %arg20[%swap3A_84] {strides = array<i32>} : memref<32xi32, #tpu.memory_space<vmem>>, vector<16xi32>,
    tpu.vector_store %arg20[%swap3A_84], %shift_right_logical3A_83 {strides = array<i32>} : memref<32xi32, #tpu.memory_space<vmem>>, vector<16xi32>,
    "tpu.region"() ({
      %run_scoped3A = tpu.sem_alloc : memref<!tpu.dma_semaphore, #tpu.memory_space<semaphore_mem>>
      %dma_start3A_97 = arith.constant 0 : i32
      %dma_start3A_98 = tpu.memref_slice %arg6[%mul3A_2, %dma_start3A_97] : memref<1024x128xf32, #tpu.memory_space<hbm>> -> memref<32x128xf32, #tpu.memory_space<hbm>>
      %dma_start3A_99 = arith.constant 0 : i32
      %dma_start3A_100 = tpu.memref_slice %arg6[%mul3A_2, %dma_start3A_99] : memref<1024x128xf32, #tpu.memory_space<hbm>> -> memref<32x128xf32, #tpu.memory_space<hbm>>
      tpu.enqueue_dma source(%dma_start3A_100 : memref<32x128xf32, #tpu.memory_space<hbm>>) target(%arg21 : memref<32x128xf32, #tpu.memory_space<vmem>>) target_semaphore(%run_scoped3A : memref<!tpu.dma_semaphore, #tpu.memory_space<semaphore_mem>>)
      %dma_wait3A_101 = arith.constant 0 : i32
      %dma_wait3A_102 = tpu.memref_slice %arg6[%mul3A_2, %dma_wait3A_101] : memref<1024x128xf32, #tpu.memory_space<hbm>> -> memref<32x128xf32, #tpu.memory_space<hbm>>
      %dma_wait3A_103 = arith.constant 0 : i32
      %dma_wait3A_104 = tpu.memref_slice %arg6[%mul3A_2, %dma_wait3A_103] : memref<1024x128xf32, #tpu.memory_space<hbm>> -> memref<32x128xf32, #tpu.memory_space<hbm>>
      tpu.wait_dma2 semaphore(%run_scoped3A : memref<!tpu.dma_semaphore, #tpu.memory_space<semaphore_mem>>) src(%dma_wait3A_104 : memref<32x128xf32, #tpu.memory_space<hbm>>) dst(%arg21 : memref<32x128xf32, #tpu.memory_space<vmem>>)
      tpu.yield
    }) : () -> ()
    %dma_start3A_86 = arith.constant 0 : i32
    %dma_start3A_87 = arith.constant 0 : i32
    %dma_start3A_88 = tpu.memref_slice %arg10[%dma_start3A_86, %dma_start3A_87] : memref<782x128xf32, #tpu.memory_space<hbm>> -> memref<782x128xf32, #tpu.memory_space<hbm>>
    tpu.enqueue_indirect_dma source(%dma_start3A_88 : memref<782x128xf32, #tpu.memory_space<hbm>>) target(%arg22 : memref<32x128xf32, #tpu.memory_space<vmem>>) offsets(%arg20 : memref<32xi32, #tpu.memory_space<vmem>>) semaphore(%arg23 : memref<!tpu.dma_semaphore, #tpu.memory_space<semaphore_mem>>)
    %dma_wait3A_89 = arith.constant 0 : i32
    %dma_wait3A_90 = arith.constant 0 : i32
    %dma_wait3A_91 = tpu.memref_slice %arg10[%dma_wait3A_89, %dma_wait3A_90] : memref<782x128xf32, #tpu.memory_space<hbm>> -> memref<782x128xf32, #tpu.memory_space<hbm>>
    tpu.wait_indirect_dma semaphore(%arg23 : memref<!tpu.dma_semaphore, #tpu.memory_space<semaphore_mem>>) src(%dma_wait3A_91 : memref<782x128xf32, #tpu.memory_space<hbm>>) dst(%arg22 : memref<32x128xf32, #tpu.memory_space<vmem>>)
    %scan3A_92 = arith.constant 0 : i32
    %scan3A_93 = arith.constant 32 : i32
    %scan3A_94 = arith.addi %scan3A_92, %scan3A_93 : i32
    %scan3A_95 = arith.constant 1 : i32
    scf.for %scan3A_97 = %scan3A_92 to %scan3A_94 step %scan3A_95  : i32 {
      %mul3A_98 = arith.constant 1 : i32
      %mul3A_99 = arith.muli %scan3A_97, %mul3A_98 : i32
      %add3A_100 = arith.constant 0 : i32
      %add3A_101 = arith.addi %add3A_100, %mul3A_99 : i32
      %get3A_102 = arith.index_cast %add3A_101 : i32 to index
      %get3A_103 = arith.constant 0 : index
      %get3A_104 = tpu.vector_load %arg22[%get3A_102, %get3A_103] {strides = array<i32>} : memref<32x128xf32, #tpu.memory_space<vmem>>, vector<16xf32>,
      %get3A_105 = arith.index_cast %add3A_101 : i32 to index
      %get3A_106 = arith.constant 0 : index
      %get3A_107 = tpu.vector_load %arg21[%get3A_105, %get3A_106] {strides = array<i32>} : memref<32x128xf32, #tpu.memory_space<vmem>>, vector<16xf32>,
      %add3A_108 = arith.addf %get3A_104, %get3A_107 : vector<16xf32>
      %swap3A_109 = arith.index_cast %add3A_101 : i32 to index
      %swap3A_110 = arith.constant 0 : index
      %swap3A_111 = tpu.vector_load %arg22[%swap3A_109, %swap3A_110] {strides = array<i32>} : memref<32x128xf32, #tpu.memory_space<vmem>>, vector<16xf32>,
      tpu.vector_store %arg22[%swap3A_109, %swap3A_110], %add3A_108 {strides = array<i32>} : memref<32x128xf32, #tpu.memory_space<vmem>>, vector<16xf32>,
      %get3A_112 = arith.index_cast %add3A_101 : i32 to index
      %get3A_113 = arith.constant 16 : index
      %get3A_114 = tpu.vector_load %arg22[%get3A_112, %get3A_113] {strides = array<i32>} : memref<32x128xf32, #tpu.memory_space<vmem>>, vector<16xf32>,
      %get3A_115 = arith.index_cast %add3A_101 : i32 to index
      %get3A_116 = arith.constant 16 : index
      %get3A_117 = tpu.vector_load %arg21[%get3A_115, %get3A_116] {strides = array<i32>} : memref<32x128xf32, #tpu.memory_space<vmem>>, vector<16xf32>,
      %add3A_118 = arith.addf %get3A_114, %get3A_117 : vector<16xf32>
      %swap3A_119 = arith.index_cast %add3A_101 : i32 to index
      %swap3A_120 = arith.constant 16 : index
      %swap3A_121 = tpu.vector_load %arg22[%swap3A_119, %swap3A_120] {strides = array<i32>} : memref<32x128xf32, #tpu.memory_space<vmem>>, vector<16xf32>,
      tpu.vector_store %arg22[%swap3A_119, %swap3A_120], %add3A_118 {strides = array<i32>} : memref<32x128xf32, #tpu.memory_space<vmem>>, vector<16xf32>,
      %get3A_122 = arith.index_cast %add3A_101 : i32 to index
      %get3A_123 = arith.constant 32 : index
      %get3A_124 = tpu.vector_load %arg22[%get3A_122, %get3A_123] {strides = array<i32>} : memref<32x128xf32, #tpu.memory_space<vmem>>, vector<16xf32>,
      %get3A_125 = arith.index_cast %add3A_101 : i32 to index
      %get3A_126 = arith.constant 32 : index
      %get3A_127 = tpu.vector_load %arg21[%get3A_125, %get3A_126] {strides = array<i32>} : memref<32x128xf32, #tpu.memory_space<vmem>>, vector<16xf32>,
      %add3A_128 = arith.addf %get3A_124, %get3A_127 : vector<16xf32>
      %swap3A_129 = arith.index_cast %add3A_101 : i32 to index
      %swap3A_130 = arith.constant 32 : index
      %swap3A_131 = tpu.vector_load %arg22[%swap3A_129, %swap3A_130] {strides = array<i32>} : memref<32x128xf32, #tpu.memory_space<vmem>>, vector<16xf32>,
      tpu.vector_store %arg22[%swap3A_129, %swap3A_130], %add3A_128 {strides = array<i32>} : memref<32x128xf32, #tpu.memory_space<vmem>>, vector<16xf32>,
      %get3A_132 = arith.index_cast %add3A_101 : i32 to index
      %get3A_133 = arith.constant 48 : index
      %get3A_134 = tpu.vector_load %arg22[%get3A_132, %get3A_133] {strides = array<i32>} : memref<32x128xf32, #tpu.memory_space<vmem>>, vector<16xf32>,
      %get3A_135 = arith.index_cast %add3A_101 : i32 to index
      %get3A_136 = arith.constant 48 : index
      %get3A_137 = tpu.vector_load %arg21[%get3A_135, %get3A_136] {strides = array<i32>} : memref<32x128xf32, #tpu.memory_space<vmem>>, vector<16xf32>,
      %add3A_138 = arith.addf %get3A_134, %get3A_137 : vector<16xf32>
      %swap3A_139 = arith.index_cast %add3A_101 : i32 to index
      %swap3A_140 = arith.constant 48 : index
      %swap3A_141 = tpu.vector_load %arg22[%swap3A_139, %swap3A_140] {strides = array<i32>} : memref<32x128xf32, #tpu.memory_space<vmem>>, vector<16xf32>,
      tpu.vector_store %arg22[%swap3A_139, %swap3A_140], %add3A_138 {strides = array<i32>} : memref<32x128xf32, #tpu.memory_space<vmem>>, vector<16xf32>,
      %get3A_142 = arith.index_cast %add3A_101 : i32 to index
      %get3A_143 = arith.constant 64 : index
      %get3A_144 = tpu.vector_load %arg22[%get3A_142, %get3A_143] {strides = array<i32>} : memref<32x128xf32, #tpu.memory_space<vmem>>, vector<16xf32>,
      %get3A_145 = arith.index_cast %add3A_101 : i32 to index
      %get3A_146 = arith.constant 64 : index
      %get3A_147 = tpu.vector_load %arg21[%get3A_145, %get3A_146] {strides = array<i32>} : memref<32x128xf32, #tpu.memory_space<vmem>>, vector<16xf32>,
      %add3A_148 = arith.addf %get3A_144, %get3A_147 : vector<16xf32>
      %swap3A_149 = arith.index_cast %add3A_101 : i32 to index
      %swap3A_150 = arith.constant 64 : index
      %swap3A_151 = tpu.vector_load %arg22[%swap3A_149, %swap3A_150] {strides = array<i32>} : memref<32x128xf32, #tpu.memory_space<vmem>>, vector<16xf32>,
      tpu.vector_store %arg22[%swap3A_149, %swap3A_150], %add3A_148 {strides = array<i32>} : memref<32x128xf32, #tpu.memory_space<vmem>>, vector<16xf32>,
      %get3A_152 = arith.index_cast %add3A_101 : i32 to index
      %get3A_153 = arith.constant 80 : index
      %get3A_154 = tpu.vector_load %arg22[%get3A_152, %get3A_153] {strides = array<i32>} : memref<32x128xf32, #tpu.memory_space<vmem>>, vector<16xf32>,
      %get3A_155 = arith.index_cast %add3A_101 : i32 to index
      %get3A_156 = arith.constant 80 : index
      %get3A_157 = tpu.vector_load %arg21[%get3A_155, %get3A_156] {strides = array<i32>} : memref<32x128xf32, #tpu.memory_space<vmem>>, vector<16xf32>,
      %add3A_158 = arith.addf %get3A_154, %get3A_157 : vector<16xf32>
      %swap3A_159 = arith.index_cast %add3A_101 : i32 to index
      %swap3A_160 = arith.constant 80 : index
      %swap3A_161 = tpu.vector_load %arg22[%swap3A_159, %swap3A_160] {strides = array<i32>} : memref<32x128xf32, #tpu.memory_space<vmem>>, vector<16xf32>,
      tpu.vector_store %arg22[%swap3A_159, %swap3A_160], %add3A_158 {strides = array<i32>} : memref<32x128xf32, #tpu.memory_space<vmem>>, vector<16xf32>,
      %get3A_162 = arith.index_cast %add3A_101 : i32 to index
      %get3A_163 = arith.constant 96 : index
      %get3A_164 = tpu.vector_load %arg22[%get3A_162, %get3A_163] {strides = array<i32>} : memref<32x128xf32, #tpu.memory_space<vmem>>, vector<16xf32>,
      %get3A_165 = arith.index_cast %add3A_101 : i32 to index
      %get3A_166 = arith.constant 96 : index
      %get3A_167 = tpu.vector_load %arg21[%get3A_165, %get3A_166] {strides = array<i32>} : memref<32x128xf32, #tpu.memory_space<vmem>>, vector<16xf32>,
      %add3A_168 = arith.addf %get3A_164, %get3A_167 : vector<16xf32>
      %swap3A_169 = arith.index_cast %add3A_101 : i32 to index
      %swap3A_170 = arith.constant 96 : index
      %swap3A_171 = tpu.vector_load %arg22[%swap3A_169, %swap3A_170] {strides = array<i32>} : memref<32x128xf32, #tpu.memory_space<vmem>>, vector<16xf32>,
      tpu.vector_store %arg22[%swap3A_169, %swap3A_170], %add3A_168 {strides = array<i32>} : memref<32x128xf32, #tpu.memory_space<vmem>>, vector<16xf32>,
      %get3A_172 = arith.index_cast %add3A_101 : i32 to index
      %get3A_173 = arith.constant 112 : index
      %get3A_174 = tpu.vector_load %arg22[%get3A_172, %get3A_173] {strides = array<i32>} : memref<32x128xf32, #tpu.memory_space<vmem>>, vector<16xf32>,
      %get3A_175 = arith.index_cast %add3A_101 : i32 to index
      %get3A_176 = arith.constant 112 : index
      %get3A_177 = tpu.vector_load %arg21[%get3A_175, %get3A_176] {strides = array<i32>} : memref<32x128xf32, #tpu.memory_space<vmem>>, vector<16xf32>,
      %add3A_178 = arith.addf %get3A_174, %get3A_177 : vector<16xf32>
      %swap3A_179 = arith.index_cast %add3A_101 : i32 to index
      %swap3A_180 = arith.constant 112 : index
      %swap3A_181 = tpu.vector_load %arg22[%swap3A_179, %swap3A_180] {strides = array<i32>} : memref<32x128xf32, #tpu.memory_space<vmem>>, vector<16xf32>,
      tpu.vector_store %arg22[%swap3A_179, %swap3A_180], %add3A_178 {strides = array<i32>} : memref<32x128xf32, #tpu.memory_space<vmem>>, vector<16xf32>,
    }
    %scan3A_96 = arith.constant 32 : i32
    "tpu.region"() ({
      %run_scoped3A = tpu.sem_alloc : memref<!tpu.dma_semaphore, #tpu.memory_space<semaphore_mem>>
      %dma_start3A_97 = arith.constant 0 : i32
      %dma_start3A_98 = arith.constant 0 : i32
      %dma_start3A_99 = tpu.memref_slice %arg14[%dma_start3A_97, %dma_start3A_98] : memref<782x128xf32, #tpu.memory_space<hbm>> -> memref<782x128xf32, #tpu.memory_space<hbm>>
      tpu.enqueue_indirect_dma source(%arg22 : memref<32x128xf32, #tpu.memory_space<vmem>>) target(%dma_start3A_99 : memref<782x128xf32, #tpu.memory_space<hbm>>) offsets(%arg20 : memref<32xi32, #tpu.memory_space<vmem>>) semaphore(%run_scoped3A : memref<!tpu.dma_semaphore, #tpu.memory_space<semaphore_mem>>)
      %dma_wait3A_100 = arith.constant 0 : i32
      %dma_wait3A_101 = arith.constant 0 : i32
      %dma_wait3A_102 = tpu.memref_slice %arg14[%dma_wait3A_100, %dma_wait3A_101] : memref<782x128xf32, #tpu.memory_space<hbm>> -> memref<782x128xf32, #tpu.memory_space<hbm>>
      tpu.wait_indirect_dma semaphore(%run_scoped3A : memref<!tpu.dma_semaphore, #tpu.memory_space<semaphore_mem>>) src(%arg22 : memref<32x128xf32, #tpu.memory_space<vmem>>) dst(%dma_wait3A_102 : memref<782x128xf32, #tpu.memory_space<hbm>>)
      tpu.yield
    }) : () -> ()
    return
  }
}

module attributes {stable_mosaic.version = 14 : i64} {
  func.func @_prep_body(%arg0: memref<1024x16xf32, #tpu.memory_space<vmem>>, %arg1: memref<16x64xf32, #tpu.memory_space<vmem>>, %arg2: memref<1x64xf32, #tpu.memory_space<vmem>>, %arg3: memref<1024x64xf32, #tpu.memory_space<vmem>>, %arg4: memref<1024x64xf32, #tpu.memory_space<vmem>>) attributes {dimension_semantics = [], scalar_prefetch = 0 : i64, scratch_operands = 0 : i64, tpu.core_type = #tpu.core_type<tc>} {
    %get3A = arith.constant 0 : index
    %get3A_0 = arith.constant 0 : index
    %get3A_1 = vector.load %arg0[%get3A, %get3A_0] : memref<1024x16xf32, #tpu.memory_space<vmem>>, vector<1024x16xf32>
    %convert_element_type3A = arith.truncf %get3A_1 : vector<1024x16xf32> to vector<1024x16xbf16>
    %get3A_2 = arith.constant 0 : index
    %get3A_3 = arith.constant 0 : index
    %get3A_4 = vector.load %arg1[%get3A_2, %get3A_3] : memref<16x64xf32, #tpu.memory_space<vmem>>, vector<16x64xf32>
    %convert_element_type3A_5 = arith.truncf %get3A_4 : vector<16x64xf32> to vector<16x64xbf16>
    %dot_general3A = arith.constant dense<0.000000e+00> : vector<1024x64xf32>
    %dot_general3A_6 = tpu.matmul %convert_element_type3A, %convert_element_type3A_5, %dot_general3A {dimension_numbers = #tpu.dot_dimension_numbers<[1], [0], [0], [1], [0, 0, 1, 1], [], []>, transpose_lhs_hint = false} : vector<1024x16xbf16>, vector<16x64xbf16>, vector<1024x64xf32> -> vector<1024x64xf32>
    %get3A_7 = arith.constant 0 : index
    %get3A_8 = arith.constant 0 : index
    %get3A_9 = vector.load %arg2[%get3A_7, %get3A_8] : memref<1x64xf32, #tpu.memory_space<vmem>>, vector<1x64xf32>
    %add3A = vector.broadcast %get3A_9 : vector<1x64xf32> to vector<1024x64xf32>
    %add3A_10 = arith.addf %dot_general3A_6, %add3A : vector<1024x64xf32>
    %swap3A = arith.constant 0 : index
    %swap3A_11 = arith.constant 0 : index
    %swap3A_12 = vector.load %arg3[%swap3A, %swap3A_11] : memref<1024x64xf32, #tpu.memory_space<vmem>>, vector<1024x64xf32>
    tpu.vector_store %arg3[%swap3A, %swap3A_11], %add3A_10 {strides = array<i32>} : memref<1024x64xf32, #tpu.memory_space<vmem>>, vector<1024x64xf32>,
    %mul3A = arith.mulf %add3A_10, %add3A_10 : vector<1024x64xf32>
    %reduce_sum3A = arith.constant dense<0.000000e+00> : vector<1024xf32>
    %reduce_sum3A_13 = vector.multi_reduction <add>, %mul3A, %reduce_sum3A [1] : vector<1024x64xf32> to vector<1024xf32>
    %broadcast_in_dim3A = vector.shape_cast %reduce_sum3A_13 : vector<1024xf32> to vector<1024x1xf32>
    %sqrt3A = math.sqrt %broadcast_in_dim3A : vector<1024x1xf32>
    %add3A_14 = arith.constant 9.99999997E-7 : f32
    %add3A_15 = vector.broadcast %add3A_14 : f32 to vector<1024x1xf32>
    %add3A_16 = arith.addf %sqrt3A, %add3A_15 : vector<1024x1xf32>
    %div3A = vector.broadcast %add3A_16 : vector<1024x1xf32> to vector<1024x64xf32>
    %div3A_17 = arith.divf %add3A_10, %div3A : vector<1024x64xf32>
    %swap3A_18 = arith.constant 0 : index
    %swap3A_19 = arith.constant 0 : index
    %swap3A_20 = vector.load %arg4[%swap3A_18, %swap3A_19] : memref<1024x64xf32, #tpu.memory_space<vmem>>, vector<1024x64xf32>
    tpu.vector_store %arg4[%swap3A_18, %swap3A_19], %div3A_17 {strides = array<i32>} : memref<1024x64xf32, #tpu.memory_space<vmem>>, vector<1024x64xf32>,
    return
  }
}

module attributes {stable_mosaic.version = 14 : i64} {
  func.func @_argmax_body(%arg0: i32, %arg1: i32, %arg2: memref<1024x64xf32, #tpu.memory_space<vmem>>, %arg3: memref<2048x64xf32, #tpu.memory_space<vmem>>, %arg4: memref<1x1024x128xf32, #tpu.memory_space<vmem>>, %arg5: memref<1x1024x128xi32, #tpu.memory_space<vmem>>) attributes {dimension_semantics = [#tpu.dimension_semantics<parallel>, #tpu.dimension_semantics<arbitrary>], iteration_bounds = array<i64: 2, 25>, scalar_prefetch = 0 : i64, scratch_operands = 0 : i64, tpu.core_type = #tpu.core_type<tc>, window_params = [{pipeline_mode = #tpu.pipeline_mode<synchronous>, transform_indices = @transform_0, window_bounds = array<i64: 1024, 64>}, {transform_indices = @transform_1, window_bounds = array<i64: 2048, 64>}, {transform_indices = @transform_2, window_bounds = array<i64: 1, 1024, 128>}, {transform_indices = @transform_3, window_bounds = array<i64: 1, 1024, 128>}]} {
    %mul3A = arith.constant 25 : i32
    %mul3A_0 = arith.muli %arg0, %mul3A : i32
    %add3A = arith.addi %mul3A_0, %arg1 : i32
    %eq3A = arith.constant 0 : i32
    %eq3A_1 = arith.cmpi eq, %arg1, %eq3A : i32
    %convert_element_type3A = arith.extui %eq3A_1 : i1 to i32
    %cond3A = arith.constant 0 : i32
    %cond3A_2 = arith.cmpi ne, %convert_element_type3A, %cond3A : i32
    scf.if %cond3A_2 {
      %broadcast_in_dim3A_25 = arith.constant 0xFF800000 : f32
      %broadcast_in_dim3A_26 = vector.broadcast %broadcast_in_dim3A_25 : f32 to vector<1x1024x128xf32>
      %swap3A = arith.constant 0 : index
      %swap3A_27 = arith.constant 0 : index
      %swap3A_28 = arith.constant 0 : index
      %swap3A_29 = vector.load %arg4[%swap3A, %swap3A_27, %swap3A_28] : memref<1x1024x128xf32, #tpu.memory_space<vmem>>, vector<1x1024x128xf32>
      tpu.vector_store %arg4[%swap3A, %swap3A_27, %swap3A_28], %broadcast_in_dim3A_26 {strides = array<i32>} : memref<1x1024x128xf32, #tpu.memory_space<vmem>>, vector<1x1024x128xf32>,
      %broadcast_in_dim3A_30 = arith.constant 0 : i32
      %broadcast_in_dim3A_31 = vector.broadcast %broadcast_in_dim3A_30 : i32 to vector<1x1024x128xi32>
      %swap3A_32 = arith.constant 0 : index
      %swap3A_33 = arith.constant 0 : index
      %swap3A_34 = arith.constant 0 : index
      %swap3A_35 = vector.load %arg5[%swap3A_32, %swap3A_33, %swap3A_34] : memref<1x1024x128xi32, #tpu.memory_space<vmem>>, vector<1x1024x128xi32>
      tpu.vector_store %arg5[%swap3A_32, %swap3A_33, %swap3A_34], %broadcast_in_dim3A_31 {strides = array<i32>} : memref<1x1024x128xi32, #tpu.memory_space<vmem>>, vector<1x1024x128xi32>,
    } else {
    }
    %get3A = arith.constant 0 : index
    %get3A_3 = arith.constant 0 : index
    %get3A_4 = vector.load %arg3[%get3A, %get3A_3] : memref<2048x64xf32, #tpu.memory_space<vmem>>, vector<2048x64xf32>
    %mul3A_5 = arith.mulf %get3A_4, %get3A_4 : vector<2048x64xf32>
    %reduce_sum3A = arith.constant dense<0.000000e+00> : vector<2048xf32>
    %reduce_sum3A_6 = vector.multi_reduction <add>, %mul3A_5, %reduce_sum3A [1] : vector<2048x64xf32> to vector<2048xf32>
    %broadcast_in_dim3A = vector.shape_cast %reduce_sum3A_6 : vector<2048xf32> to vector<2048x1xf32>
    %sqrt3A = math.sqrt %broadcast_in_dim3A : vector<2048x1xf32>
    %add3A_7 = arith.constant 9.99999997E-7 : f32
    %add3A_8 = vector.broadcast %add3A_7 : f32 to vector<2048x1xf32>
    %add3A_9 = arith.addf %sqrt3A, %add3A_8 : vector<2048x1xf32>
    %div3A = vector.broadcast %add3A_9 : vector<2048x1xf32> to vector<2048x64xf32>
    %div3A_10 = arith.divf %get3A_4, %div3A : vector<2048x64xf32>
    %get3A_11 = arith.constant 0 : index
    %get3A_12 = arith.constant 0 : index
    %get3A_13 = vector.load %arg2[%get3A_11, %get3A_12] : memref<1024x64xf32, #tpu.memory_space<vmem>>, vector<1024x64xf32>
    %convert_element_type3A_14 = arith.truncf %get3A_13 : vector<1024x64xf32> to vector<1024x64xbf16>
    %convert_element_type3A_15 = arith.truncf %div3A_10 : vector<2048x64xf32> to vector<2048x64xbf16>
    %dot_general3A = arith.constant dense<0.000000e+00> : vector<1024x2048xf32>
    %dot_general3A_16 = tpu.matmul %convert_element_type3A_14, %convert_element_type3A_15, %dot_general3A {dimension_numbers = #tpu.dot_dimension_numbers<[1], [1], [0], [0], [0, 0, 1, 0], [], []>, transpose_lhs_hint = false} : vector<1024x64xbf16>, vector<2048x64xbf16>, vector<1024x2048xf32> -> vector<1024x2048xf32>
    %lt3A = arith.constant 48 : i32
    %lt3A_17 = arith.cmpi slt, %add3A, %lt3A : i32
    %convert_element_type3A_18 = arith.extui %lt3A_17 : i1 to i32
    %cond3A_19 = arith.constant 0 : i32
    %cond3A_20 = arith.cmpi ne, %convert_element_type3A_18, %cond3A_19 : i32
    scf.if %cond3A_20 {
      %get3A_25 = arith.constant 0 : index
      %get3A_26 = arith.constant 0 : index
      %get3A_27 = arith.constant 0 : index
      %get3A_28 = vector.load %arg4[%get3A_25, %get3A_26, %get3A_27] : memref<1x1024x128xf32, #tpu.memory_space<vmem>>, vector<1x1024x128xf32>
      %get3A_29 = vector.shape_cast %get3A_28 : vector<1x1024x128xf32> to vector<1024x128xf32>
      %get3A_30 = arith.constant 0 : index
      %get3A_31 = arith.constant 0 : index
      %get3A_32 = arith.constant 0 : index
      %get3A_33 = vector.load %arg5[%get3A_30, %get3A_31, %get3A_32] : memref<1x1024x128xi32, #tpu.memory_space<vmem>>, vector<1x1024x128xi32>
      %get3A_34 = vector.shape_cast %get3A_33 : vector<1x1024x128xi32> to vector<1024x128xi32>
      %slice3A = vector.extract_strided_slice %dot_general3A_16 {offsets = [0, 0], sizes = [1024, 128], strides = [1, 1]} : vector<1024x2048xf32> to vector<1024x128xf32>
      %mul3A_35 = arith.constant 2048 : i32
      %mul3A_36 = arith.muli %add3A, %mul3A_35 : i32
      %add3A_37 = arith.constant 0 : i32
      %add3A_38 = arith.addi %mul3A_36, %add3A_37 : i32
      %gt3A = arith.cmpf ogt, %slice3A, %get3A_29 : vector<1024x128xf32>
      %select_n3A = arith.select %gt3A, %slice3A, %get3A_29 : vector<1024x128xi1>, vector<1024x128xf32>
      %broadcast_in_dim3A_39 = vector.broadcast %add3A_38 : i32 to vector<1024x128xi32>
      %select_n3A_40 = arith.select %gt3A, %broadcast_in_dim3A_39, %get3A_34 : vector<1024x128xi1>, vector<1024x128xi32>
      %slice3A_41 = vector.extract_strided_slice %dot_general3A_16 {offsets = [0, 128], sizes = [1024, 128], strides = [1, 1]} : vector<1024x2048xf32> to vector<1024x128xf32>
      %mul3A_42 = arith.constant 2048 : i32
      %mul3A_43 = arith.muli %add3A, %mul3A_42 : i32
      %add3A_44 = arith.constant 128 : i32
      %add3A_45 = arith.addi %mul3A_43, %add3A_44 : i32
      %gt3A_46 = arith.cmpf ogt, %slice3A_41, %select_n3A : vector<1024x128xf32>
      %select_n3A_47 = arith.select %gt3A_46, %slice3A_41, %select_n3A : vector<1024x128xi1>, vector<1024x128xf32>
      %broadcast_in_dim3A_48 = vector.broadcast %add3A_45 : i32 to vector<1024x128xi32>
      %select_n3A_49 = arith.select %gt3A_46, %broadcast_in_dim3A_48, %select_n3A_40 : vector<1024x128xi1>, vector<1024x128xi32>
      %slice3A_50 = vector.extract_strided_slice %dot_general3A_16 {offsets = [0, 256], sizes = [1024, 128], strides = [1, 1]} : vector<1024x2048xf32> to vector<1024x128xf32>
      %mul3A_51 = arith.constant 2048 : i32
      %mul3A_52 = arith.muli %add3A, %mul3A_51 : i32
      %add3A_53 = arith.constant 256 : i32
      %add3A_54 = arith.addi %mul3A_52, %add3A_53 : i32
      %gt3A_55 = arith.cmpf ogt, %slice3A_50, %select_n3A_47 : vector<1024x128xf32>
      %select_n3A_56 = arith.select %gt3A_55, %slice3A_50, %select_n3A_47 : vector<1024x128xi1>, vector<1024x128xf32>
      %broadcast_in_dim3A_57 = vector.broadcast %add3A_54 : i32 to vector<1024x128xi32>
      %select_n3A_58 = arith.select %gt3A_55, %broadcast_in_dim3A_57, %select_n3A_49 : vector<1024x128xi1>, vector<1024x128xi32>
      %slice3A_59 = vector.extract_strided_slice %dot_general3A_16 {offsets = [0, 384], sizes = [1024, 128], strides = [1, 1]} : vector<1024x2048xf32> to vector<1024x128xf32>
      %mul3A_60 = arith.constant 2048 : i32
      %mul3A_61 = arith.muli %add3A, %mul3A_60 : i32
      %add3A_62 = arith.constant 384 : i32
      %add3A_63 = arith.addi %mul3A_61, %add3A_62 : i32
      %gt3A_64 = arith.cmpf ogt, %slice3A_59, %select_n3A_56 : vector<1024x128xf32>
      %select_n3A_65 = arith.select %gt3A_64, %slice3A_59, %select_n3A_56 : vector<1024x128xi1>, vector<1024x128xf32>
      %broadcast_in_dim3A_66 = vector.broadcast %add3A_63 : i32 to vector<1024x128xi32>
      %select_n3A_67 = arith.select %gt3A_64, %broadcast_in_dim3A_66, %select_n3A_58 : vector<1024x128xi1>, vector<1024x128xi32>
      %slice3A_68 = vector.extract_strided_slice %dot_general3A_16 {offsets = [0, 512], sizes = [1024, 128], strides = [1, 1]} : vector<1024x2048xf32> to vector<1024x128xf32>
      %mul3A_69 = arith.constant 2048 : i32
      %mul3A_70 = arith.muli %add3A, %mul3A_69 : i32
      %add3A_71 = arith.constant 512 : i32
      %add3A_72 = arith.addi %mul3A_70, %add3A_71 : i32
      %gt3A_73 = arith.cmpf ogt, %slice3A_68, %select_n3A_65 : vector<1024x128xf32>
      %select_n3A_74 = arith.select %gt3A_73, %slice3A_68, %select_n3A_65 : vector<1024x128xi1>, vector<1024x128xf32>
      %broadcast_in_dim3A_75 = vector.broadcast %add3A_72 : i32 to vector<1024x128xi32>
      %select_n3A_76 = arith.select %gt3A_73, %broadcast_in_dim3A_75, %select_n3A_67 : vector<1024x128xi1>, vector<1024x128xi32>
      %slice3A_77 = vector.extract_strided_slice %dot_general3A_16 {offsets = [0, 640], sizes = [1024, 128], strides = [1, 1]} : vector<1024x2048xf32> to vector<1024x128xf32>
      %mul3A_78 = arith.constant 2048 : i32
      %mul3A_79 = arith.muli %add3A, %mul3A_78 : i32
      %add3A_80 = arith.constant 640 : i32
      %add3A_81 = arith.addi %mul3A_79, %add3A_80 : i32
      %gt3A_82 = arith.cmpf ogt, %slice3A_77, %select_n3A_74 : vector<1024x128xf32>
      %select_n3A_83 = arith.select %gt3A_82, %slice3A_77, %select_n3A_74 : vector<1024x128xi1>, vector<1024x128xf32>
      %broadcast_in_dim3A_84 = vector.broadcast %add3A_81 : i32 to vector<1024x128xi32>
      %select_n3A_85 = arith.select %gt3A_82, %broadcast_in_dim3A_84, %select_n3A_76 : vector<1024x128xi1>, vector<1024x128xi32>
      %slice3A_86 = vector.extract_strided_slice %dot_general3A_16 {offsets = [0, 768], sizes = [1024, 128], strides = [1, 1]} : vector<1024x2048xf32> to vector<1024x128xf32>
      %mul3A_87 = arith.constant 2048 : i32
      %mul3A_88 = arith.muli %add3A, %mul3A_87 : i32
      %add3A_89 = arith.constant 768 : i32
      %add3A_90 = arith.addi %mul3A_88, %add3A_89 : i32
      %gt3A_91 = arith.cmpf ogt, %slice3A_86, %select_n3A_83 : vector<1024x128xf32>
      %select_n3A_92 = arith.select %gt3A_91, %slice3A_86, %select_n3A_83 : vector<1024x128xi1>, vector<1024x128xf32>
      %broadcast_in_dim3A_93 = vector.broadcast %add3A_90 : i32 to vector<1024x128xi32>
      %select_n3A_94 = arith.select %gt3A_91, %broadcast_in_dim3A_93, %select_n3A_85 : vector<1024x128xi1>, vector<1024x128xi32>
      %slice3A_95 = vector.extract_strided_slice %dot_general3A_16 {offsets = [0, 896], sizes = [1024, 128], strides = [1, 1]} : vector<1024x2048xf32> to vector<1024x128xf32>
      %mul3A_96 = arith.constant 2048 : i32
      %mul3A_97 = arith.muli %add3A, %mul3A_96 : i32
      %add3A_98 = arith.constant 896 : i32
      %add3A_99 = arith.addi %mul3A_97, %add3A_98 : i32
      %gt3A_100 = arith.cmpf ogt, %slice3A_95, %select_n3A_92 : vector<1024x128xf32>
      %select_n3A_101 = arith.select %gt3A_100, %slice3A_95, %select_n3A_92 : vector<1024x128xi1>, vector<1024x128xf32>
      %broadcast_in_dim3A_102 = vector.broadcast %add3A_99 : i32 to vector<1024x128xi32>
      %select_n3A_103 = arith.select %gt3A_100, %broadcast_in_dim3A_102, %select_n3A_94 : vector<1024x128xi1>, vector<1024x128xi32>
      %slice3A_104 = vector.extract_strided_slice %dot_general3A_16 {offsets = [0, 1024], sizes = [1024, 128], strides = [1, 1]} : vector<1024x2048xf32> to vector<1024x128xf32>
      %mul3A_105 = arith.constant 2048 : i32
      %mul3A_106 = arith.muli %add3A, %mul3A_105 : i32
      %add3A_107 = arith.constant 1024 : i32
      %add3A_108 = arith.addi %mul3A_106, %add3A_107 : i32
      %gt3A_109 = arith.cmpf ogt, %slice3A_104, %select_n3A_101 : vector<1024x128xf32>
      %select_n3A_110 = arith.select %gt3A_109, %slice3A_104, %select_n3A_101 : vector<1024x128xi1>, vector<1024x128xf32>
      %broadcast_in_dim3A_111 = vector.broadcast %add3A_108 : i32 to vector<1024x128xi32>
      %select_n3A_112 = arith.select %gt3A_109, %broadcast_in_dim3A_111, %select_n3A_103 : vector<1024x128xi1>, vector<1024x128xi32>
      %slice3A_113 = vector.extract_strided_slice %dot_general3A_16 {offsets = [0, 1152], sizes = [1024, 128], strides = [1, 1]} : vector<1024x2048xf32> to vector<1024x128xf32>
      %mul3A_114 = arith.constant 2048 : i32
      %mul3A_115 = arith.muli %add3A, %mul3A_114 : i32
      %add3A_116 = arith.constant 1152 : i32
      %add3A_117 = arith.addi %mul3A_115, %add3A_116 : i32
      %gt3A_118 = arith.cmpf ogt, %slice3A_113, %select_n3A_110 : vector<1024x128xf32>
      %select_n3A_119 = arith.select %gt3A_118, %slice3A_113, %select_n3A_110 : vector<1024x128xi1>, vector<1024x128xf32>
      %broadcast_in_dim3A_120 = vector.broadcast %add3A_117 : i32 to vector<1024x128xi32>
      %select_n3A_121 = arith.select %gt3A_118, %broadcast_in_dim3A_120, %select_n3A_112 : vector<1024x128xi1>, vector<1024x128xi32>
      %slice3A_122 = vector.extract_strided_slice %dot_general3A_16 {offsets = [0, 1280], sizes = [1024, 128], strides = [1, 1]} : vector<1024x2048xf32> to vector<1024x128xf32>
      %mul3A_123 = arith.constant 2048 : i32
      %mul3A_124 = arith.muli %add3A, %mul3A_123 : i32
      %add3A_125 = arith.constant 1280 : i32
      %add3A_126 = arith.addi %mul3A_124, %add3A_125 : i32
      %gt3A_127 = arith.cmpf ogt, %slice3A_122, %select_n3A_119 : vector<1024x128xf32>
      %select_n3A_128 = arith.select %gt3A_127, %slice3A_122, %select_n3A_119 : vector<1024x128xi1>, vector<1024x128xf32>
      %broadcast_in_dim3A_129 = vector.broadcast %add3A_126 : i32 to vector<1024x128xi32>
      %select_n3A_130 = arith.select %gt3A_127, %broadcast_in_dim3A_129, %select_n3A_121 : vector<1024x128xi1>, vector<1024x128xi32>
      %slice3A_131 = vector.extract_strided_slice %dot_general3A_16 {offsets = [0, 1408], sizes = [1024, 128], strides = [1, 1]} : vector<1024x2048xf32> to vector<1024x128xf32>
      %mul3A_132 = arith.constant 2048 : i32
      %mul3A_133 = arith.muli %add3A, %mul3A_132 : i32
      %add3A_134 = arith.constant 1408 : i32
      %add3A_135 = arith.addi %mul3A_133, %add3A_134 : i32
      %gt3A_136 = arith.cmpf ogt, %slice3A_131, %select_n3A_128 : vector<1024x128xf32>
      %select_n3A_137 = arith.select %gt3A_136, %slice3A_131, %select_n3A_128 : vector<1024x128xi1>, vector<1024x128xf32>
      %broadcast_in_dim3A_138 = vector.broadcast %add3A_135 : i32 to vector<1024x128xi32>
      %select_n3A_139 = arith.select %gt3A_136, %broadcast_in_dim3A_138, %select_n3A_130 : vector<1024x128xi1>, vector<1024x128xi32>
      %slice3A_140 = vector.extract_strided_slice %dot_general3A_16 {offsets = [0, 1536], sizes = [1024, 128], strides = [1, 1]} : vector<1024x2048xf32> to vector<1024x128xf32>
      %mul3A_141 = arith.constant 2048 : i32
      %mul3A_142 = arith.muli %add3A, %mul3A_141 : i32
      %add3A_143 = arith.constant 1536 : i32
      %add3A_144 = arith.addi %mul3A_142, %add3A_143 : i32
      %gt3A_145 = arith.cmpf ogt, %slice3A_140, %select_n3A_137 : vector<1024x128xf32>
      %select_n3A_146 = arith.select %gt3A_145, %slice3A_140, %select_n3A_137 : vector<1024x128xi1>, vector<1024x128xf32>
      %broadcast_in_dim3A_147 = vector.broadcast %add3A_144 : i32 to vector<1024x128xi32>
      %select_n3A_148 = arith.select %gt3A_145, %broadcast_in_dim3A_147, %select_n3A_139 : vector<1024x128xi1>, vector<1024x128xi32>
      %slice3A_149 = vector.extract_strided_slice %dot_general3A_16 {offsets = [0, 1664], sizes = [1024, 128], strides = [1, 1]} : vector<1024x2048xf32> to vector<1024x128xf32>
      %mul3A_150 = arith.constant 2048 : i32
      %mul3A_151 = arith.muli %add3A, %mul3A_150 : i32
      %add3A_152 = arith.constant 1664 : i32
      %add3A_153 = arith.addi %mul3A_151, %add3A_152 : i32
      %gt3A_154 = arith.cmpf ogt, %slice3A_149, %select_n3A_146 : vector<1024x128xf32>
      %select_n3A_155 = arith.select %gt3A_154, %slice3A_149, %select_n3A_146 : vector<1024x128xi1>, vector<1024x128xf32>
      %broadcast_in_dim3A_156 = vector.broadcast %add3A_153 : i32 to vector<1024x128xi32>
      %select_n3A_157 = arith.select %gt3A_154, %broadcast_in_dim3A_156, %select_n3A_148 : vector<1024x128xi1>, vector<1024x128xi32>
      %slice3A_158 = vector.extract_strided_slice %dot_general3A_16 {offsets = [0, 1792], sizes = [1024, 128], strides = [1, 1]} : vector<1024x2048xf32> to vector<1024x128xf32>
      %mul3A_159 = arith.constant 2048 : i32
      %mul3A_160 = arith.muli %add3A, %mul3A_159 : i32
      %add3A_161 = arith.constant 1792 : i32
      %add3A_162 = arith.addi %mul3A_160, %add3A_161 : i32
      %gt3A_163 = arith.cmpf ogt, %slice3A_158, %select_n3A_155 : vector<1024x128xf32>
      %select_n3A_164 = arith.select %gt3A_163, %slice3A_158, %select_n3A_155 : vector<1024x128xi1>, vector<1024x128xf32>
      %broadcast_in_dim3A_165 = vector.broadcast %add3A_162 : i32 to vector<1024x128xi32>
      %select_n3A_166 = arith.select %gt3A_163, %broadcast_in_dim3A_165, %select_n3A_157 : vector<1024x128xi1>, vector<1024x128xi32>
      %slice3A_167 = vector.extract_strided_slice %dot_general3A_16 {offsets = [0, 1920], sizes = [1024, 128], strides = [1, 1]} : vector<1024x2048xf32> to vector<1024x128xf32>
      %mul3A_168 = arith.constant 2048 : i32
      %mul3A_169 = arith.muli %add3A, %mul3A_168 : i32
      %add3A_170 = arith.constant 1920 : i32
      %add3A_171 = arith.addi %mul3A_169, %add3A_170 : i32
      %gt3A_172 = arith.cmpf ogt, %slice3A_167, %select_n3A_164 : vector<1024x128xf32>
      %select_n3A_173 = arith.select %gt3A_172, %slice3A_167, %select_n3A_164 : vector<1024x128xi1>, vector<1024x128xf32>
      %broadcast_in_dim3A_174 = vector.broadcast %add3A_171 : i32 to vector<1024x128xi32>
      %select_n3A_175 = arith.select %gt3A_172, %broadcast_in_dim3A_174, %select_n3A_166 : vector<1024x128xi1>, vector<1024x128xi32>
      %swap3A = arith.constant 0 : index
      %swap3A_176 = arith.constant 0 : index
      %swap3A_177 = arith.constant 0 : index
      %swap3A_178 = vector.load %arg4[%swap3A, %swap3A_176, %swap3A_177] : memref<1x1024x128xf32, #tpu.memory_space<vmem>>, vector<1x1024x128xf32>
      %swap3A_179 = vector.shape_cast %swap3A_178 : vector<1x1024x128xf32> to vector<1024x128xf32>
      %swap3A_180 = vector.shape_cast %select_n3A_173 : vector<1024x128xf32> to vector<1x1024x128xf32>
      tpu.vector_store %arg4[%swap3A, %swap3A_176, %swap3A_177], %swap3A_180 {strides = array<i32>} : memref<1x1024x128xf32, #tpu.memory_space<vmem>>, vector<1x1024x128xf32>,
      %swap3A_181 = arith.constant 0 : index
      %swap3A_182 = arith.constant 0 : index
      %swap3A_183 = arith.constant 0 : index
      %swap3A_184 = vector.load %arg5[%swap3A_181, %swap3A_182, %swap3A_183] : memref<1x1024x128xi32, #tpu.memory_space<vmem>>, vector<1x1024x128xi32>
      %swap3A_185 = vector.shape_cast %swap3A_184 : vector<1x1024x128xi32> to vector<1024x128xi32>
      %swap3A_186 = vector.shape_cast %select_n3A_175 : vector<1024x128xi32> to vector<1x1024x128xi32>
      tpu.vector_store %arg5[%swap3A_181, %swap3A_182, %swap3A_183], %swap3A_186 {strides = array<i32>} : memref<1x1024x128xi32, #tpu.memory_space<vmem>>, vector<1x1024x128xi32>,
    } else {
    }
    %ge3A = arith.constant 48 : i32
    %ge3A_21 = arith.cmpi sge, %add3A, %ge3A : i32
    %convert_element_type3A_22 = arith.extui %ge3A_21 : i1 to i32
    %cond3A_23 = arith.constant 0 : i32
    %cond3A_24 = arith.cmpi ne, %convert_element_type3A_22, %cond3A_23 : i32
    scf.if %cond3A_24 {
      %get3A_25 = arith.constant 0 : index
      %get3A_26 = arith.constant 0 : index
      %get3A_27 = arith.constant 0 : index
      %get3A_28 = vector.load %arg4[%get3A_25, %get3A_26, %get3A_27] : memref<1x1024x128xf32, #tpu.memory_space<vmem>>, vector<1x1024x128xf32>
      %get3A_29 = vector.shape_cast %get3A_28 : vector<1x1024x128xf32> to vector<1024x128xf32>
      %get3A_30 = arith.constant 0 : index
      %get3A_31 = arith.constant 0 : index
      %get3A_32 = arith.constant 0 : index
      %get3A_33 = vector.load %arg5[%get3A_30, %get3A_31, %get3A_32] : memref<1x1024x128xi32, #tpu.memory_space<vmem>>, vector<1x1024x128xi32>
      %get3A_34 = vector.shape_cast %get3A_33 : vector<1x1024x128xi32> to vector<1024x128xi32>
      %iota3A = tpu.iota {dimensions = array<i32: 1>} : vector<1024x128xi32>
      %slice3A = vector.extract_strided_slice %dot_general3A_16 {offsets = [0, 0], sizes = [1024, 128], strides = [1, 1]} : vector<1024x2048xf32> to vector<1024x128xf32>
      %mul3A_35 = arith.constant 2048 : i32
      %mul3A_36 = arith.muli %add3A, %mul3A_35 : i32
      %add3A_37 = arith.constant 0 : i32
      %add3A_38 = arith.addi %mul3A_36, %add3A_37 : i32
      %gt3A = arith.cmpf ogt, %slice3A, %get3A_29 : vector<1024x128xf32>
      %add3A_39 = vector.broadcast %add3A_38 : i32 to vector<1024x128xi32>
      %add3A_40 = arith.addi %add3A_39, %iota3A : vector<1024x128xi32>
      %lt3A_41 = arith.constant 100000 : i32
      %lt3A_42 = vector.broadcast %lt3A_41 : i32 to vector<1024x128xi32>
      %lt3A_43 = arith.cmpi slt, %add3A_40, %lt3A_42 : vector<1024x128xi32>
      %and3A = arith.andi %gt3A, %lt3A_43 : vector<1024x128xi1>
      %select_n3A = arith.select %and3A, %slice3A, %get3A_29 : vector<1024x128xi1>, vector<1024x128xf32>
      %broadcast_in_dim3A_44 = vector.broadcast %add3A_38 : i32 to vector<1024x128xi32>
      %select_n3A_45 = arith.select %and3A, %broadcast_in_dim3A_44, %get3A_34 : vector<1024x128xi1>, vector<1024x128xi32>
      %slice3A_46 = vector.extract_strided_slice %dot_general3A_16 {offsets = [0, 128], sizes = [1024, 128], strides = [1, 1]} : vector<1024x2048xf32> to vector<1024x128xf32>
      %mul3A_47 = arith.constant 2048 : i32
      %mul3A_48 = arith.muli %add3A, %mul3A_47 : i32
      %add3A_49 = arith.constant 128 : i32
      %add3A_50 = arith.addi %mul3A_48, %add3A_49 : i32
      %gt3A_51 = arith.cmpf ogt, %slice3A_46, %select_n3A : vector<1024x128xf32>
      %add3A_52 = vector.broadcast %add3A_50 : i32 to vector<1024x128xi32>
      %add3A_53 = arith.addi %add3A_52, %iota3A : vector<1024x128xi32>
      %lt3A_54 = arith.constant 100000 : i32
      %lt3A_55 = vector.broadcast %lt3A_54 : i32 to vector<1024x128xi32>
      %lt3A_56 = arith.cmpi slt, %add3A_53, %lt3A_55 : vector<1024x128xi32>
      %and3A_57 = arith.andi %gt3A_51, %lt3A_56 : vector<1024x128xi1>
      %select_n3A_58 = arith.select %and3A_57, %slice3A_46, %select_n3A : vector<1024x128xi1>, vector<1024x128xf32>
      %broadcast_in_dim3A_59 = vector.broadcast %add3A_50 : i32 to vector<1024x128xi32>
      %select_n3A_60 = arith.select %and3A_57, %broadcast_in_dim3A_59, %select_n3A_45 : vector<1024x128xi1>, vector<1024x128xi32>
      %slice3A_61 = vector.extract_strided_slice %dot_general3A_16 {offsets = [0, 256], sizes = [1024, 128], strides = [1, 1]} : vector<1024x2048xf32> to vector<1024x128xf32>
      %mul3A_62 = arith.constant 2048 : i32
      %mul3A_63 = arith.muli %add3A, %mul3A_62 : i32
      %add3A_64 = arith.constant 256 : i32
      %add3A_65 = arith.addi %mul3A_63, %add3A_64 : i32
      %gt3A_66 = arith.cmpf ogt, %slice3A_61, %select_n3A_58 : vector<1024x128xf32>
      %add3A_67 = vector.broadcast %add3A_65 : i32 to vector<1024x128xi32>
      %add3A_68 = arith.addi %add3A_67, %iota3A : vector<1024x128xi32>
      %lt3A_69 = arith.constant 100000 : i32
      %lt3A_70 = vector.broadcast %lt3A_69 : i32 to vector<1024x128xi32>
      %lt3A_71 = arith.cmpi slt, %add3A_68, %lt3A_70 : vector<1024x128xi32>
      %and3A_72 = arith.andi %gt3A_66, %lt3A_71 : vector<1024x128xi1>
      %select_n3A_73 = arith.select %and3A_72, %slice3A_61, %select_n3A_58 : vector<1024x128xi1>, vector<1024x128xf32>
      %broadcast_in_dim3A_74 = vector.broadcast %add3A_65 : i32 to vector<1024x128xi32>
      %select_n3A_75 = arith.select %and3A_72, %broadcast_in_dim3A_74, %select_n3A_60 : vector<1024x128xi1>, vector<1024x128xi32>
      %slice3A_76 = vector.extract_strided_slice %dot_general3A_16 {offsets = [0, 384], sizes = [1024, 128], strides = [1, 1]} : vector<1024x2048xf32> to vector<1024x128xf32>
      %mul3A_77 = arith.constant 2048 : i32
      %mul3A_78 = arith.muli %add3A, %mul3A_77 : i32
      %add3A_79 = arith.constant 384 : i32
      %add3A_80 = arith.addi %mul3A_78, %add3A_79 : i32
      %gt3A_81 = arith.cmpf ogt, %slice3A_76, %select_n3A_73 : vector<1024x128xf32>
      %add3A_82 = vector.broadcast %add3A_80 : i32 to vector<1024x128xi32>
      %add3A_83 = arith.addi %add3A_82, %iota3A : vector<1024x128xi32>
      %lt3A_84 = arith.constant 100000 : i32
      %lt3A_85 = vector.broadcast %lt3A_84 : i32 to vector<1024x128xi32>
      %lt3A_86 = arith.cmpi slt, %add3A_83, %lt3A_85 : vector<1024x128xi32>
      %and3A_87 = arith.andi %gt3A_81, %lt3A_86 : vector<1024x128xi1>
      %select_n3A_88 = arith.select %and3A_87, %slice3A_76, %select_n3A_73 : vector<1024x128xi1>, vector<1024x128xf32>
      %broadcast_in_dim3A_89 = vector.broadcast %add3A_80 : i32 to vector<1024x128xi32>
      %select_n3A_90 = arith.select %and3A_87, %broadcast_in_dim3A_89, %select_n3A_75 : vector<1024x128xi1>, vector<1024x128xi32>
      %slice3A_91 = vector.extract_strided_slice %dot_general3A_16 {offsets = [0, 512], sizes = [1024, 128], strides = [1, 1]} : vector<1024x2048xf32> to vector<1024x128xf32>
      %mul3A_92 = arith.constant 2048 : i32
      %mul3A_93 = arith.muli %add3A, %mul3A_92 : i32
      %add3A_94 = arith.constant 512 : i32
      %add3A_95 = arith.addi %mul3A_93, %add3A_94 : i32
      %gt3A_96 = arith.cmpf ogt, %slice3A_91, %select_n3A_88 : vector<1024x128xf32>
      %add3A_97 = vector.broadcast %add3A_95 : i32 to vector<1024x128xi32>
      %add3A_98 = arith.addi %add3A_97, %iota3A : vector<1024x128xi32>
      %lt3A_99 = arith.constant 100000 : i32
      %lt3A_100 = vector.broadcast %lt3A_99 : i32 to vector<1024x128xi32>
      %lt3A_101 = arith.cmpi slt, %add3A_98, %lt3A_100 : vector<1024x128xi32>
      %and3A_102 = arith.andi %gt3A_96, %lt3A_101 : vector<1024x128xi1>
      %select_n3A_103 = arith.select %and3A_102, %slice3A_91, %select_n3A_88 : vector<1024x128xi1>, vector<1024x128xf32>
      %broadcast_in_dim3A_104 = vector.broadcast %add3A_95 : i32 to vector<1024x128xi32>
      %select_n3A_105 = arith.select %and3A_102, %broadcast_in_dim3A_104, %select_n3A_90 : vector<1024x128xi1>, vector<1024x128xi32>
      %slice3A_106 = vector.extract_strided_slice %dot_general3A_16 {offsets = [0, 640], sizes = [1024, 128], strides = [1, 1]} : vector<1024x2048xf32> to vector<1024x128xf32>
      %mul3A_107 = arith.constant 2048 : i32
      %mul3A_108 = arith.muli %add3A, %mul3A_107 : i32
      %add3A_109 = arith.constant 640 : i32
      %add3A_110 = arith.addi %mul3A_108, %add3A_109 : i32
      %gt3A_111 = arith.cmpf ogt, %slice3A_106, %select_n3A_103 : vector<1024x128xf32>
      %add3A_112 = vector.broadcast %add3A_110 : i32 to vector<1024x128xi32>
      %add3A_113 = arith.addi %add3A_112, %iota3A : vector<1024x128xi32>
      %lt3A_114 = arith.constant 100000 : i32
      %lt3A_115 = vector.broadcast %lt3A_114 : i32 to vector<1024x128xi32>
      %lt3A_116 = arith.cmpi slt, %add3A_113, %lt3A_115 : vector<1024x128xi32>
      %and3A_117 = arith.andi %gt3A_111, %lt3A_116 : vector<1024x128xi1>
      %select_n3A_118 = arith.select %and3A_117, %slice3A_106, %select_n3A_103 : vector<1024x128xi1>, vector<1024x128xf32>
      %broadcast_in_dim3A_119 = vector.broadcast %add3A_110 : i32 to vector<1024x128xi32>
      %select_n3A_120 = arith.select %and3A_117, %broadcast_in_dim3A_119, %select_n3A_105 : vector<1024x128xi1>, vector<1024x128xi32>
      %slice3A_121 = vector.extract_strided_slice %dot_general3A_16 {offsets = [0, 768], sizes = [1024, 128], strides = [1, 1]} : vector<1024x2048xf32> to vector<1024x128xf32>
      %mul3A_122 = arith.constant 2048 : i32
      %mul3A_123 = arith.muli %add3A, %mul3A_122 : i32
      %add3A_124 = arith.constant 768 : i32
      %add3A_125 = arith.addi %mul3A_123, %add3A_124 : i32
      %gt3A_126 = arith.cmpf ogt, %slice3A_121, %select_n3A_118 : vector<1024x128xf32>
      %add3A_127 = vector.broadcast %add3A_125 : i32 to vector<1024x128xi32>
      %add3A_128 = arith.addi %add3A_127, %iota3A : vector<1024x128xi32>
      %lt3A_129 = arith.constant 100000 : i32
      %lt3A_130 = vector.broadcast %lt3A_129 : i32 to vector<1024x128xi32>
      %lt3A_131 = arith.cmpi slt, %add3A_128, %lt3A_130 : vector<1024x128xi32>
      %and3A_132 = arith.andi %gt3A_126, %lt3A_131 : vector<1024x128xi1>
      %select_n3A_133 = arith.select %and3A_132, %slice3A_121, %select_n3A_118 : vector<1024x128xi1>, vector<1024x128xf32>
      %broadcast_in_dim3A_134 = vector.broadcast %add3A_125 : i32 to vector<1024x128xi32>
      %select_n3A_135 = arith.select %and3A_132, %broadcast_in_dim3A_134, %select_n3A_120 : vector<1024x128xi1>, vector<1024x128xi32>
      %slice3A_136 = vector.extract_strided_slice %dot_general3A_16 {offsets = [0, 896], sizes = [1024, 128], strides = [1, 1]} : vector<1024x2048xf32> to vector<1024x128xf32>
      %mul3A_137 = arith.constant 2048 : i32
      %mul3A_138 = arith.muli %add3A, %mul3A_137 : i32
      %add3A_139 = arith.constant 896 : i32
      %add3A_140 = arith.addi %mul3A_138, %add3A_139 : i32
      %gt3A_141 = arith.cmpf ogt, %slice3A_136, %select_n3A_133 : vector<1024x128xf32>
      %add3A_142 = vector.broadcast %add3A_140 : i32 to vector<1024x128xi32>
      %add3A_143 = arith.addi %add3A_142, %iota3A : vector<1024x128xi32>
      %lt3A_144 = arith.constant 100000 : i32
      %lt3A_145 = vector.broadcast %lt3A_144 : i32 to vector<1024x128xi32>
      %lt3A_146 = arith.cmpi slt, %add3A_143, %lt3A_145 : vector<1024x128xi32>
      %and3A_147 = arith.andi %gt3A_141, %lt3A_146 : vector<1024x128xi1>
      %select_n3A_148 = arith.select %and3A_147, %slice3A_136, %select_n3A_133 : vector<1024x128xi1>, vector<1024x128xf32>
      %broadcast_in_dim3A_149 = vector.broadcast %add3A_140 : i32 to vector<1024x128xi32>
      %select_n3A_150 = arith.select %and3A_147, %broadcast_in_dim3A_149, %select_n3A_135 : vector<1024x128xi1>, vector<1024x128xi32>
      %slice3A_151 = vector.extract_strided_slice %dot_general3A_16 {offsets = [0, 1024], sizes = [1024, 128], strides = [1, 1]} : vector<1024x2048xf32> to vector<1024x128xf32>
      %mul3A_152 = arith.constant 2048 : i32
      %mul3A_153 = arith.muli %add3A, %mul3A_152 : i32
      %add3A_154 = arith.constant 1024 : i32
      %add3A_155 = arith.addi %mul3A_153, %add3A_154 : i32
      %gt3A_156 = arith.cmpf ogt, %slice3A_151, %select_n3A_148 : vector<1024x128xf32>
      %add3A_157 = vector.broadcast %add3A_155 : i32 to vector<1024x128xi32>
      %add3A_158 = arith.addi %add3A_157, %iota3A : vector<1024x128xi32>
      %lt3A_159 = arith.constant 100000 : i32
      %lt3A_160 = vector.broadcast %lt3A_159 : i32 to vector<1024x128xi32>
      %lt3A_161 = arith.cmpi slt, %add3A_158, %lt3A_160 : vector<1024x128xi32>
      %and3A_162 = arith.andi %gt3A_156, %lt3A_161 : vector<1024x128xi1>
      %select_n3A_163 = arith.select %and3A_162, %slice3A_151, %select_n3A_148 : vector<1024x128xi1>, vector<1024x128xf32>
      %broadcast_in_dim3A_164 = vector.broadcast %add3A_155 : i32 to vector<1024x128xi32>
      %select_n3A_165 = arith.select %and3A_162, %broadcast_in_dim3A_164, %select_n3A_150 : vector<1024x128xi1>, vector<1024x128xi32>
      %slice3A_166 = vector.extract_strided_slice %dot_general3A_16 {offsets = [0, 1152], sizes = [1024, 128], strides = [1, 1]} : vector<1024x2048xf32> to vector<1024x128xf32>
      %mul3A_167 = arith.constant 2048 : i32
      %mul3A_168 = arith.muli %add3A, %mul3A_167 : i32
      %add3A_169 = arith.constant 1152 : i32
      %add3A_170 = arith.addi %mul3A_168, %add3A_169 : i32
      %gt3A_171 = arith.cmpf ogt, %slice3A_166, %select_n3A_163 : vector<1024x128xf32>
      %add3A_172 = vector.broadcast %add3A_170 : i32 to vector<1024x128xi32>
      %add3A_173 = arith.addi %add3A_172, %iota3A : vector<1024x128xi32>
      %lt3A_174 = arith.constant 100000 : i32
      %lt3A_175 = vector.broadcast %lt3A_174 : i32 to vector<1024x128xi32>
      %lt3A_176 = arith.cmpi slt, %add3A_173, %lt3A_175 : vector<1024x128xi32>
      %and3A_177 = arith.andi %gt3A_171, %lt3A_176 : vector<1024x128xi1>
      %select_n3A_178 = arith.select %and3A_177, %slice3A_166, %select_n3A_163 : vector<1024x128xi1>, vector<1024x128xf32>
      %broadcast_in_dim3A_179 = vector.broadcast %add3A_170 : i32 to vector<1024x128xi32>
      %select_n3A_180 = arith.select %and3A_177, %broadcast_in_dim3A_179, %select_n3A_165 : vector<1024x128xi1>, vector<1024x128xi32>
      %slice3A_181 = vector.extract_strided_slice %dot_general3A_16 {offsets = [0, 1280], sizes = [1024, 128], strides = [1, 1]} : vector<1024x2048xf32> to vector<1024x128xf32>
      %mul3A_182 = arith.constant 2048 : i32
      %mul3A_183 = arith.muli %add3A, %mul3A_182 : i32
      %add3A_184 = arith.constant 1280 : i32
      %add3A_185 = arith.addi %mul3A_183, %add3A_184 : i32
      %gt3A_186 = arith.cmpf ogt, %slice3A_181, %select_n3A_178 : vector<1024x128xf32>
      %add3A_187 = vector.broadcast %add3A_185 : i32 to vector<1024x128xi32>
      %add3A_188 = arith.addi %add3A_187, %iota3A : vector<1024x128xi32>
      %lt3A_189 = arith.constant 100000 : i32
      %lt3A_190 = vector.broadcast %lt3A_189 : i32 to vector<1024x128xi32>
      %lt3A_191 = arith.cmpi slt, %add3A_188, %lt3A_190 : vector<1024x128xi32>
      %and3A_192 = arith.andi %gt3A_186, %lt3A_191 : vector<1024x128xi1>
      %select_n3A_193 = arith.select %and3A_192, %slice3A_181, %select_n3A_178 : vector<1024x128xi1>, vector<1024x128xf32>
      %broadcast_in_dim3A_194 = vector.broadcast %add3A_185 : i32 to vector<1024x128xi32>
      %select_n3A_195 = arith.select %and3A_192, %broadcast_in_dim3A_194, %select_n3A_180 : vector<1024x128xi1>, vector<1024x128xi32>
      %slice3A_196 = vector.extract_strided_slice %dot_general3A_16 {offsets = [0, 1408], sizes = [1024, 128], strides = [1, 1]} : vector<1024x2048xf32> to vector<1024x128xf32>
      %mul3A_197 = arith.constant 2048 : i32
      %mul3A_198 = arith.muli %add3A, %mul3A_197 : i32
      %add3A_199 = arith.constant 1408 : i32
      %add3A_200 = arith.addi %mul3A_198, %add3A_199 : i32
      %gt3A_201 = arith.cmpf ogt, %slice3A_196, %select_n3A_193 : vector<1024x128xf32>
      %add3A_202 = vector.broadcast %add3A_200 : i32 to vector<1024x128xi32>
      %add3A_203 = arith.addi %add3A_202, %iota3A : vector<1024x128xi32>
      %lt3A_204 = arith.constant 100000 : i32
      %lt3A_205 = vector.broadcast %lt3A_204 : i32 to vector<1024x128xi32>
      %lt3A_206 = arith.cmpi slt, %add3A_203, %lt3A_205 : vector<1024x128xi32>
      %and3A_207 = arith.andi %gt3A_201, %lt3A_206 : vector<1024x128xi1>
      %select_n3A_208 = arith.select %and3A_207, %slice3A_196, %select_n3A_193 : vector<1024x128xi1>, vector<1024x128xf32>
      %broadcast_in_dim3A_209 = vector.broadcast %add3A_200 : i32 to vector<1024x128xi32>
      %select_n3A_210 = arith.select %and3A_207, %broadcast_in_dim3A_209, %select_n3A_195 : vector<1024x128xi1>, vector<1024x128xi32>
      %slice3A_211 = vector.extract_strided_slice %dot_general3A_16 {offsets = [0, 1536], sizes = [1024, 128], strides = [1, 1]} : vector<1024x2048xf32> to vector<1024x128xf32>
      %mul3A_212 = arith.constant 2048 : i32
      %mul3A_213 = arith.muli %add3A, %mul3A_212 : i32
      %add3A_214 = arith.constant 1536 : i32
      %add3A_215 = arith.addi %mul3A_213, %add3A_214 : i32
      %gt3A_216 = arith.cmpf ogt, %slice3A_211, %select_n3A_208 : vector<1024x128xf32>
      %add3A_217 = vector.broadcast %add3A_215 : i32 to vector<1024x128xi32>
      %add3A_218 = arith.addi %add3A_217, %iota3A : vector<1024x128xi32>
      %lt3A_219 = arith.constant 100000 : i32
      %lt3A_220 = vector.broadcast %lt3A_219 : i32 to vector<1024x128xi32>
      %lt3A_221 = arith.cmpi slt, %add3A_218, %lt3A_220 : vector<1024x128xi32>
      %and3A_222 = arith.andi %gt3A_216, %lt3A_221 : vector<1024x128xi1>
      %select_n3A_223 = arith.select %and3A_222, %slice3A_211, %select_n3A_208 : vector<1024x128xi1>, vector<1024x128xf32>
      %broadcast_in_dim3A_224 = vector.broadcast %add3A_215 : i32 to vector<1024x128xi32>
      %select_n3A_225 = arith.select %and3A_222, %broadcast_in_dim3A_224, %select_n3A_210 : vector<1024x128xi1>, vector<1024x128xi32>
      %slice3A_226 = vector.extract_strided_slice %dot_general3A_16 {offsets = [0, 1664], sizes = [1024, 128], strides = [1, 1]} : vector<1024x2048xf32> to vector<1024x128xf32>
      %mul3A_227 = arith.constant 2048 : i32
      %mul3A_228 = arith.muli %add3A, %mul3A_227 : i32
      %add3A_229 = arith.constant 1664 : i32
      %add3A_230 = arith.addi %mul3A_228, %add3A_229 : i32
      %gt3A_231 = arith.cmpf ogt, %slice3A_226, %select_n3A_223 : vector<1024x128xf32>
      %add3A_232 = vector.broadcast %add3A_230 : i32 to vector<1024x128xi32>
      %add3A_233 = arith.addi %add3A_232, %iota3A : vector<1024x128xi32>
      %lt3A_234 = arith.constant 100000 : i32
      %lt3A_235 = vector.broadcast %lt3A_234 : i32 to vector<1024x128xi32>
      %lt3A_236 = arith.cmpi slt, %add3A_233, %lt3A_235 : vector<1024x128xi32>
      %and3A_237 = arith.andi %gt3A_231, %lt3A_236 : vector<1024x128xi1>
      %select_n3A_238 = arith.select %and3A_237, %slice3A_226, %select_n3A_223 : vector<1024x128xi1>, vector<1024x128xf32>
      %broadcast_in_dim3A_239 = vector.broadcast %add3A_230 : i32 to vector<1024x128xi32>
      %select_n3A_240 = arith.select %and3A_237, %broadcast_in_dim3A_239, %select_n3A_225 : vector<1024x128xi1>, vector<1024x128xi32>
      %slice3A_241 = vector.extract_strided_slice %dot_general3A_16 {offsets = [0, 1792], sizes = [1024, 128], strides = [1, 1]} : vector<1024x2048xf32> to vector<1024x128xf32>
      %mul3A_242 = arith.constant 2048 : i32
      %mul3A_243 = arith.muli %add3A, %mul3A_242 : i32
      %add3A_244 = arith.constant 1792 : i32
      %add3A_245 = arith.addi %mul3A_243, %add3A_244 : i32
      %gt3A_246 = arith.cmpf ogt, %slice3A_241, %select_n3A_238 : vector<1024x128xf32>
      %add3A_247 = vector.broadcast %add3A_245 : i32 to vector<1024x128xi32>
      %add3A_248 = arith.addi %add3A_247, %iota3A : vector<1024x128xi32>
      %lt3A_249 = arith.constant 100000 : i32
      %lt3A_250 = vector.broadcast %lt3A_249 : i32 to vector<1024x128xi32>
      %lt3A_251 = arith.cmpi slt, %add3A_248, %lt3A_250 : vector<1024x128xi32>
      %and3A_252 = arith.andi %gt3A_246, %lt3A_251 : vector<1024x128xi1>
      %select_n3A_253 = arith.select %and3A_252, %slice3A_241, %select_n3A_238 : vector<1024x128xi1>, vector<1024x128xf32>
      %broadcast_in_dim3A_254 = vector.broadcast %add3A_245 : i32 to vector<1024x128xi32>
      %select_n3A_255 = arith.select %and3A_252, %broadcast_in_dim3A_254, %select_n3A_240 : vector<1024x128xi1>, vector<1024x128xi32>
      %slice3A_256 = vector.extract_strided_slice %dot_general3A_16 {offsets = [0, 1920], sizes = [1024, 128], strides = [1, 1]} : vector<1024x2048xf32> to vector<1024x128xf32>
      %mul3A_257 = arith.constant 2048 : i32
      %mul3A_258 = arith.muli %add3A, %mul3A_257 : i32
      %add3A_259 = arith.constant 1920 : i32
      %add3A_260 = arith.addi %mul3A_258, %add3A_259 : i32
      %gt3A_261 = arith.cmpf ogt, %slice3A_256, %select_n3A_253 : vector<1024x128xf32>
      %add3A_262 = vector.broadcast %add3A_260 : i32 to vector<1024x128xi32>
      %add3A_263 = arith.addi %add3A_262, %iota3A : vector<1024x128xi32>
      %lt3A_264 = arith.constant 100000 : i32
      %lt3A_265 = vector.broadcast %lt3A_264 : i32 to vector<1024x128xi32>
      %lt3A_266 = arith.cmpi slt, %add3A_263, %lt3A_265 : vector<1024x128xi32>
      %and3A_267 = arith.andi %gt3A_261, %lt3A_266 : vector<1024x128xi1>
      %select_n3A_268 = arith.select %and3A_267, %slice3A_256, %select_n3A_253 : vector<1024x128xi1>, vector<1024x128xf32>
      %broadcast_in_dim3A_269 = vector.broadcast %add3A_260 : i32 to vector<1024x128xi32>
      %select_n3A_270 = arith.select %and3A_267, %broadcast_in_dim3A_269, %select_n3A_255 : vector<1024x128xi1>, vector<1024x128xi32>
      %swap3A = arith.constant 0 : index
      %swap3A_271 = arith.constant 0 : index
      %swap3A_272 = arith.constant 0 : index
      %swap3A_273 = vector.load %arg4[%swap3A, %swap3A_271, %swap3A_272] : memref<1x1024x128xf32, #tpu.memory_space<vmem>>, vector<1x1024x128xf32>
      %swap3A_274 = vector.shape_cast %swap3A_273 : vector<1x1024x128xf32> to vector<1024x128xf32>
      %swap3A_275 = vector.shape_cast %select_n3A_268 : vector<1024x128xf32> to vector<1x1024x128xf32>
      tpu.vector_store %arg4[%swap3A, %swap3A_271, %swap3A_272], %swap3A_275 {strides = array<i32>} : memref<1x1024x128xf32, #tpu.memory_space<vmem>>, vector<1x1024x128xf32>,
      %swap3A_276 = arith.constant 0 : index
      %swap3A_277 = arith.constant 0 : index
      %swap3A_278 = arith.constant 0 : index
      %swap3A_279 = vector.load %arg5[%swap3A_276, %swap3A_277, %swap3A_278] : memref<1x1024x128xi32, #tpu.memory_space<vmem>>, vector<1x1024x128xi32>
      %swap3A_280 = vector.shape_cast %swap3A_279 : vector<1x1024x128xi32> to vector<1024x128xi32>
      %swap3A_281 = vector.shape_cast %select_n3A_270 : vector<1024x128xi32> to vector<1x1024x128xi32>
      tpu.vector_store %arg5[%swap3A_276, %swap3A_277, %swap3A_278], %swap3A_281 {strides = array<i32>} : memref<1x1024x128xi32, #tpu.memory_space<vmem>>, vector<1x1024x128xi32>,
    } else {
    }
    return
  }
  func.func @transform_0(%arg0: i32, %arg1: i32) -> (i32, i32) {
    %c0_i32 = arith.constant 0 : i32
    %c0_i32_0 = arith.constant 0 : i32
    %c0_i32_1 = arith.constant 0 : i32
    return %c0_i32, %c0_i32_0 : i32, i32
  }
  func.func @transform_1(%arg0: i32, %arg1: i32) -> (i32, i32) {
    %mul3A = arith.constant 25 : i32
    %mul3A_0 = arith.muli %arg0, %mul3A : i32
    %add3A = arith.addi %mul3A_0, %arg1 : i32
    %min3A = arith.constant 48 : i32
    %min3A_1 = arith.minsi %add3A, %min3A : i32
    %c0_i32 = arith.constant 0 : i32
    %c0_i32_2 = arith.constant 0 : i32
    return %min3A_1, %c0_i32 : i32, i32
  }
  func.func @transform_2(%arg0: i32, %arg1: i32) -> (i32, i32, i32) {
    %c0_i32 = arith.constant 0 : i32
    %c0_i32_0 = arith.constant 0 : i32
    %c0_i32_1 = arith.constant 0 : i32
    return %arg0, %c0_i32, %c0_i32_0 : i32, i32, i32
  }
  func.func @transform_3(%arg0: i32, %arg1: i32) -> (i32, i32, i32) {
    %c0_i32 = arith.constant 0 : i32
    %c0_i32_0 = arith.constant 0 : i32
    %c0_i32_1 = arith.constant 0 : i32
    return %arg0, %c0_i32, %c0_i32_0 : i32, i32, i32
  }
}

module attributes {stable_mosaic.version = 14 : i64} {
  func.func @_combine_body(%arg0: memref<2x1024x128xf32, #tpu.memory_space<vmem>>, %arg1: memref<2x1024x128xi32, #tpu.memory_space<vmem>>, %arg2: memref<1024x1xi32, #tpu.memory_space<vmem>>, %arg3: memref<1x1xi32, #tpu.memory_space<vmem>>) attributes {dimension_semantics = [], scalar_prefetch = 0 : i64, scratch_operands = 0 : i64, tpu.core_type = #tpu.core_type<tc>} {
    %get3A = arith.constant 0 : index
    %get3A_0 = arith.constant 0 : index
    %get3A_1 = arith.constant 0 : index
    %get3A_2 = vector.load %arg0[%get3A, %get3A_0, %get3A_1] : memref<2x1024x128xf32, #tpu.memory_space<vmem>>, vector<1x1024x128xf32>
    %get3A_3 = vector.shape_cast %get3A_2 : vector<1x1024x128xf32> to vector<1024x128xf32>
    %get3A_4 = arith.constant 1 : index
    %get3A_5 = arith.constant 0 : index
    %get3A_6 = arith.constant 0 : index
    %get3A_7 = vector.load %arg0[%get3A_4, %get3A_5, %get3A_6] : memref<2x1024x128xf32, #tpu.memory_space<vmem>>, vector<1x1024x128xf32>
    %get3A_8 = vector.shape_cast %get3A_7 : vector<1x1024x128xf32> to vector<1024x128xf32>
    %iota3A = tpu.iota {dimensions = array<i32: 1>} : vector<1024x128xi32>
    %get3A_9 = arith.constant 0 : index
    %get3A_10 = arith.constant 0 : index
    %get3A_11 = arith.constant 0 : index
    %get3A_12 = vector.load %arg1[%get3A_9, %get3A_10, %get3A_11] : memref<2x1024x128xi32, #tpu.memory_space<vmem>>, vector<1x1024x128xi32>
    %get3A_13 = vector.shape_cast %get3A_12 : vector<1x1024x128xi32> to vector<1024x128xi32>
    %add3A = arith.addi %get3A_13, %iota3A : vector<1024x128xi32>
    %get3A_14 = arith.constant 1 : index
    %get3A_15 = arith.constant 0 : index
    %get3A_16 = arith.constant 0 : index
    %get3A_17 = vector.load %arg1[%get3A_14, %get3A_15, %get3A_16] : memref<2x1024x128xi32, #tpu.memory_space<vmem>>, vector<1x1024x128xi32>
    %get3A_18 = vector.shape_cast %get3A_17 : vector<1x1024x128xi32> to vector<1024x128xi32>
    %add3A_19 = arith.addi %get3A_18, %iota3A : vector<1024x128xi32>
    %gt3A = arith.cmpf ogt, %get3A_8, %get3A_3 : vector<1024x128xf32>
    %select_n3A = arith.select %gt3A, %get3A_8, %get3A_3 : vector<1024x128xi1>, vector<1024x128xf32>
    %select_n3A_20 = arith.select %gt3A, %add3A_19, %add3A : vector<1024x128xi1>, vector<1024x128xi32>
    %reduce_max3A = arith.constant dense<0xFF800000> : vector<1024xf32>
    %reduce_max3A_21 = vector.multi_reduction <maximumf>, %select_n3A, %reduce_max3A [1] : vector<1024x128xf32> to vector<1024xf32>
    %broadcast_in_dim3A = vector.shape_cast %reduce_max3A_21 : vector<1024xf32> to vector<1024x1xf32>
    %eq3A = vector.broadcast %broadcast_in_dim3A : vector<1024x1xf32> to vector<1024x128xf32>
    %eq3A_22 = arith.cmpf oeq, %select_n3A, %eq3A : vector<1024x128xf32>
    %jit3A = arith.constant 1073741824 : i32
    %broadcast_in_dim3A_23 = vector.broadcast %jit3A : i32 to vector<1024x128xi32>
    %select_n3A_24 = arith.select %eq3A_22, %select_n3A_20, %broadcast_in_dim3A_23 : vector<1024x128xi1>, vector<1024x128xi32>
    %reduce_min3A = arith.constant dense<2147483647> : vector<1024xi32>
    %reduce_min3A_25 = vector.multi_reduction <minsi>, %select_n3A_24, %reduce_min3A [1] : vector<1024x128xi32> to vector<1024xi32>
    %broadcast_in_dim3A_26 = vector.shape_cast %reduce_min3A_25 : vector<1024xi32> to vector<1024x1xi32>
    %swap3A = arith.constant 0 : index
    %swap3A_27 = arith.constant 0 : index
    %swap3A_28 = vector.load %arg2[%swap3A, %swap3A_27] : memref<1024x1xi32, #tpu.memory_space<vmem>>, vector<1024x1xi32>
    tpu.vector_store %arg2[%swap3A, %swap3A_27], %broadcast_in_dim3A_26 {strides = array<i32>} : memref<1024x1xi32, #tpu.memory_space<vmem>>, vector<1024x1xi32>,
    %le3A = arith.constant 5.000000e-01 : f32
    %le3A_29 = vector.broadcast %le3A : f32 to vector<1024x1xf32>
    %le3A_30 = arith.cmpf ole, %broadcast_in_dim3A, %le3A_29 : vector<1024x1xf32>
    %convert_element_type3A = arith.extui %le3A_30 : vector<1024x1xi1> to vector<1024x1xi32>
    %reduce_sum3A = vector.shape_cast %convert_element_type3A : vector<1024x1xi32> to vector<1x1024x1xi32>
    %reduce_sum3A_31 = arith.constant dense<0> : vector<1xi32>
    %reduce_sum3A_32 = vector.multi_reduction <add>, %reduce_sum3A, %reduce_sum3A_31 [1, 2] : vector<1x1024x1xi32> to vector<1xi32>
    %reduce_sum3A_33 = vector.shape_cast %reduce_sum3A_32 : vector<1xi32> to vector<1x1x1xi32>
    %reduce_sum3A_34 = vector.extract %reduce_sum3A_33[0, 0, 0] : i32 from vector<1x1x1xi32>
    %reshape3A = vector.broadcast %reduce_sum3A_34 : i32 to vector<1x1xi32>
    %swap3A_35 = arith.constant 0 : index
    %swap3A_36 = arith.constant 0 : index
    %swap3A_37 = vector.load %arg3[%swap3A_35, %swap3A_36] : memref<1x1xi32, #tpu.memory_space<vmem>>, vector<1x1xi32>
    tpu.vector_store %arg3[%swap3A_35, %swap3A_36], %reshape3A {strides = array<i32>} : memref<1x1xi32, #tpu.memory_space<vmem>>, vector<1x1xi32>,
    return
  }
}

module attributes {stable_mosaic.version = 14 : i64} {
  func.func @_merge_body(%arg0: memref<1024x1xi32, #tpu.memory_space<vmem>>, %arg1: memref<1x1024xi32, #tpu.memory_space<vmem>>, %arg2: memref<1024x128xf32, #tpu.memory_space<vmem>>, %arg3: memref<1024x64xf32, #tpu.memory_space<vmem>>, %arg4: memref<1024x4xf32, #tpu.memory_space<vmem>>, %arg5: memref<1024x1xf32, #tpu.memory_space<vmem>>, %arg6: memref<1024x128xf32, #tpu.memory_space<vmem>>, %arg7: memref<1024x128xf32, #tpu.memory_space<vmem>>, %arg8: memref<1024x128xf32, #tpu.memory_space<vmem>>, %arg9: memref<1024x128xf32, #tpu.memory_space<vmem>>) attributes {dimension_semantics = [], scalar_prefetch = 0 : i64, scratch_operands = 0 : i64, tpu.core_type = #tpu.core_type<tc>} {
    %get3A = arith.constant 0 : index
    %get3A_0 = arith.constant 0 : index
    %get3A_1 = vector.load %arg0[%get3A, %get3A_0] : memref<1024x1xi32, #tpu.memory_space<vmem>>, vector<1024x1xi32>
    %get3A_2 = arith.constant 0 : index
    %get3A_3 = arith.constant 0 : index
    %get3A_4 = vector.load %arg1[%get3A_2, %get3A_3] : memref<1x1024xi32, #tpu.memory_space<vmem>>, vector<1x1024xi32>
    %get3A_5 = arith.constant 0 : index
    %get3A_6 = arith.constant 0 : index
    %get3A_7 = vector.load %arg5[%get3A_5, %get3A_6] : memref<1024x1xf32, #tpu.memory_space<vmem>>, vector<1024x1xf32>
    %iota3A = tpu.iota {dimensions = array<i32: 1>} : vector<1024x128xi32>
    %eq3A = vector.broadcast %get3A_1 : vector<1024x1xi32> to vector<1024x1024xi32>
    %eq3A_8 = vector.broadcast %get3A_4 : vector<1x1024xi32> to vector<1024x1024xi32>
    %eq3A_9 = arith.cmpi eq, %eq3A, %eq3A_8 : vector<1024x1024xi32>
    %get3A_10 = arith.constant 0 : index
    %get3A_11 = arith.constant 0 : index
    %get3A_12 = vector.load %arg2[%get3A_10, %get3A_11] : memref<1024x128xf32, #tpu.memory_space<vmem>>, vector<1024x128xf32>
    %mul3A = vector.broadcast %get3A_7 : vector<1024x1xf32> to vector<1024x128xf32>
    %mul3A_13 = arith.mulf %mul3A, %get3A_12 : vector<1024x128xf32>
    %convert_element_type3A = arith.extui %eq3A_9 : vector<1024x1024xi1> to vector<1024x1024xi32>
    %convert_element_type3A_14 = arith.sitofp %convert_element_type3A : vector<1024x1024xi32> to vector<1024x1024xf32>
    %convert_element_type3A_15 = arith.truncf %convert_element_type3A_14 : vector<1024x1024xf32> to vector<1024x1024xbf16>
    %convert_element_type3A_16 = arith.truncf %mul3A_13 : vector<1024x128xf32> to vector<1024x128xbf16>
    %dot_general3A = arith.constant dense<0.000000e+00> : vector<1024x128xf32>
    %dot_general3A_17 = tpu.matmul %convert_element_type3A_15, %convert_element_type3A_16, %dot_general3A {dimension_numbers = #tpu.dot_dimension_numbers<[1], [0], [0], [1], [0, 0, 1, 1], [], []>, transpose_lhs_hint = false} : vector<1024x1024xbf16>, vector<1024x128xbf16>, vector<1024x128xf32> -> vector<1024x128xf32>
    %swap3A = arith.constant 0 : index
    %swap3A_18 = arith.constant 0 : index
    %swap3A_19 = vector.load %arg6[%swap3A, %swap3A_18] : memref<1024x128xf32, #tpu.memory_space<vmem>>, vector<1024x128xf32>
    tpu.vector_store %arg6[%swap3A, %swap3A_18], %dot_general3A_17 {strides = array<i32>} : memref<1024x128xf32, #tpu.memory_space<vmem>>, vector<1024x128xf32>,
    %get3A_20 = arith.constant 0 : index
    %get3A_21 = arith.constant 0 : index
    %get3A_22 = vector.load %arg3[%get3A_20, %get3A_21] : memref<1024x64xf32, #tpu.memory_space<vmem>>, vector<1024x64xf32>
    %get3A_23 = arith.constant 0 : index
    %get3A_24 = arith.constant 0 : index
    %get3A_25 = vector.load %arg3[%get3A_23, %get3A_24] : memref<1024x64xf32, #tpu.memory_space<vmem>>, vector<1024x64xf32>
    %concatenate3A = tpu.concatenate %get3A_22, %get3A_25 in 1 : vector<1024x64xf32>, vector<1024x64xf32> -> vector<1024x128xf32>
    %shift_right_arithmetic3A = arith.constant 6 : i32
    %shift_right_arithmetic3A_26 = vector.broadcast %shift_right_arithmetic3A : i32 to vector<1024x128xi32>
    %shift_right_arithmetic3A_27 = arith.shrsi %iota3A, %shift_right_arithmetic3A_26 : vector<1024x128xi32>
    %and3A = arith.constant 1 : i32
    %and3A_28 = vector.broadcast %and3A : i32 to vector<1024x1xi32>
    %and3A_29 = arith.andi %get3A_1, %and3A_28 : vector<1024x1xi32>
    %eq3A_30 = vector.broadcast %and3A_29 : vector<1024x1xi32> to vector<1024x128xi32>
    %eq3A_31 = arith.cmpi eq, %shift_right_arithmetic3A_27, %eq3A_30 : vector<1024x128xi32>
    %mul3A_32 = vector.broadcast %get3A_7 : vector<1024x1xf32> to vector<1024x128xf32>
    %mul3A_33 = arith.mulf %mul3A_32, %concatenate3A : vector<1024x128xf32>
    %jit3A = arith.constant 0.000000e+00 : f32
    %broadcast_in_dim3A = vector.broadcast %jit3A : f32 to vector<1024x128xf32>
    %select_n3A = arith.select %eq3A_31, %mul3A_33, %broadcast_in_dim3A : vector<1024x128xi1>, vector<1024x128xf32>
    %shift_right_arithmetic3A_34 = arith.constant 1 : i32
    %shift_right_arithmetic3A_35 = vector.broadcast %shift_right_arithmetic3A_34 : i32 to vector<1024x1xi32>
    %shift_right_arithmetic3A_36 = arith.shrsi %get3A_1, %shift_right_arithmetic3A_35 : vector<1024x1xi32>
    %shift_right_arithmetic3A_37 = arith.constant 1 : i32
    %shift_right_arithmetic3A_38 = vector.broadcast %shift_right_arithmetic3A_37 : i32 to vector<1x1024xi32>
    %shift_right_arithmetic3A_39 = arith.shrsi %get3A_4, %shift_right_arithmetic3A_38 : vector<1x1024xi32>
    %eq3A_40 = vector.broadcast %shift_right_arithmetic3A_36 : vector<1024x1xi32> to vector<1024x1024xi32>
    %eq3A_41 = vector.broadcast %shift_right_arithmetic3A_39 : vector<1x1024xi32> to vector<1024x1024xi32>
    %eq3A_42 = arith.cmpi eq, %eq3A_40, %eq3A_41 : vector<1024x1024xi32>
    %convert_element_type3A_43 = arith.extui %eq3A_42 : vector<1024x1024xi1> to vector<1024x1024xi32>
    %convert_element_type3A_44 = arith.sitofp %convert_element_type3A_43 : vector<1024x1024xi32> to vector<1024x1024xf32>
    %convert_element_type3A_45 = arith.truncf %convert_element_type3A_44 : vector<1024x1024xf32> to vector<1024x1024xbf16>
    %convert_element_type3A_46 = arith.truncf %select_n3A : vector<1024x128xf32> to vector<1024x128xbf16>
    %dot_general3A_47 = arith.constant dense<0.000000e+00> : vector<1024x128xf32>
    %dot_general3A_48 = tpu.matmul %convert_element_type3A_45, %convert_element_type3A_46, %dot_general3A_47 {dimension_numbers = #tpu.dot_dimension_numbers<[1], [0], [0], [1], [0, 0, 1, 1], [], []>, transpose_lhs_hint = false} : vector<1024x1024xbf16>, vector<1024x128xbf16>, vector<1024x128xf32> -> vector<1024x128xf32>
    %swap3A_49 = arith.constant 0 : index
    %swap3A_50 = arith.constant 0 : index
    %swap3A_51 = vector.load %arg7[%swap3A_49, %swap3A_50] : memref<1024x128xf32, #tpu.memory_space<vmem>>, vector<1024x128xf32>
    tpu.vector_store %arg7[%swap3A_49, %swap3A_50], %dot_general3A_48 {strides = array<i32>} : memref<1024x128xf32, #tpu.memory_space<vmem>>, vector<1024x128xf32>,
    %get3A_52 = arith.constant 0 : index
    %get3A_53 = arith.constant 0 : index
    %get3A_54 = vector.load %arg4[%get3A_52, %get3A_53] : memref<1024x4xf32, #tpu.memory_space<vmem>>, vector<1024x4xf32>
    %concatenate3A_55 = tpu.concatenate %get3A_54, %get3A_54, %get3A_54, %get3A_54, %get3A_54, %get3A_54, %get3A_54, %get3A_54, %get3A_54, %get3A_54, %get3A_54, %get3A_54, %get3A_54, %get3A_54, %get3A_54, %get3A_54, %get3A_54, %get3A_54, %get3A_54, %get3A_54, %get3A_54, %get3A_54, %get3A_54, %get3A_54, %get3A_54, %get3A_54, %get3A_54, %get3A_54, %get3A_54, %get3A_54, %get3A_54, %get3A_54 in 1 : vector<1024x4xf32>, vector<1024x4xf32>, vector<1024x4xf32>, vector<1024x4xf32>, vector<1024x4xf32>, vector<1024x4xf32>, vector<1024x4xf32>, vector<1024x4xf32>, vector<1024x4xf32>, vector<1024x4xf32>, vector<1024x4xf32>, vector<1024x4xf32>, vector<1024x4xf32>, vector<1024x4xf32>, vector<1024x4xf32>, vector<1024x4xf32>, vector<1024x4xf32>, vector<1024x4xf32>, vector<1024x4xf32>, vector<1024x4xf32>, vector<1024x4xf32>, vector<1024x4xf32>, vector<1024x4xf32>, vector<1024x4xf32>, vector<1024x4xf32>, vector<1024x4xf32>, vector<1024x4xf32>, vector<1024x4xf32>, vector<1024x4xf32>, vector<1024x4xf32>, vector<1024x4xf32>, vector<1024x4xf32> -> vector<1024x128xf32>
    %shift_right_arithmetic3A_56 = arith.constant 2 : i32
    %shift_right_arithmetic3A_57 = vector.broadcast %shift_right_arithmetic3A_56 : i32 to vector<1024x128xi32>
    %shift_right_arithmetic3A_58 = arith.shrsi %iota3A, %shift_right_arithmetic3A_57 : vector<1024x128xi32>
    %and3A_59 = arith.constant 31 : i32
    %and3A_60 = vector.broadcast %and3A_59 : i32 to vector<1024x1xi32>
    %and3A_61 = arith.andi %get3A_1, %and3A_60 : vector<1024x1xi32>
    %eq3A_62 = vector.broadcast %and3A_61 : vector<1024x1xi32> to vector<1024x128xi32>
    %eq3A_63 = arith.cmpi eq, %shift_right_arithmetic3A_58, %eq3A_62 : vector<1024x128xi32>
    %mul3A_64 = vector.broadcast %get3A_7 : vector<1024x1xf32> to vector<1024x128xf32>
    %mul3A_65 = arith.mulf %mul3A_64, %concatenate3A_55 : vector<1024x128xf32>
    %jit3A_66 = arith.constant 0.000000e+00 : f32
    %broadcast_in_dim3A_67 = vector.broadcast %jit3A_66 : f32 to vector<1024x128xf32>
    %select_n3A_68 = arith.select %eq3A_63, %mul3A_65, %broadcast_in_dim3A_67 : vector<1024x128xi1>, vector<1024x128xf32>
    %shift_right_arithmetic3A_69 = arith.constant 5 : i32
    %shift_right_arithmetic3A_70 = vector.broadcast %shift_right_arithmetic3A_69 : i32 to vector<1024x1xi32>
    %shift_right_arithmetic3A_71 = arith.shrsi %get3A_1, %shift_right_arithmetic3A_70 : vector<1024x1xi32>
    %shift_right_arithmetic3A_72 = arith.constant 5 : i32
    %shift_right_arithmetic3A_73 = vector.broadcast %shift_right_arithmetic3A_72 : i32 to vector<1x1024xi32>
    %shift_right_arithmetic3A_74 = arith.shrsi %get3A_4, %shift_right_arithmetic3A_73 : vector<1x1024xi32>
    %eq3A_75 = vector.broadcast %shift_right_arithmetic3A_71 : vector<1024x1xi32> to vector<1024x1024xi32>
    %eq3A_76 = vector.broadcast %shift_right_arithmetic3A_74 : vector<1x1024xi32> to vector<1024x1024xi32>
    %eq3A_77 = arith.cmpi eq, %eq3A_75, %eq3A_76 : vector<1024x1024xi32>
    %convert_element_type3A_78 = arith.extui %eq3A_77 : vector<1024x1024xi1> to vector<1024x1024xi32>
    %convert_element_type3A_79 = arith.sitofp %convert_element_type3A_78 : vector<1024x1024xi32> to vector<1024x1024xf32>
    %convert_element_type3A_80 = arith.truncf %convert_element_type3A_79 : vector<1024x1024xf32> to vector<1024x1024xbf16>
    %convert_element_type3A_81 = arith.truncf %select_n3A_68 : vector<1024x128xf32> to vector<1024x128xbf16>
    %dot_general3A_82 = arith.constant dense<0.000000e+00> : vector<1024x128xf32>
    %dot_general3A_83 = tpu.matmul %convert_element_type3A_80, %convert_element_type3A_81, %dot_general3A_82 {dimension_numbers = #tpu.dot_dimension_numbers<[1], [0], [0], [1], [0, 0, 1, 1], [], []>, transpose_lhs_hint = false} : vector<1024x1024xbf16>, vector<1024x128xbf16>, vector<1024x128xf32> -> vector<1024x128xf32>
    %swap3A_84 = arith.constant 0 : index
    %swap3A_85 = arith.constant 0 : index
    %swap3A_86 = vector.load %arg8[%swap3A_84, %swap3A_85] : memref<1024x128xf32, #tpu.memory_space<vmem>>, vector<1024x128xf32>
    tpu.vector_store %arg8[%swap3A_84, %swap3A_85], %dot_general3A_83 {strides = array<i32>} : memref<1024x128xf32, #tpu.memory_space<vmem>>, vector<1024x128xf32>,
    %and3A_87 = arith.constant 127 : i32
    %and3A_88 = vector.broadcast %and3A_87 : i32 to vector<1024x1xi32>
    %and3A_89 = arith.andi %get3A_1, %and3A_88 : vector<1024x1xi32>
    %eq3A_90 = vector.broadcast %and3A_89 : vector<1024x1xi32> to vector<1024x128xi32>
    %eq3A_91 = arith.cmpi eq, %iota3A, %eq3A_90 : vector<1024x128xi32>
    %jit3A_92 = arith.constant 0.000000e+00 : f32
    %broadcast_in_dim3A_93 = vector.shape_cast %get3A_7 : vector<1024x1xf32> to vector<1024x1xf32>
    %broadcast_in_dim3A_94 = vector.broadcast %broadcast_in_dim3A_93 : vector<1024x1xf32> to vector<1024x128xf32>
    %broadcast_in_dim3A_95 = vector.broadcast %jit3A_92 : f32 to vector<1024x128xf32>
    %select_n3A_96 = arith.select %eq3A_91, %broadcast_in_dim3A_94, %broadcast_in_dim3A_95 : vector<1024x128xi1>, vector<1024x128xf32>
    %shift_right_arithmetic3A_97 = arith.constant 7 : i32
    %shift_right_arithmetic3A_98 = vector.broadcast %shift_right_arithmetic3A_97 : i32 to vector<1024x1xi32>
    %shift_right_arithmetic3A_99 = arith.shrsi %get3A_1, %shift_right_arithmetic3A_98 : vector<1024x1xi32>
    %shift_right_arithmetic3A_100 = arith.constant 7 : i32
    %shift_right_arithmetic3A_101 = vector.broadcast %shift_right_arithmetic3A_100 : i32 to vector<1x1024xi32>
    %shift_right_arithmetic3A_102 = arith.shrsi %get3A_4, %shift_right_arithmetic3A_101 : vector<1x1024xi32>
    %eq3A_103 = vector.broadcast %shift_right_arithmetic3A_99 : vector<1024x1xi32> to vector<1024x1024xi32>
    %eq3A_104 = vector.broadcast %shift_right_arithmetic3A_102 : vector<1x1024xi32> to vector<1024x1024xi32>
    %eq3A_105 = arith.cmpi eq, %eq3A_103, %eq3A_104 : vector<1024x1024xi32>
    %convert_element_type3A_106 = arith.extui %eq3A_105 : vector<1024x1024xi1> to vector<1024x1024xi32>
    %convert_element_type3A_107 = arith.sitofp %convert_element_type3A_106 : vector<1024x1024xi32> to vector<1024x1024xf32>
    %convert_element_type3A_108 = arith.truncf %convert_element_type3A_107 : vector<1024x1024xf32> to vector<1024x1024xbf16>
    %convert_element_type3A_109 = arith.truncf %select_n3A_96 : vector<1024x128xf32> to vector<1024x128xbf16>
    %dot_general3A_110 = arith.constant dense<0.000000e+00> : vector<1024x128xf32>
    %dot_general3A_111 = tpu.matmul %convert_element_type3A_108, %convert_element_type3A_109, %dot_general3A_110 {dimension_numbers = #tpu.dot_dimension_numbers<[1], [0], [0], [1], [0, 0, 1, 1], [], []>, transpose_lhs_hint = false} : vector<1024x1024xbf16>, vector<1024x128xbf16>, vector<1024x128xf32> -> vector<1024x128xf32>
    %swap3A_112 = arith.constant 0 : index
    %swap3A_113 = arith.constant 0 : index
    %swap3A_114 = vector.load %arg9[%swap3A_112, %swap3A_113] : memref<1024x128xf32, #tpu.memory_space<vmem>>, vector<1024x128xf32>
    tpu.vector_store %arg9[%swap3A_112, %swap3A_113], %dot_general3A_111 {strides = array<i32>} : memref<1024x128xf32, #tpu.memory_space<vmem>>, vector<1024x128xf32>,
    return
  }
}

module attributes {stable_mosaic.version = 14 : i64} {
  func.func @_vnorm_body(%arg0: i32, %arg1: memref<8192x128xf32, #tpu.memory_space<vmem>>, %arg2: memref<8192x128xf32, #tpu.memory_space<vmem>>) attributes {dimension_semantics = [#tpu.dimension_semantics<parallel>], iteration_bounds = array<i64: 2>, scalar_prefetch = 0 : i64, scratch_operands = 0 : i64, tpu.core_type = #tpu.core_type<tc>, window_params = [{transform_indices = @transform_0, window_bounds = array<i64: 8192, 128>}, {transform_indices = @transform_1, window_bounds = array<i64: 8192, 128>}]} {
    %get3A = arith.constant 0 : index
    %get3A_0 = arith.constant 0 : index
    %get3A_1 = vector.load %arg1[%get3A, %get3A_0] : memref<8192x128xf32, #tpu.memory_space<vmem>>, vector<8192x128xf32>
    %mul3A = arith.mulf %get3A_1, %get3A_1 : vector<8192x128xf32>
    %reduce_sum3A = arith.constant dense<0.000000e+00> : vector<8192xf32>
    %reduce_sum3A_2 = vector.multi_reduction <add>, %mul3A, %reduce_sum3A [1] : vector<8192x128xf32> to vector<8192xf32>
    %broadcast_in_dim3A = vector.shape_cast %reduce_sum3A_2 : vector<8192xf32> to vector<8192x1xf32>
    %sqrt3A = math.sqrt %broadcast_in_dim3A : vector<8192x1xf32>
    %add3A = arith.constant 9.99999997E-7 : f32
    %add3A_3 = vector.broadcast %add3A : f32 to vector<8192x1xf32>
    %add3A_4 = arith.addf %sqrt3A, %add3A_3 : vector<8192x1xf32>
    %div3A = arith.constant 2.000000e+00 : f32
    %div3A_5 = vector.broadcast %div3A : f32 to vector<8192x1xf32>
    %div3A_6 = arith.divf %div3A_5, %add3A_4 : vector<8192x1xf32>
    %min3A = arith.constant 1.000000e+00 : f32
    %min3A_7 = vector.broadcast %min3A : f32 to vector<8192x1xf32>
    %min3A_8 = arith.minimumf %min3A_7, %div3A_6 : vector<8192x1xf32>
    %mul3A_9 = vector.broadcast %min3A_8 : vector<8192x1xf32> to vector<8192x128xf32>
    %mul3A_10 = arith.mulf %get3A_1, %mul3A_9 : vector<8192x128xf32>
    %swap3A = arith.constant 0 : index
    %swap3A_11 = arith.constant 0 : index
    %swap3A_12 = vector.load %arg2[%swap3A, %swap3A_11] : memref<8192x128xf32, #tpu.memory_space<vmem>>, vector<8192x128xf32>
    tpu.vector_store %arg2[%swap3A, %swap3A_11], %mul3A_10 {strides = array<i32>} : memref<8192x128xf32, #tpu.memory_space<vmem>>, vector<8192x128xf32>,
    return
  }
  func.func @transform_0(%arg0: i32) -> (i32, i32) {
    %c0_i32 = arith.constant 0 : i32
    %c0_i32_0 = arith.constant 0 : i32
    return %arg0, %c0_i32 : i32, i32
  }
  func.func @transform_1(%arg0: i32) -> (i32, i32) {
    %c0_i32 = arith.constant 0 : i32
    %c0_i32_0 = arith.constant 0 : i32
    return %arg0, %c0_i32 : i32, i32
  }
}

module attributes {stable_mosaic.version = 14 : i64} {
  func.func @_blur_body(%arg0: memref<64x64xf32, #tpu.memory_space<vmem>>, %arg1: memref<64x64x64xf32, #tpu.memory_space<vmem>>, %arg2: memref<64x64x64xf32, #tpu.memory_space<vmem>>, %arg3: memref<64x64x64xf32, #tpu.memory_space<vmem>>) attributes {dimension_semantics = [], scalar_prefetch = 0 : i64, scratch_operands = 0 : i64, tpu.core_type = #tpu.core_type<tc>} {
    %get3A = arith.constant 0 : index
    %get3A_0 = arith.constant 0 : index
    %get3A_1 = vector.load %arg0[%get3A, %get3A_0] : memref<64x64xf32, #tpu.memory_space<vmem>>, vector<64x64xf32>
    %get3A_2 = arith.constant 0 : index
    %get3A_3 = arith.constant 0 : index
    %get3A_4 = arith.constant 0 : index
    %get3A_5 = vector.load %arg1[%get3A_2, %get3A_3, %get3A_4] : memref<64x64x64xf32, #tpu.memory_space<vmem>>, vector<64x64x64xf32>
    %convert_element_type3A = arith.truncf %get3A_1 : vector<64x64xf32> to vector<64x64xbf16>
    %reshape3A = vector.shape_cast %get3A_5 : vector<64x64x64xf32> to vector<64x4096xf32>
    %convert_element_type3A_6 = arith.truncf %reshape3A : vector<64x4096xf32> to vector<64x4096xbf16>
    %dot_general3A = arith.constant dense<0.000000e+00> : vector<64x4096xf32>
    %dot_general3A_7 = tpu.matmul %convert_element_type3A, %convert_element_type3A_6, %dot_general3A {dimension_numbers = #tpu.dot_dimension_numbers<[1], [0], [0], [1], [0, 0, 1, 1], [], []>, transpose_lhs_hint = false} : vector<64x64xbf16>, vector<64x4096xbf16>, vector<64x4096xf32> -> vector<64x4096xf32>
    %reshape3A_8 = vector.shape_cast %dot_general3A_7 : vector<64x4096xf32> to vector<64x64x64xf32>
    %convert_element_type3A_9 = arith.truncf %get3A_1 : vector<64x64xf32> to vector<64x64xbf16>
    %slice3A = vector.extract_strided_slice %reshape3A_8 {offsets = [0, 0, 0], sizes = [1, 64, 64], strides = [1, 1, 1]} : vector<64x64x64xf32> to vector<1x64x64xf32>
    %squeeze3A = vector.shape_cast %slice3A : vector<1x64x64xf32> to vector<64x64xf32>
    %convert_element_type3A_10 = arith.truncf %squeeze3A : vector<64x64xf32> to vector<64x64xbf16>
    %dot_general3A_11 = arith.constant dense<0.000000e+00> : vector<64x64xf32>
    %dot_general3A_12 = tpu.matmul %convert_element_type3A_9, %convert_element_type3A_10, %dot_general3A_11 {dimension_numbers = #tpu.dot_dimension_numbers<[1], [0], [0], [1], [0, 0, 1, 1], [], []>, transpose_lhs_hint = false} : vector<64x64xbf16>, vector<64x64xbf16>, vector<64x64xf32> -> vector<64x64xf32>
    %convert_element_type3A_13 = arith.truncf %get3A_1 : vector<64x64xf32> to vector<64x64xbf16>
    %slice3A_14 = vector.extract_strided_slice %reshape3A_8 {offsets = [1, 0, 0], sizes = [1, 64, 64], strides = [1, 1, 1]} : vector<64x64x64xf32> to vector<1x64x64xf32>
    %squeeze3A_15 = vector.shape_cast %slice3A_14 : vector<1x64x64xf32> to vector<64x64xf32>
    %convert_element_type3A_16 = arith.truncf %squeeze3A_15 : vector<64x64xf32> to vector<64x64xbf16>
    %dot_general3A_17 = arith.constant dense<0.000000e+00> : vector<64x64xf32>
    %dot_general3A_18 = tpu.matmul %convert_element_type3A_13, %convert_element_type3A_16, %dot_general3A_17 {dimension_numbers = #tpu.dot_dimension_numbers<[1], [0], [0], [1], [0, 0, 1, 1], [], []>, transpose_lhs_hint = false} : vector<64x64xbf16>, vector<64x64xbf16>, vector<64x64xf32> -> vector<64x64xf32>
    %convert_element_type3A_19 = arith.truncf %get3A_1 : vector<64x64xf32> to vector<64x64xbf16>
    %slice3A_20 = vector.extract_strided_slice %reshape3A_8 {offsets = [2, 0, 0], sizes = [1, 64, 64], strides = [1, 1, 1]} : vector<64x64x64xf32> to vector<1x64x64xf32>
    %squeeze3A_21 = vector.shape_cast %slice3A_20 : vector<1x64x64xf32> to vector<64x64xf32>
    %convert_element_type3A_22 = arith.truncf %squeeze3A_21 : vector<64x64xf32> to vector<64x64xbf16>
    %dot_general3A_23 = arith.constant dense<0.000000e+00> : vector<64x64xf32>
    %dot_general3A_24 = tpu.matmul %convert_element_type3A_19, %convert_element_type3A_22, %dot_general3A_23 {dimension_numbers = #tpu.dot_dimension_numbers<[1], [0], [0], [1], [0, 0, 1, 1], [], []>, transpose_lhs_hint = false} : vector<64x64xbf16>, vector<64x64xbf16>, vector<64x64xf32> -> vector<64x64xf32>
    %convert_element_type3A_25 = arith.truncf %get3A_1 : vector<64x64xf32> to vector<64x64xbf16>
    %slice3A_26 = vector.extract_strided_slice %reshape3A_8 {offsets = [3, 0, 0], sizes = [1, 64, 64], strides = [1, 1, 1]} : vector<64x64x64xf32> to vector<1x64x64xf32>
    %squeeze3A_27 = vector.shape_cast %slice3A_26 : vector<1x64x64xf32> to vector<64x64xf32>
    %convert_element_type3A_28 = arith.truncf %squeeze3A_27 : vector<64x64xf32> to vector<64x64xbf16>
    %dot_general3A_29 = arith.constant dense<0.000000e+00> : vector<64x64xf32>
    %dot_general3A_30 = tpu.matmul %convert_element_type3A_25, %convert_element_type3A_28, %dot_general3A_29 {dimension_numbers = #tpu.dot_dimension_numbers<[1], [0], [0], [1], [0, 0, 1, 1], [], []>, transpose_lhs_hint = false} : vector<64x64xbf16>, vector<64x64xbf16>, vector<64x64xf32> -> vector<64x64xf32>
    %convert_element_type3A_31 = arith.truncf %get3A_1 : vector<64x64xf32> to vector<64x64xbf16>
    %slice3A_32 = vector.extract_strided_slice %reshape3A_8 {offsets = [4, 0, 0], sizes = [1, 64, 64], strides = [1, 1, 1]} : vector<64x64x64xf32> to vector<1x64x64xf32>
    %squeeze3A_33 = vector.shape_cast %slice3A_32 : vector<1x64x64xf32> to vector<64x64xf32>
    %convert_element_type3A_34 = arith.truncf %squeeze3A_33 : vector<64x64xf32> to vector<64x64xbf16>
    %dot_general3A_35 = arith.constant dense<0.000000e+00> : vector<64x64xf32>
    %dot_general3A_36 = tpu.matmul %convert_element_type3A_31, %convert_element_type3A_34, %dot_general3A_35 {dimension_numbers = #tpu.dot_dimension_numbers<[1], [0], [0], [1], [0, 0, 1, 1], [], []>, transpose_lhs_hint = false} : vector<64x64xbf16>, vector<64x64xbf16>, vector<64x64xf32> -> vector<64x64xf32>
    %convert_element_type3A_37 = arith.truncf %get3A_1 : vector<64x64xf32> to vector<64x64xbf16>
    %slice3A_38 = vector.extract_strided_slice %reshape3A_8 {offsets = [5, 0, 0], sizes = [1, 64, 64], strides = [1, 1, 1]} : vector<64x64x64xf32> to vector<1x64x64xf32>
    %squeeze3A_39 = vector.shape_cast %slice3A_38 : vector<1x64x64xf32> to vector<64x64xf32>
    %convert_element_type3A_40 = arith.truncf %squeeze3A_39 : vector<64x64xf32> to vector<64x64xbf16>
    %dot_general3A_41 = arith.constant dense<0.000000e+00> : vector<64x64xf32>
    %dot_general3A_42 = tpu.matmul %convert_element_type3A_37, %convert_element_type3A_40, %dot_general3A_41 {dimension_numbers = #tpu.dot_dimension_numbers<[1], [0], [0], [1], [0, 0, 1, 1], [], []>, transpose_lhs_hint = false} : vector<64x64xbf16>, vector<64x64xbf16>, vector<64x64xf32> -> vector<64x64xf32>
    %convert_element_type3A_43 = arith.truncf %get3A_1 : vector<64x64xf32> to vector<64x64xbf16>
    %slice3A_44 = vector.extract_strided_slice %reshape3A_8 {offsets = [6, 0, 0], sizes = [1, 64, 64], strides = [1, 1, 1]} : vector<64x64x64xf32> to vector<1x64x64xf32>
    %squeeze3A_45 = vector.shape_cast %slice3A_44 : vector<1x64x64xf32> to vector<64x64xf32>
    %convert_element_type3A_46 = arith.truncf %squeeze3A_45 : vector<64x64xf32> to vector<64x64xbf16>
    %dot_general3A_47 = arith.constant dense<0.000000e+00> : vector<64x64xf32>
    %dot_general3A_48 = tpu.matmul %convert_element_type3A_43, %convert_element_type3A_46, %dot_general3A_47 {dimension_numbers = #tpu.dot_dimension_numbers<[1], [0], [0], [1], [0, 0, 1, 1], [], []>, transpose_lhs_hint = false} : vector<64x64xbf16>, vector<64x64xbf16>, vector<64x64xf32> -> vector<64x64xf32>
    %convert_element_type3A_49 = arith.truncf %get3A_1 : vector<64x64xf32> to vector<64x64xbf16>
    %slice3A_50 = vector.extract_strided_slice %reshape3A_8 {offsets = [7, 0, 0], sizes = [1, 64, 64], strides = [1, 1, 1]} : vector<64x64x64xf32> to vector<1x64x64xf32>
    %squeeze3A_51 = vector.shape_cast %slice3A_50 : vector<1x64x64xf32> to vector<64x64xf32>
    %convert_element_type3A_52 = arith.truncf %squeeze3A_51 : vector<64x64xf32> to vector<64x64xbf16>
    %dot_general3A_53 = arith.constant dense<0.000000e+00> : vector<64x64xf32>
    %dot_general3A_54 = tpu.matmul %convert_element_type3A_49, %convert_element_type3A_52, %dot_general3A_53 {dimension_numbers = #tpu.dot_dimension_numbers<[1], [0], [0], [1], [0, 0, 1, 1], [], []>, transpose_lhs_hint = false} : vector<64x64xbf16>, vector<64x64xbf16>, vector<64x64xf32> -> vector<64x64xf32>
    %convert_element_type3A_55 = arith.truncf %get3A_1 : vector<64x64xf32> to vector<64x64xbf16>
    %slice3A_56 = vector.extract_strided_slice %reshape3A_8 {offsets = [8, 0, 0], sizes = [1, 64, 64], strides = [1, 1, 1]} : vector<64x64x64xf32> to vector<1x64x64xf32>
    %squeeze3A_57 = vector.shape_cast %slice3A_56 : vector<1x64x64xf32> to vector<64x64xf32>
    %convert_element_type3A_58 = arith.truncf %squeeze3A_57 : vector<64x64xf32> to vector<64x64xbf16>
    %dot_general3A_59 = arith.constant dense<0.000000e+00> : vector<64x64xf32>
    %dot_general3A_60 = tpu.matmul %convert_element_type3A_55, %convert_element_type3A_58, %dot_general3A_59 {dimension_numbers = #tpu.dot_dimension_numbers<[1], [0], [0], [1], [0, 0, 1, 1], [], []>, transpose_lhs_hint = false} : vector<64x64xbf16>, vector<64x64xbf16>, vector<64x64xf32> -> vector<64x64xf32>
    %convert_element_type3A_61 = arith.truncf %get3A_1 : vector<64x64xf32> to vector<64x64xbf16>
    %slice3A_62 = vector.extract_strided_slice %reshape3A_8 {offsets = [9, 0, 0], sizes = [1, 64, 64], strides = [1, 1, 1]} : vector<64x64x64xf32> to vector<1x64x64xf32>
    %squeeze3A_63 = vector.shape_cast %slice3A_62 : vector<1x64x64xf32> to vector<64x64xf32>
    %convert_element_type3A_64 = arith.truncf %squeeze3A_63 : vector<64x64xf32> to vector<64x64xbf16>
    %dot_general3A_65 = arith.constant dense<0.000000e+00> : vector<64x64xf32>
    %dot_general3A_66 = tpu.matmul %convert_element_type3A_61, %convert_element_type3A_64, %dot_general3A_65 {dimension_numbers = #tpu.dot_dimension_numbers<[1], [0], [0], [1], [0, 0, 1, 1], [], []>, transpose_lhs_hint = false} : vector<64x64xbf16>, vector<64x64xbf16>, vector<64x64xf32> -> vector<64x64xf32>
    %convert_element_type3A_67 = arith.truncf %get3A_1 : vector<64x64xf32> to vector<64x64xbf16>
    %slice3A_68 = vector.extract_strided_slice %reshape3A_8 {offsets = [10, 0, 0], sizes = [1, 64, 64], strides = [1, 1, 1]} : vector<64x64x64xf32> to vector<1x64x64xf32>
    %squeeze3A_69 = vector.shape_cast %slice3A_68 : vector<1x64x64xf32> to vector<64x64xf32>
    %convert_element_type3A_70 = arith.truncf %squeeze3A_69 : vector<64x64xf32> to vector<64x64xbf16>
    %dot_general3A_71 = arith.constant dense<0.000000e+00> : vector<64x64xf32>
    %dot_general3A_72 = tpu.matmul %convert_element_type3A_67, %convert_element_type3A_70, %dot_general3A_71 {dimension_numbers = #tpu.dot_dimension_numbers<[1], [0], [0], [1], [0, 0, 1, 1], [], []>, transpose_lhs_hint = false} : vector<64x64xbf16>, vector<64x64xbf16>, vector<64x64xf32> -> vector<64x64xf32>
    %convert_element_type3A_73 = arith.truncf %get3A_1 : vector<64x64xf32> to vector<64x64xbf16>
    %slice3A_74 = vector.extract_strided_slice %reshape3A_8 {offsets = [11, 0, 0], sizes = [1, 64, 64], strides = [1, 1, 1]} : vector<64x64x64xf32> to vector<1x64x64xf32>
    %squeeze3A_75 = vector.shape_cast %slice3A_74 : vector<1x64x64xf32> to vector<64x64xf32>
    %convert_element_type3A_76 = arith.truncf %squeeze3A_75 : vector<64x64xf32> to vector<64x64xbf16>
    %dot_general3A_77 = arith.constant dense<0.000000e+00> : vector<64x64xf32>
    %dot_general3A_78 = tpu.matmul %convert_element_type3A_73, %convert_element_type3A_76, %dot_general3A_77 {dimension_numbers = #tpu.dot_dimension_numbers<[1], [0], [0], [1], [0, 0, 1, 1], [], []>, transpose_lhs_hint = false} : vector<64x64xbf16>, vector<64x64xbf16>, vector<64x64xf32> -> vector<64x64xf32>
    %convert_element_type3A_79 = arith.truncf %get3A_1 : vector<64x64xf32> to vector<64x64xbf16>
    %slice3A_80 = vector.extract_strided_slice %reshape3A_8 {offsets = [12, 0, 0], sizes = [1, 64, 64], strides = [1, 1, 1]} : vector<64x64x64xf32> to vector<1x64x64xf32>
    %squeeze3A_81 = vector.shape_cast %slice3A_80 : vector<1x64x64xf32> to vector<64x64xf32>
    %convert_element_type3A_82 = arith.truncf %squeeze3A_81 : vector<64x64xf32> to vector<64x64xbf16>
    %dot_general3A_83 = arith.constant dense<0.000000e+00> : vector<64x64xf32>
    %dot_general3A_84 = tpu.matmul %convert_element_type3A_79, %convert_element_type3A_82, %dot_general3A_83 {dimension_numbers = #tpu.dot_dimension_numbers<[1], [0], [0], [1], [0, 0, 1, 1], [], []>, transpose_lhs_hint = false} : vector<64x64xbf16>, vector<64x64xbf16>, vector<64x64xf32> -> vector<64x64xf32>
    %convert_element_type3A_85 = arith.truncf %get3A_1 : vector<64x64xf32> to vector<64x64xbf16>
    %slice3A_86 = vector.extract_strided_slice %reshape3A_8 {offsets = [13, 0, 0], sizes = [1, 64, 64], strides = [1, 1, 1]} : vector<64x64x64xf32> to vector<1x64x64xf32>
    %squeeze3A_87 = vector.shape_cast %slice3A_86 : vector<1x64x64xf32> to vector<64x64xf32>
    %convert_element_type3A_88 = arith.truncf %squeeze3A_87 : vector<64x64xf32> to vector<64x64xbf16>
    %dot_general3A_89 = arith.constant dense<0.000000e+00> : vector<64x64xf32>
    %dot_general3A_90 = tpu.matmul %convert_element_type3A_85, %convert_element_type3A_88, %dot_general3A_89 {dimension_numbers = #tpu.dot_dimension_numbers<[1], [0], [0], [1], [0, 0, 1, 1], [], []>, transpose_lhs_hint = false} : vector<64x64xbf16>, vector<64x64xbf16>, vector<64x64xf32> -> vector<64x64xf32>
    %convert_element_type3A_91 = arith.truncf %get3A_1 : vector<64x64xf32> to vector<64x64xbf16>
    %slice3A_92 = vector.extract_strided_slice %reshape3A_8 {offsets = [14, 0, 0], sizes = [1, 64, 64], strides = [1, 1, 1]} : vector<64x64x64xf32> to vector<1x64x64xf32>
    %squeeze3A_93 = vector.shape_cast %slice3A_92 : vector<1x64x64xf32> to vector<64x64xf32>
    %convert_element_type3A_94 = arith.truncf %squeeze3A_93 : vector<64x64xf32> to vector<64x64xbf16>
    %dot_general3A_95 = arith.constant dense<0.000000e+00> : vector<64x64xf32>
    %dot_general3A_96 = tpu.matmul %convert_element_type3A_91, %convert_element_type3A_94, %dot_general3A_95 {dimension_numbers = #tpu.dot_dimension_numbers<[1], [0], [0], [1], [0, 0, 1, 1], [], []>, transpose_lhs_hint = false} : vector<64x64xbf16>, vector<64x64xbf16>, vector<64x64xf32> -> vector<64x64xf32>
    %convert_element_type3A_97 = arith.truncf %get3A_1 : vector<64x64xf32> to vector<64x64xbf16>
    %slice3A_98 = vector.extract_strided_slice %reshape3A_8 {offsets = [15, 0, 0], sizes = [1, 64, 64], strides = [1, 1, 1]} : vector<64x64x64xf32> to vector<1x64x64xf32>
    %squeeze3A_99 = vector.shape_cast %slice3A_98 : vector<1x64x64xf32> to vector<64x64xf32>
    %convert_element_type3A_100 = arith.truncf %squeeze3A_99 : vector<64x64xf32> to vector<64x64xbf16>
    %dot_general3A_101 = arith.constant dense<0.000000e+00> : vector<64x64xf32>
    %dot_general3A_102 = tpu.matmul %convert_element_type3A_97, %convert_element_type3A_100, %dot_general3A_101 {dimension_numbers = #tpu.dot_dimension_numbers<[1], [0], [0], [1], [0, 0, 1, 1], [], []>, transpose_lhs_hint = false} : vector<64x64xbf16>, vector<64x64xbf16>, vector<64x64xf32> -> vector<64x64xf32>
    %convert_element_type3A_103 = arith.truncf %get3A_1 : vector<64x64xf32> to vector<64x64xbf16>
    %slice3A_104 = vector.extract_strided_slice %reshape3A_8 {offsets = [16, 0, 0], sizes = [1, 64, 64], strides = [1, 1, 1]} : vector<64x64x64xf32> to vector<1x64x64xf32>
    %squeeze3A_105 = vector.shape_cast %slice3A_104 : vector<1x64x64xf32> to vector<64x64xf32>
    %convert_element_type3A_106 = arith.truncf %squeeze3A_105 : vector<64x64xf32> to vector<64x64xbf16>
    %dot_general3A_107 = arith.constant dense<0.000000e+00> : vector<64x64xf32>
    %dot_general3A_108 = tpu.matmul %convert_element_type3A_103, %convert_element_type3A_106, %dot_general3A_107 {dimension_numbers = #tpu.dot_dimension_numbers<[1], [0], [0], [1], [0, 0, 1, 1], [], []>, transpose_lhs_hint = false} : vector<64x64xbf16>, vector<64x64xbf16>, vector<64x64xf32> -> vector<64x64xf32>
    %convert_element_type3A_109 = arith.truncf %get3A_1 : vector<64x64xf32> to vector<64x64xbf16>
    %slice3A_110 = vector.extract_strided_slice %reshape3A_8 {offsets = [17, 0, 0], sizes = [1, 64, 64], strides = [1, 1, 1]} : vector<64x64x64xf32> to vector<1x64x64xf32>
    %squeeze3A_111 = vector.shape_cast %slice3A_110 : vector<1x64x64xf32> to vector<64x64xf32>
    %convert_element_type3A_112 = arith.truncf %squeeze3A_111 : vector<64x64xf32> to vector<64x64xbf16>
    %dot_general3A_113 = arith.constant dense<0.000000e+00> : vector<64x64xf32>
    %dot_general3A_114 = tpu.matmul %convert_element_type3A_109, %convert_element_type3A_112, %dot_general3A_113 {dimension_numbers = #tpu.dot_dimension_numbers<[1], [0], [0], [1], [0, 0, 1, 1], [], []>, transpose_lhs_hint = false} : vector<64x64xbf16>, vector<64x64xbf16>, vector<64x64xf32> -> vector<64x64xf32>
    %convert_element_type3A_115 = arith.truncf %get3A_1 : vector<64x64xf32> to vector<64x64xbf16>
    %slice3A_116 = vector.extract_strided_slice %reshape3A_8 {offsets = [18, 0, 0], sizes = [1, 64, 64], strides = [1, 1, 1]} : vector<64x64x64xf32> to vector<1x64x64xf32>
    %squeeze3A_117 = vector.shape_cast %slice3A_116 : vector<1x64x64xf32> to vector<64x64xf32>
    %convert_element_type3A_118 = arith.truncf %squeeze3A_117 : vector<64x64xf32> to vector<64x64xbf16>
    %dot_general3A_119 = arith.constant dense<0.000000e+00> : vector<64x64xf32>
    %dot_general3A_120 = tpu.matmul %convert_element_type3A_115, %convert_element_type3A_118, %dot_general3A_119 {dimension_numbers = #tpu.dot_dimension_numbers<[1], [0], [0], [1], [0, 0, 1, 1], [], []>, transpose_lhs_hint = false} : vector<64x64xbf16>, vector<64x64xbf16>, vector<64x64xf32> -> vector<64x64xf32>
    %convert_element_type3A_121 = arith.truncf %get3A_1 : vector<64x64xf32> to vector<64x64xbf16>
    %slice3A_122 = vector.extract_strided_slice %reshape3A_8 {offsets = [19, 0, 0], sizes = [1, 64, 64], strides = [1, 1, 1]} : vector<64x64x64xf32> to vector<1x64x64xf32>
    %squeeze3A_123 = vector.shape_cast %slice3A_122 : vector<1x64x64xf32> to vector<64x64xf32>
    %convert_element_type3A_124 = arith.truncf %squeeze3A_123 : vector<64x64xf32> to vector<64x64xbf16>
    %dot_general3A_125 = arith.constant dense<0.000000e+00> : vector<64x64xf32>
    %dot_general3A_126 = tpu.matmul %convert_element_type3A_121, %convert_element_type3A_124, %dot_general3A_125 {dimension_numbers = #tpu.dot_dimension_numbers<[1], [0], [0], [1], [0, 0, 1, 1], [], []>, transpose_lhs_hint = false} : vector<64x64xbf16>, vector<64x64xbf16>, vector<64x64xf32> -> vector<64x64xf32>
    %convert_element_type3A_127 = arith.truncf %get3A_1 : vector<64x64xf32> to vector<64x64xbf16>
    %slice3A_128 = vector.extract_strided_slice %reshape3A_8 {offsets = [20, 0, 0], sizes = [1, 64, 64], strides = [1, 1, 1]} : vector<64x64x64xf32> to vector<1x64x64xf32>
    %squeeze3A_129 = vector.shape_cast %slice3A_128 : vector<1x64x64xf32> to vector<64x64xf32>
    %convert_element_type3A_130 = arith.truncf %squeeze3A_129 : vector<64x64xf32> to vector<64x64xbf16>
    %dot_general3A_131 = arith.constant dense<0.000000e+00> : vector<64x64xf32>
    %dot_general3A_132 = tpu.matmul %convert_element_type3A_127, %convert_element_type3A_130, %dot_general3A_131 {dimension_numbers = #tpu.dot_dimension_numbers<[1], [0], [0], [1], [0, 0, 1, 1], [], []>, transpose_lhs_hint = false} : vector<64x64xbf16>, vector<64x64xbf16>, vector<64x64xf32> -> vector<64x64xf32>
    %convert_element_type3A_133 = arith.truncf %get3A_1 : vector<64x64xf32> to vector<64x64xbf16>
    %slice3A_134 = vector.extract_strided_slice %reshape3A_8 {offsets = [21, 0, 0], sizes = [1, 64, 64], strides = [1, 1, 1]} : vector<64x64x64xf32> to vector<1x64x64xf32>
    %squeeze3A_135 = vector.shape_cast %slice3A_134 : vector<1x64x64xf32> to vector<64x64xf32>
    %convert_element_type3A_136 = arith.truncf %squeeze3A_135 : vector<64x64xf32> to vector<64x64xbf16>
    %dot_general3A_137 = arith.constant dense<0.000000e+00> : vector<64x64xf32>
    %dot_general3A_138 = tpu.matmul %convert_element_type3A_133, %convert_element_type3A_136, %dot_general3A_137 {dimension_numbers = #tpu.dot_dimension_numbers<[1], [0], [0], [1], [0, 0, 1, 1], [], []>, transpose_lhs_hint = false} : vector<64x64xbf16>, vector<64x64xbf16>, vector<64x64xf32> -> vector<64x64xf32>
    %convert_element_type3A_139 = arith.truncf %get3A_1 : vector<64x64xf32> to vector<64x64xbf16>
    %slice3A_140 = vector.extract_strided_slice %reshape3A_8 {offsets = [22, 0, 0], sizes = [1, 64, 64], strides = [1, 1, 1]} : vector<64x64x64xf32> to vector<1x64x64xf32>
    %squeeze3A_141 = vector.shape_cast %slice3A_140 : vector<1x64x64xf32> to vector<64x64xf32>
    %convert_element_type3A_142 = arith.truncf %squeeze3A_141 : vector<64x64xf32> to vector<64x64xbf16>
    %dot_general3A_143 = arith.constant dense<0.000000e+00> : vector<64x64xf32>
    %dot_general3A_144 = tpu.matmul %convert_element_type3A_139, %convert_element_type3A_142, %dot_general3A_143 {dimension_numbers = #tpu.dot_dimension_numbers<[1], [0], [0], [1], [0, 0, 1, 1], [], []>, transpose_lhs_hint = false} : vector<64x64xbf16>, vector<64x64xbf16>, vector<64x64xf32> -> vector<64x64xf32>
    %convert_element_type3A_145 = arith.truncf %get3A_1 : vector<64x64xf32> to vector<64x64xbf16>
    %slice3A_146 = vector.extract_strided_slice %reshape3A_8 {offsets = [23, 0, 0], sizes = [1, 64, 64], strides = [1, 1, 1]} : vector<64x64x64xf32> to vector<1x64x64xf32>
    %squeeze3A_147 = vector.shape_cast %slice3A_146 : vector<1x64x64xf32> to vector<64x64xf32>
    %convert_element_type3A_148 = arith.truncf %squeeze3A_147 : vector<64x64xf32> to vector<64x64xbf16>
    %dot_general3A_149 = arith.constant dense<0.000000e+00> : vector<64x64xf32>
    %dot_general3A_150 = tpu.matmul %convert_element_type3A_145, %convert_element_type3A_148, %dot_general3A_149 {dimension_numbers = #tpu.dot_dimension_numbers<[1], [0], [0], [1], [0, 0, 1, 1], [], []>, transpose_lhs_hint = false} : vector<64x64xbf16>, vector<64x64xbf16>, vector<64x64xf32> -> vector<64x64xf32>
    %convert_element_type3A_151 = arith.truncf %get3A_1 : vector<64x64xf32> to vector<64x64xbf16>
    %slice3A_152 = vector.extract_strided_slice %reshape3A_8 {offsets = [24, 0, 0], sizes = [1, 64, 64], strides = [1, 1, 1]} : vector<64x64x64xf32> to vector<1x64x64xf32>
    %squeeze3A_153 = vector.shape_cast %slice3A_152 : vector<1x64x64xf32> to vector<64x64xf32>
    %convert_element_type3A_154 = arith.truncf %squeeze3A_153 : vector<64x64xf32> to vector<64x64xbf16>
    %dot_general3A_155 = arith.constant dense<0.000000e+00> : vector<64x64xf32>
    %dot_general3A_156 = tpu.matmul %convert_element_type3A_151, %convert_element_type3A_154, %dot_general3A_155 {dimension_numbers = #tpu.dot_dimension_numbers<[1], [0], [0], [1], [0, 0, 1, 1], [], []>, transpose_lhs_hint = false} : vector<64x64xbf16>, vector<64x64xbf16>, vector<64x64xf32> -> vector<64x64xf32>
    %convert_element_type3A_157 = arith.truncf %get3A_1 : vector<64x64xf32> to vector<64x64xbf16>
    %slice3A_158 = vector.extract_strided_slice %reshape3A_8 {offsets = [25, 0, 0], sizes = [1, 64, 64], strides = [1, 1, 1]} : vector<64x64x64xf32> to vector<1x64x64xf32>
    %squeeze3A_159 = vector.shape_cast %slice3A_158 : vector<1x64x64xf32> to vector<64x64xf32>
    %convert_element_type3A_160 = arith.truncf %squeeze3A_159 : vector<64x64xf32> to vector<64x64xbf16>
    %dot_general3A_161 = arith.constant dense<0.000000e+00> : vector<64x64xf32>
    %dot_general3A_162 = tpu.matmul %convert_element_type3A_157, %convert_element_type3A_160, %dot_general3A_161 {dimension_numbers = #tpu.dot_dimension_numbers<[1], [0], [0], [1], [0, 0, 1, 1], [], []>, transpose_lhs_hint = false} : vector<64x64xbf16>, vector<64x64xbf16>, vector<64x64xf32> -> vector<64x64xf32>
    %convert_element_type3A_163 = arith.truncf %get3A_1 : vector<64x64xf32> to vector<64x64xbf16>
    %slice3A_164 = vector.extract_strided_slice %reshape3A_8 {offsets = [26, 0, 0], sizes = [1, 64, 64], strides = [1, 1, 1]} : vector<64x64x64xf32> to vector<1x64x64xf32>
    %squeeze3A_165 = vector.shape_cast %slice3A_164 : vector<1x64x64xf32> to vector<64x64xf32>
    %convert_element_type3A_166 = arith.truncf %squeeze3A_165 : vector<64x64xf32> to vector<64x64xbf16>
    %dot_general3A_167 = arith.constant dense<0.000000e+00> : vector<64x64xf32>
    %dot_general3A_168 = tpu.matmul %convert_element_type3A_163, %convert_element_type3A_166, %dot_general3A_167 {dimension_numbers = #tpu.dot_dimension_numbers<[1], [0], [0], [1], [0, 0, 1, 1], [], []>, transpose_lhs_hint = false} : vector<64x64xbf16>, vector<64x64xbf16>, vector<64x64xf32> -> vector<64x64xf32>
    %convert_element_type3A_169 = arith.truncf %get3A_1 : vector<64x64xf32> to vector<64x64xbf16>
    %slice3A_170 = vector.extract_strided_slice %reshape3A_8 {offsets = [27, 0, 0], sizes = [1, 64, 64], strides = [1, 1, 1]} : vector<64x64x64xf32> to vector<1x64x64xf32>
    %squeeze3A_171 = vector.shape_cast %slice3A_170 : vector<1x64x64xf32> to vector<64x64xf32>
    %convert_element_type3A_172 = arith.truncf %squeeze3A_171 : vector<64x64xf32> to vector<64x64xbf16>
    %dot_general3A_173 = arith.constant dense<0.000000e+00> : vector<64x64xf32>
    %dot_general3A_174 = tpu.matmul %convert_element_type3A_169, %convert_element_type3A_172, %dot_general3A_173 {dimension_numbers = #tpu.dot_dimension_numbers<[1], [0], [0], [1], [0, 0, 1, 1], [], []>, transpose_lhs_hint = false} : vector<64x64xbf16>, vector<64x64xbf16>, vector<64x64xf32> -> vector<64x64xf32>
    %convert_element_type3A_175 = arith.truncf %get3A_1 : vector<64x64xf32> to vector<64x64xbf16>
    %slice3A_176 = vector.extract_strided_slice %reshape3A_8 {offsets = [28, 0, 0], sizes = [1, 64, 64], strides = [1, 1, 1]} : vector<64x64x64xf32> to vector<1x64x64xf32>
    %squeeze3A_177 = vector.shape_cast %slice3A_176 : vector<1x64x64xf32> to vector<64x64xf32>
    %convert_element_type3A_178 = arith.truncf %squeeze3A_177 : vector<64x64xf32> to vector<64x64xbf16>
    %dot_general3A_179 = arith.constant dense<0.000000e+00> : vector<64x64xf32>
    %dot_general3A_180 = tpu.matmul %convert_element_type3A_175, %convert_element_type3A_178, %dot_general3A_179 {dimension_numbers = #tpu.dot_dimension_numbers<[1], [0], [0], [1], [0, 0, 1, 1], [], []>, transpose_lhs_hint = false} : vector<64x64xbf16>, vector<64x64xbf16>, vector<64x64xf32> -> vector<64x64xf32>
    %convert_element_type3A_181 = arith.truncf %get3A_1 : vector<64x64xf32> to vector<64x64xbf16>
    %slice3A_182 = vector.extract_strided_slice %reshape3A_8 {offsets = [29, 0, 0], sizes = [1, 64, 64], strides = [1, 1, 1]} : vector<64x64x64xf32> to vector<1x64x64xf32>
    %squeeze3A_183 = vector.shape_cast %slice3A_182 : vector<1x64x64xf32> to vector<64x64xf32>
    %convert_element_type3A_184 = arith.truncf %squeeze3A_183 : vector<64x64xf32> to vector<64x64xbf16>
    %dot_general3A_185 = arith.constant dense<0.000000e+00> : vector<64x64xf32>
    %dot_general3A_186 = tpu.matmul %convert_element_type3A_181, %convert_element_type3A_184, %dot_general3A_185 {dimension_numbers = #tpu.dot_dimension_numbers<[1], [0], [0], [1], [0, 0, 1, 1], [], []>, transpose_lhs_hint = false} : vector<64x64xbf16>, vector<64x64xbf16>, vector<64x64xf32> -> vector<64x64xf32>
    %convert_element_type3A_187 = arith.truncf %get3A_1 : vector<64x64xf32> to vector<64x64xbf16>
    %slice3A_188 = vector.extract_strided_slice %reshape3A_8 {offsets = [30, 0, 0], sizes = [1, 64, 64], strides = [1, 1, 1]} : vector<64x64x64xf32> to vector<1x64x64xf32>
    %squeeze3A_189 = vector.shape_cast %slice3A_188 : vector<1x64x64xf32> to vector<64x64xf32>
    %convert_element_type3A_190 = arith.truncf %squeeze3A_189 : vector<64x64xf32> to vector<64x64xbf16>
    %dot_general3A_191 = arith.constant dense<0.000000e+00> : vector<64x64xf32>
    %dot_general3A_192 = tpu.matmul %convert_element_type3A_187, %convert_element_type3A_190, %dot_general3A_191 {dimension_numbers = #tpu.dot_dimension_numbers<[1], [0], [0], [1], [0, 0, 1, 1], [], []>, transpose_lhs_hint = false} : vector<64x64xbf16>, vector<64x64xbf16>, vector<64x64xf32> -> vector<64x64xf32>
    %convert_element_type3A_193 = arith.truncf %get3A_1 : vector<64x64xf32> to vector<64x64xbf16>
    %slice3A_194 = vector.extract_strided_slice %reshape3A_8 {offsets = [31, 0, 0], sizes = [1, 64, 64], strides = [1, 1, 1]} : vector<64x64x64xf32> to vector<1x64x64xf32>
    %squeeze3A_195 = vector.shape_cast %slice3A_194 : vector<1x64x64xf32> to vector<64x64xf32>
    %convert_element_type3A_196 = arith.truncf %squeeze3A_195 : vector<64x64xf32> to vector<64x64xbf16>
    %dot_general3A_197 = arith.constant dense<0.000000e+00> : vector<64x64xf32>
    %dot_general3A_198 = tpu.matmul %convert_element_type3A_193, %convert_element_type3A_196, %dot_general3A_197 {dimension_numbers = #tpu.dot_dimension_numbers<[1], [0], [0], [1], [0, 0, 1, 1], [], []>, transpose_lhs_hint = false} : vector<64x64xbf16>, vector<64x64xbf16>, vector<64x64xf32> -> vector<64x64xf32>
    %convert_element_type3A_199 = arith.truncf %get3A_1 : vector<64x64xf32> to vector<64x64xbf16>
    %slice3A_200 = vector.extract_strided_slice %reshape3A_8 {offsets = [32, 0, 0], sizes = [1, 64, 64], strides = [1, 1, 1]} : vector<64x64x64xf32> to vector<1x64x64xf32>
    %squeeze3A_201 = vector.shape_cast %slice3A_200 : vector<1x64x64xf32> to vector<64x64xf32>
    %convert_element_type3A_202 = arith.truncf %squeeze3A_201 : vector<64x64xf32> to vector<64x64xbf16>
    %dot_general3A_203 = arith.constant dense<0.000000e+00> : vector<64x64xf32>
    %dot_general3A_204 = tpu.matmul %convert_element_type3A_199, %convert_element_type3A_202, %dot_general3A_203 {dimension_numbers = #tpu.dot_dimension_numbers<[1], [0], [0], [1], [0, 0, 1, 1], [], []>, transpose_lhs_hint = false} : vector<64x64xbf16>, vector<64x64xbf16>, vector<64x64xf32> -> vector<64x64xf32>
    %convert_element_type3A_205 = arith.truncf %get3A_1 : vector<64x64xf32> to vector<64x64xbf16>
    %slice3A_206 = vector.extract_strided_slice %reshape3A_8 {offsets = [33, 0, 0], sizes = [1, 64, 64], strides = [1, 1, 1]} : vector<64x64x64xf32> to vector<1x64x64xf32>
    %squeeze3A_207 = vector.shape_cast %slice3A_206 : vector<1x64x64xf32> to vector<64x64xf32>
    %convert_element_type3A_208 = arith.truncf %squeeze3A_207 : vector<64x64xf32> to vector<64x64xbf16>
    %dot_general3A_209 = arith.constant dense<0.000000e+00> : vector<64x64xf32>
    %dot_general3A_210 = tpu.matmul %convert_element_type3A_205, %convert_element_type3A_208, %dot_general3A_209 {dimension_numbers = #tpu.dot_dimension_numbers<[1], [0], [0], [1], [0, 0, 1, 1], [], []>, transpose_lhs_hint = false} : vector<64x64xbf16>, vector<64x64xbf16>, vector<64x64xf32> -> vector<64x64xf32>
    %convert_element_type3A_211 = arith.truncf %get3A_1 : vector<64x64xf32> to vector<64x64xbf16>
    %slice3A_212 = vector.extract_strided_slice %reshape3A_8 {offsets = [34, 0, 0], sizes = [1, 64, 64], strides = [1, 1, 1]} : vector<64x64x64xf32> to vector<1x64x64xf32>
    %squeeze3A_213 = vector.shape_cast %slice3A_212 : vector<1x64x64xf32> to vector<64x64xf32>
    %convert_element_type3A_214 = arith.truncf %squeeze3A_213 : vector<64x64xf32> to vector<64x64xbf16>
    %dot_general3A_215 = arith.constant dense<0.000000e+00> : vector<64x64xf32>
    %dot_general3A_216 = tpu.matmul %convert_element_type3A_211, %convert_element_type3A_214, %dot_general3A_215 {dimension_numbers = #tpu.dot_dimension_numbers<[1], [0], [0], [1], [0, 0, 1, 1], [], []>, transpose_lhs_hint = false} : vector<64x64xbf16>, vector<64x64xbf16>, vector<64x64xf32> -> vector<64x64xf32>
    %convert_element_type3A_217 = arith.truncf %get3A_1 : vector<64x64xf32> to vector<64x64xbf16>
    %slice3A_218 = vector.extract_strided_slice %reshape3A_8 {offsets = [35, 0, 0], sizes = [1, 64, 64], strides = [1, 1, 1]} : vector<64x64x64xf32> to vector<1x64x64xf32>
    %squeeze3A_219 = vector.shape_cast %slice3A_218 : vector<1x64x64xf32> to vector<64x64xf32>
    %convert_element_type3A_220 = arith.truncf %squeeze3A_219 : vector<64x64xf32> to vector<64x64xbf16>
    %dot_general3A_221 = arith.constant dense<0.000000e+00> : vector<64x64xf32>
    %dot_general3A_222 = tpu.matmul %convert_element_type3A_217, %convert_element_type3A_220, %dot_general3A_221 {dimension_numbers = #tpu.dot_dimension_numbers<[1], [0], [0], [1], [0, 0, 1, 1], [], []>, transpose_lhs_hint = false} : vector<64x64xbf16>, vector<64x64xbf16>, vector<64x64xf32> -> vector<64x64xf32>
    %convert_element_type3A_223 = arith.truncf %get3A_1 : vector<64x64xf32> to vector<64x64xbf16>
    %slice3A_224 = vector.extract_strided_slice %reshape3A_8 {offsets = [36, 0, 0], sizes = [1, 64, 64], strides = [1, 1, 1]} : vector<64x64x64xf32> to vector<1x64x64xf32>
    %squeeze3A_225 = vector.shape_cast %slice3A_224 : vector<1x64x64xf32> to vector<64x64xf32>
    %convert_element_type3A_226 = arith.truncf %squeeze3A_225 : vector<64x64xf32> to vector<64x64xbf16>
    %dot_general3A_227 = arith.constant dense<0.000000e+00> : vector<64x64xf32>
    %dot_general3A_228 = tpu.matmul %convert_element_type3A_223, %convert_element_type3A_226, %dot_general3A_227 {dimension_numbers = #tpu.dot_dimension_numbers<[1], [0], [0], [1], [0, 0, 1, 1], [], []>, transpose_lhs_hint = false} : vector<64x64xbf16>, vector<64x64xbf16>, vector<64x64xf32> -> vector<64x64xf32>
    %convert_element_type3A_229 = arith.truncf %get3A_1 : vector<64x64xf32> to vector<64x64xbf16>
    %slice3A_230 = vector.extract_strided_slice %reshape3A_8 {offsets = [37, 0, 0], sizes = [1, 64, 64], strides = [1, 1, 1]} : vector<64x64x64xf32> to vector<1x64x64xf32>
    %squeeze3A_231 = vector.shape_cast %slice3A_230 : vector<1x64x64xf32> to vector<64x64xf32>
    %convert_element_type3A_232 = arith.truncf %squeeze3A_231 : vector<64x64xf32> to vector<64x64xbf16>
    %dot_general3A_233 = arith.constant dense<0.000000e+00> : vector<64x64xf32>
    %dot_general3A_234 = tpu.matmul %convert_element_type3A_229, %convert_element_type3A_232, %dot_general3A_233 {dimension_numbers = #tpu.dot_dimension_numbers<[1], [0], [0], [1], [0, 0, 1, 1], [], []>, transpose_lhs_hint = false} : vector<64x64xbf16>, vector<64x64xbf16>, vector<64x64xf32> -> vector<64x64xf32>
    %convert_element_type3A_235 = arith.truncf %get3A_1 : vector<64x64xf32> to vector<64x64xbf16>
    %slice3A_236 = vector.extract_strided_slice %reshape3A_8 {offsets = [38, 0, 0], sizes = [1, 64, 64], strides = [1, 1, 1]} : vector<64x64x64xf32> to vector<1x64x64xf32>
    %squeeze3A_237 = vector.shape_cast %slice3A_236 : vector<1x64x64xf32> to vector<64x64xf32>
    %convert_element_type3A_238 = arith.truncf %squeeze3A_237 : vector<64x64xf32> to vector<64x64xbf16>
    %dot_general3A_239 = arith.constant dense<0.000000e+00> : vector<64x64xf32>
    %dot_general3A_240 = tpu.matmul %convert_element_type3A_235, %convert_element_type3A_238, %dot_general3A_239 {dimension_numbers = #tpu.dot_dimension_numbers<[1], [0], [0], [1], [0, 0, 1, 1], [], []>, transpose_lhs_hint = false} : vector<64x64xbf16>, vector<64x64xbf16>, vector<64x64xf32> -> vector<64x64xf32>
    %convert_element_type3A_241 = arith.truncf %get3A_1 : vector<64x64xf32> to vector<64x64xbf16>
    %slice3A_242 = vector.extract_strided_slice %reshape3A_8 {offsets = [39, 0, 0], sizes = [1, 64, 64], strides = [1, 1, 1]} : vector<64x64x64xf32> to vector<1x64x64xf32>
    %squeeze3A_243 = vector.shape_cast %slice3A_242 : vector<1x64x64xf32> to vector<64x64xf32>
    %convert_element_type3A_244 = arith.truncf %squeeze3A_243 : vector<64x64xf32> to vector<64x64xbf16>
    %dot_general3A_245 = arith.constant dense<0.000000e+00> : vector<64x64xf32>
    %dot_general3A_246 = tpu.matmul %convert_element_type3A_241, %convert_element_type3A_244, %dot_general3A_245 {dimension_numbers = #tpu.dot_dimension_numbers<[1], [0], [0], [1], [0, 0, 1, 1], [], []>, transpose_lhs_hint = false} : vector<64x64xbf16>, vector<64x64xbf16>, vector<64x64xf32> -> vector<64x64xf32>
    %convert_element_type3A_247 = arith.truncf %get3A_1 : vector<64x64xf32> to vector<64x64xbf16>
    %slice3A_248 = vector.extract_strided_slice %reshape3A_8 {offsets = [40, 0, 0], sizes = [1, 64, 64], strides = [1, 1, 1]} : vector<64x64x64xf32> to vector<1x64x64xf32>
    %squeeze3A_249 = vector.shape_cast %slice3A_248 : vector<1x64x64xf32> to vector<64x64xf32>
    %convert_element_type3A_250 = arith.truncf %squeeze3A_249 : vector<64x64xf32> to vector<64x64xbf16>
    %dot_general3A_251 = arith.constant dense<0.000000e+00> : vector<64x64xf32>
    %dot_general3A_252 = tpu.matmul %convert_element_type3A_247, %convert_element_type3A_250, %dot_general3A_251 {dimension_numbers = #tpu.dot_dimension_numbers<[1], [0], [0], [1], [0, 0, 1, 1], [], []>, transpose_lhs_hint = false} : vector<64x64xbf16>, vector<64x64xbf16>, vector<64x64xf32> -> vector<64x64xf32>
    %convert_element_type3A_253 = arith.truncf %get3A_1 : vector<64x64xf32> to vector<64x64xbf16>
    %slice3A_254 = vector.extract_strided_slice %reshape3A_8 {offsets = [41, 0, 0], sizes = [1, 64, 64], strides = [1, 1, 1]} : vector<64x64x64xf32> to vector<1x64x64xf32>
    %squeeze3A_255 = vector.shape_cast %slice3A_254 : vector<1x64x64xf32> to vector<64x64xf32>
    %convert_element_type3A_256 = arith.truncf %squeeze3A_255 : vector<64x64xf32> to vector<64x64xbf16>
    %dot_general3A_257 = arith.constant dense<0.000000e+00> : vector<64x64xf32>
    %dot_general3A_258 = tpu.matmul %convert_element_type3A_253, %convert_element_type3A_256, %dot_general3A_257 {dimension_numbers = #tpu.dot_dimension_numbers<[1], [0], [0], [1], [0, 0, 1, 1], [], []>, transpose_lhs_hint = false} : vector<64x64xbf16>, vector<64x64xbf16>, vector<64x64xf32> -> vector<64x64xf32>
    %convert_element_type3A_259 = arith.truncf %get3A_1 : vector<64x64xf32> to vector<64x64xbf16>
    %slice3A_260 = vector.extract_strided_slice %reshape3A_8 {offsets = [42, 0, 0], sizes = [1, 64, 64], strides = [1, 1, 1]} : vector<64x64x64xf32> to vector<1x64x64xf32>
    %squeeze3A_261 = vector.shape_cast %slice3A_260 : vector<1x64x64xf32> to vector<64x64xf32>
    %convert_element_type3A_262 = arith.truncf %squeeze3A_261 : vector<64x64xf32> to vector<64x64xbf16>
    %dot_general3A_263 = arith.constant dense<0.000000e+00> : vector<64x64xf32>
    %dot_general3A_264 = tpu.matmul %convert_element_type3A_259, %convert_element_type3A_262, %dot_general3A_263 {dimension_numbers = #tpu.dot_dimension_numbers<[1], [0], [0], [1], [0, 0, 1, 1], [], []>, transpose_lhs_hint = false} : vector<64x64xbf16>, vector<64x64xbf16>, vector<64x64xf32> -> vector<64x64xf32>
    %convert_element_type3A_265 = arith.truncf %get3A_1 : vector<64x64xf32> to vector<64x64xbf16>
    %slice3A_266 = vector.extract_strided_slice %reshape3A_8 {offsets = [43, 0, 0], sizes = [1, 64, 64], strides = [1, 1, 1]} : vector<64x64x64xf32> to vector<1x64x64xf32>
    %squeeze3A_267 = vector.shape_cast %slice3A_266 : vector<1x64x64xf32> to vector<64x64xf32>
    %convert_element_type3A_268 = arith.truncf %squeeze3A_267 : vector<64x64xf32> to vector<64x64xbf16>
    %dot_general3A_269 = arith.constant dense<0.000000e+00> : vector<64x64xf32>
    %dot_general3A_270 = tpu.matmul %convert_element_type3A_265, %convert_element_type3A_268, %dot_general3A_269 {dimension_numbers = #tpu.dot_dimension_numbers<[1], [0], [0], [1], [0, 0, 1, 1], [], []>, transpose_lhs_hint = false} : vector<64x64xbf16>, vector<64x64xbf16>, vector<64x64xf32> -> vector<64x64xf32>
    %convert_element_type3A_271 = arith.truncf %get3A_1 : vector<64x64xf32> to vector<64x64xbf16>
    %slice3A_272 = vector.extract_strided_slice %reshape3A_8 {offsets = [44, 0, 0], sizes = [1, 64, 64], strides = [1, 1, 1]} : vector<64x64x64xf32> to vector<1x64x64xf32>
    %squeeze3A_273 = vector.shape_cast %slice3A_272 : vector<1x64x64xf32> to vector<64x64xf32>
    %convert_element_type3A_274 = arith.truncf %squeeze3A_273 : vector<64x64xf32> to vector<64x64xbf16>
    %dot_general3A_275 = arith.constant dense<0.000000e+00> : vector<64x64xf32>
    %dot_general3A_276 = tpu.matmul %convert_element_type3A_271, %convert_element_type3A_274, %dot_general3A_275 {dimension_numbers = #tpu.dot_dimension_numbers<[1], [0], [0], [1], [0, 0, 1, 1], [], []>, transpose_lhs_hint = false} : vector<64x64xbf16>, vector<64x64xbf16>, vector<64x64xf32> -> vector<64x64xf32>
    %convert_element_type3A_277 = arith.truncf %get3A_1 : vector<64x64xf32> to vector<64x64xbf16>
    %slice3A_278 = vector.extract_strided_slice %reshape3A_8 {offsets = [45, 0, 0], sizes = [1, 64, 64], strides = [1, 1, 1]} : vector<64x64x64xf32> to vector<1x64x64xf32>
    %squeeze3A_279 = vector.shape_cast %slice3A_278 : vector<1x64x64xf32> to vector<64x64xf32>
    %convert_element_type3A_280 = arith.truncf %squeeze3A_279 : vector<64x64xf32> to vector<64x64xbf16>
    %dot_general3A_281 = arith.constant dense<0.000000e+00> : vector<64x64xf32>
    %dot_general3A_282 = tpu.matmul %convert_element_type3A_277, %convert_element_type3A_280, %dot_general3A_281 {dimension_numbers = #tpu.dot_dimension_numbers<[1], [0], [0], [1], [0, 0, 1, 1], [], []>, transpose_lhs_hint = false} : vector<64x64xbf16>, vector<64x64xbf16>, vector<64x64xf32> -> vector<64x64xf32>
    %convert_element_type3A_283 = arith.truncf %get3A_1 : vector<64x64xf32> to vector<64x64xbf16>
    %slice3A_284 = vector.extract_strided_slice %reshape3A_8 {offsets = [46, 0, 0], sizes = [1, 64, 64], strides = [1, 1, 1]} : vector<64x64x64xf32> to vector<1x64x64xf32>
    %squeeze3A_285 = vector.shape_cast %slice3A_284 : vector<1x64x64xf32> to vector<64x64xf32>
    %convert_element_type3A_286 = arith.truncf %squeeze3A_285 : vector<64x64xf32> to vector<64x64xbf16>
    %dot_general3A_287 = arith.constant dense<0.000000e+00> : vector<64x64xf32>
    %dot_general3A_288 = tpu.matmul %convert_element_type3A_283, %convert_element_type3A_286, %dot_general3A_287 {dimension_numbers = #tpu.dot_dimension_numbers<[1], [0], [0], [1], [0, 0, 1, 1], [], []>, transpose_lhs_hint = false} : vector<64x64xbf16>, vector<64x64xbf16>, vector<64x64xf32> -> vector<64x64xf32>
    %convert_element_type3A_289 = arith.truncf %get3A_1 : vector<64x64xf32> to vector<64x64xbf16>
    %slice3A_290 = vector.extract_strided_slice %reshape3A_8 {offsets = [47, 0, 0], sizes = [1, 64, 64], strides = [1, 1, 1]} : vector<64x64x64xf32> to vector<1x64x64xf32>
    %squeeze3A_291 = vector.shape_cast %slice3A_290 : vector<1x64x64xf32> to vector<64x64xf32>
    %convert_element_type3A_292 = arith.truncf %squeeze3A_291 : vector<64x64xf32> to vector<64x64xbf16>
    %dot_general3A_293 = arith.constant dense<0.000000e+00> : vector<64x64xf32>
    %dot_general3A_294 = tpu.matmul %convert_element_type3A_289, %convert_element_type3A_292, %dot_general3A_293 {dimension_numbers = #tpu.dot_dimension_numbers<[1], [0], [0], [1], [0, 0, 1, 1], [], []>, transpose_lhs_hint = false} : vector<64x64xbf16>, vector<64x64xbf16>, vector<64x64xf32> -> vector<64x64xf32>
    %convert_element_type3A_295 = arith.truncf %get3A_1 : vector<64x64xf32> to vector<64x64xbf16>
    %slice3A_296 = vector.extract_strided_slice %reshape3A_8 {offsets = [48, 0, 0], sizes = [1, 64, 64], strides = [1, 1, 1]} : vector<64x64x64xf32> to vector<1x64x64xf32>
    %squeeze3A_297 = vector.shape_cast %slice3A_296 : vector<1x64x64xf32> to vector<64x64xf32>
    %convert_element_type3A_298 = arith.truncf %squeeze3A_297 : vector<64x64xf32> to vector<64x64xbf16>
    %dot_general3A_299 = arith.constant dense<0.000000e+00> : vector<64x64xf32>
    %dot_general3A_300 = tpu.matmul %convert_element_type3A_295, %convert_element_type3A_298, %dot_general3A_299 {dimension_numbers = #tpu.dot_dimension_numbers<[1], [0], [0], [1], [0, 0, 1, 1], [], []>, transpose_lhs_hint = false} : vector<64x64xbf16>, vector<64x64xbf16>, vector<64x64xf32> -> vector<64x64xf32>
    %convert_element_type3A_301 = arith.truncf %get3A_1 : vector<64x64xf32> to vector<64x64xbf16>
    %slice3A_302 = vector.extract_strided_slice %reshape3A_8 {offsets = [49, 0, 0], sizes = [1, 64, 64], strides = [1, 1, 1]} : vector<64x64x64xf32> to vector<1x64x64xf32>
    %squeeze3A_303 = vector.shape_cast %slice3A_302 : vector<1x64x64xf32> to vector<64x64xf32>
    %convert_element_type3A_304 = arith.truncf %squeeze3A_303 : vector<64x64xf32> to vector<64x64xbf16>
    %dot_general3A_305 = arith.constant dense<0.000000e+00> : vector<64x64xf32>
    %dot_general3A_306 = tpu.matmul %convert_element_type3A_301, %convert_element_type3A_304, %dot_general3A_305 {dimension_numbers = #tpu.dot_dimension_numbers<[1], [0], [0], [1], [0, 0, 1, 1], [], []>, transpose_lhs_hint = false} : vector<64x64xbf16>, vector<64x64xbf16>, vector<64x64xf32> -> vector<64x64xf32>
    %convert_element_type3A_307 = arith.truncf %get3A_1 : vector<64x64xf32> to vector<64x64xbf16>
    %slice3A_308 = vector.extract_strided_slice %reshape3A_8 {offsets = [50, 0, 0], sizes = [1, 64, 64], strides = [1, 1, 1]} : vector<64x64x64xf32> to vector<1x64x64xf32>
    %squeeze3A_309 = vector.shape_cast %slice3A_308 : vector<1x64x64xf32> to vector<64x64xf32>
    %convert_element_type3A_310 = arith.truncf %squeeze3A_309 : vector<64x64xf32> to vector<64x64xbf16>
    %dot_general3A_311 = arith.constant dense<0.000000e+00> : vector<64x64xf32>
    %dot_general3A_312 = tpu.matmul %convert_element_type3A_307, %convert_element_type3A_310, %dot_general3A_311 {dimension_numbers = #tpu.dot_dimension_numbers<[1], [0], [0], [1], [0, 0, 1, 1], [], []>, transpose_lhs_hint = false} : vector<64x64xbf16>, vector<64x64xbf16>, vector<64x64xf32> -> vector<64x64xf32>
    %convert_element_type3A_313 = arith.truncf %get3A_1 : vector<64x64xf32> to vector<64x64xbf16>
    %slice3A_314 = vector.extract_strided_slice %reshape3A_8 {offsets = [51, 0, 0], sizes = [1, 64, 64], strides = [1, 1, 1]} : vector<64x64x64xf32> to vector<1x64x64xf32>
    %squeeze3A_315 = vector.shape_cast %slice3A_314 : vector<1x64x64xf32> to vector<64x64xf32>
    %convert_element_type3A_316 = arith.truncf %squeeze3A_315 : vector<64x64xf32> to vector<64x64xbf16>
    %dot_general3A_317 = arith.constant dense<0.000000e+00> : vector<64x64xf32>
    %dot_general3A_318 = tpu.matmul %convert_element_type3A_313, %convert_element_type3A_316, %dot_general3A_317 {dimension_numbers = #tpu.dot_dimension_numbers<[1], [0], [0], [1], [0, 0, 1, 1], [], []>, transpose_lhs_hint = false} : vector<64x64xbf16>, vector<64x64xbf16>, vector<64x64xf32> -> vector<64x64xf32>
    %convert_element_type3A_319 = arith.truncf %get3A_1 : vector<64x64xf32> to vector<64x64xbf16>
    %slice3A_320 = vector.extract_strided_slice %reshape3A_8 {offsets = [52, 0, 0], sizes = [1, 64, 64], strides = [1, 1, 1]} : vector<64x64x64xf32> to vector<1x64x64xf32>
    %squeeze3A_321 = vector.shape_cast %slice3A_320 : vector<1x64x64xf32> to vector<64x64xf32>
    %convert_element_type3A_322 = arith.truncf %squeeze3A_321 : vector<64x64xf32> to vector<64x64xbf16>
    %dot_general3A_323 = arith.constant dense<0.000000e+00> : vector<64x64xf32>
    %dot_general3A_324 = tpu.matmul %convert_element_type3A_319, %convert_element_type3A_322, %dot_general3A_323 {dimension_numbers = #tpu.dot_dimension_numbers<[1], [0], [0], [1], [0, 0, 1, 1], [], []>, transpose_lhs_hint = false} : vector<64x64xbf16>, vector<64x64xbf16>, vector<64x64xf32> -> vector<64x64xf32>
    %convert_element_type3A_325 = arith.truncf %get3A_1 : vector<64x64xf32> to vector<64x64xbf16>
    %slice3A_326 = vector.extract_strided_slice %reshape3A_8 {offsets = [53, 0, 0], sizes = [1, 64, 64], strides = [1, 1, 1]} : vector<64x64x64xf32> to vector<1x64x64xf32>
    %squeeze3A_327 = vector.shape_cast %slice3A_326 : vector<1x64x64xf32> to vector<64x64xf32>
    %convert_element_type3A_328 = arith.truncf %squeeze3A_327 : vector<64x64xf32> to vector<64x64xbf16>
    %dot_general3A_329 = arith.constant dense<0.000000e+00> : vector<64x64xf32>
    %dot_general3A_330 = tpu.matmul %convert_element_type3A_325, %convert_element_type3A_328, %dot_general3A_329 {dimension_numbers = #tpu.dot_dimension_numbers<[1], [0], [0], [1], [0, 0, 1, 1], [], []>, transpose_lhs_hint = false} : vector<64x64xbf16>, vector<64x64xbf16>, vector<64x64xf32> -> vector<64x64xf32>
    %convert_element_type3A_331 = arith.truncf %get3A_1 : vector<64x64xf32> to vector<64x64xbf16>
    %slice3A_332 = vector.extract_strided_slice %reshape3A_8 {offsets = [54, 0, 0], sizes = [1, 64, 64], strides = [1, 1, 1]} : vector<64x64x64xf32> to vector<1x64x64xf32>
    %squeeze3A_333 = vector.shape_cast %slice3A_332 : vector<1x64x64xf32> to vector<64x64xf32>
    %convert_element_type3A_334 = arith.truncf %squeeze3A_333 : vector<64x64xf32> to vector<64x64xbf16>
    %dot_general3A_335 = arith.constant dense<0.000000e+00> : vector<64x64xf32>
    %dot_general3A_336 = tpu.matmul %convert_element_type3A_331, %convert_element_type3A_334, %dot_general3A_335 {dimension_numbers = #tpu.dot_dimension_numbers<[1], [0], [0], [1], [0, 0, 1, 1], [], []>, transpose_lhs_hint = false} : vector<64x64xbf16>, vector<64x64xbf16>, vector<64x64xf32> -> vector<64x64xf32>
    %convert_element_type3A_337 = arith.truncf %get3A_1 : vector<64x64xf32> to vector<64x64xbf16>
    %slice3A_338 = vector.extract_strided_slice %reshape3A_8 {offsets = [55, 0, 0], sizes = [1, 64, 64], strides = [1, 1, 1]} : vector<64x64x64xf32> to vector<1x64x64xf32>
    %squeeze3A_339 = vector.shape_cast %slice3A_338 : vector<1x64x64xf32> to vector<64x64xf32>
    %convert_element_type3A_340 = arith.truncf %squeeze3A_339 : vector<64x64xf32> to vector<64x64xbf16>
    %dot_general3A_341 = arith.constant dense<0.000000e+00> : vector<64x64xf32>
    %dot_general3A_342 = tpu.matmul %convert_element_type3A_337, %convert_element_type3A_340, %dot_general3A_341 {dimension_numbers = #tpu.dot_dimension_numbers<[1], [0], [0], [1], [0, 0, 1, 1], [], []>, transpose_lhs_hint = false} : vector<64x64xbf16>, vector<64x64xbf16>, vector<64x64xf32> -> vector<64x64xf32>
    %convert_element_type3A_343 = arith.truncf %get3A_1 : vector<64x64xf32> to vector<64x64xbf16>
    %slice3A_344 = vector.extract_strided_slice %reshape3A_8 {offsets = [56, 0, 0], sizes = [1, 64, 64], strides = [1, 1, 1]} : vector<64x64x64xf32> to vector<1x64x64xf32>
    %squeeze3A_345 = vector.shape_cast %slice3A_344 : vector<1x64x64xf32> to vector<64x64xf32>
    %convert_element_type3A_346 = arith.truncf %squeeze3A_345 : vector<64x64xf32> to vector<64x64xbf16>
    %dot_general3A_347 = arith.constant dense<0.000000e+00> : vector<64x64xf32>
    %dot_general3A_348 = tpu.matmul %convert_element_type3A_343, %convert_element_type3A_346, %dot_general3A_347 {dimension_numbers = #tpu.dot_dimension_numbers<[1], [0], [0], [1], [0, 0, 1, 1], [], []>, transpose_lhs_hint = false} : vector<64x64xbf16>, vector<64x64xbf16>, vector<64x64xf32> -> vector<64x64xf32>
    %convert_element_type3A_349 = arith.truncf %get3A_1 : vector<64x64xf32> to vector<64x64xbf16>
    %slice3A_350 = vector.extract_strided_slice %reshape3A_8 {offsets = [57, 0, 0], sizes = [1, 64, 64], strides = [1, 1, 1]} : vector<64x64x64xf32> to vector<1x64x64xf32>
    %squeeze3A_351 = vector.shape_cast %slice3A_350 : vector<1x64x64xf32> to vector<64x64xf32>
    %convert_element_type3A_352 = arith.truncf %squeeze3A_351 : vector<64x64xf32> to vector<64x64xbf16>
    %dot_general3A_353 = arith.constant dense<0.000000e+00> : vector<64x64xf32>
    %dot_general3A_354 = tpu.matmul %convert_element_type3A_349, %convert_element_type3A_352, %dot_general3A_353 {dimension_numbers = #tpu.dot_dimension_numbers<[1], [0], [0], [1], [0, 0, 1, 1], [], []>, transpose_lhs_hint = false} : vector<64x64xbf16>, vector<64x64xbf16>, vector<64x64xf32> -> vector<64x64xf32>
    %convert_element_type3A_355 = arith.truncf %get3A_1 : vector<64x64xf32> to vector<64x64xbf16>
    %slice3A_356 = vector.extract_strided_slice %reshape3A_8 {offsets = [58, 0, 0], sizes = [1, 64, 64], strides = [1, 1, 1]} : vector<64x64x64xf32> to vector<1x64x64xf32>
    %squeeze3A_357 = vector.shape_cast %slice3A_356 : vector<1x64x64xf32> to vector<64x64xf32>
    %convert_element_type3A_358 = arith.truncf %squeeze3A_357 : vector<64x64xf32> to vector<64x64xbf16>
    %dot_general3A_359 = arith.constant dense<0.000000e+00> : vector<64x64xf32>
    %dot_general3A_360 = tpu.matmul %convert_element_type3A_355, %convert_element_type3A_358, %dot_general3A_359 {dimension_numbers = #tpu.dot_dimension_numbers<[1], [0], [0], [1], [0, 0, 1, 1], [], []>, transpose_lhs_hint = false} : vector<64x64xbf16>, vector<64x64xbf16>, vector<64x64xf32> -> vector<64x64xf32>
    %convert_element_type3A_361 = arith.truncf %get3A_1 : vector<64x64xf32> to vector<64x64xbf16>
    %slice3A_362 = vector.extract_strided_slice %reshape3A_8 {offsets = [59, 0, 0], sizes = [1, 64, 64], strides = [1, 1, 1]} : vector<64x64x64xf32> to vector<1x64x64xf32>
    %squeeze3A_363 = vector.shape_cast %slice3A_362 : vector<1x64x64xf32> to vector<64x64xf32>
    %convert_element_type3A_364 = arith.truncf %squeeze3A_363 : vector<64x64xf32> to vector<64x64xbf16>
    %dot_general3A_365 = arith.constant dense<0.000000e+00> : vector<64x64xf32>
    %dot_general3A_366 = tpu.matmul %convert_element_type3A_361, %convert_element_type3A_364, %dot_general3A_365 {dimension_numbers = #tpu.dot_dimension_numbers<[1], [0], [0], [1], [0, 0, 1, 1], [], []>, transpose_lhs_hint = false} : vector<64x64xbf16>, vector<64x64xbf16>, vector<64x64xf32> -> vector<64x64xf32>
    %convert_element_type3A_367 = arith.truncf %get3A_1 : vector<64x64xf32> to vector<64x64xbf16>
    %slice3A_368 = vector.extract_strided_slice %reshape3A_8 {offsets = [60, 0, 0], sizes = [1, 64, 64], strides = [1, 1, 1]} : vector<64x64x64xf32> to vector<1x64x64xf32>
    %squeeze3A_369 = vector.shape_cast %slice3A_368 : vector<1x64x64xf32> to vector<64x64xf32>
    %convert_element_type3A_370 = arith.truncf %squeeze3A_369 : vector<64x64xf32> to vector<64x64xbf16>
    %dot_general3A_371 = arith.constant dense<0.000000e+00> : vector<64x64xf32>
    %dot_general3A_372 = tpu.matmul %convert_element_type3A_367, %convert_element_type3A_370, %dot_general3A_371 {dimension_numbers = #tpu.dot_dimension_numbers<[1], [0], [0], [1], [0, 0, 1, 1], [], []>, transpose_lhs_hint = false} : vector<64x64xbf16>, vector<64x64xbf16>, vector<64x64xf32> -> vector<64x64xf32>
    %convert_element_type3A_373 = arith.truncf %get3A_1 : vector<64x64xf32> to vector<64x64xbf16>
    %slice3A_374 = vector.extract_strided_slice %reshape3A_8 {offsets = [61, 0, 0], sizes = [1, 64, 64], strides = [1, 1, 1]} : vector<64x64x64xf32> to vector<1x64x64xf32>
    %squeeze3A_375 = vector.shape_cast %slice3A_374 : vector<1x64x64xf32> to vector<64x64xf32>
    %convert_element_type3A_376 = arith.truncf %squeeze3A_375 : vector<64x64xf32> to vector<64x64xbf16>
    %dot_general3A_377 = arith.constant dense<0.000000e+00> : vector<64x64xf32>
    %dot_general3A_378 = tpu.matmul %convert_element_type3A_373, %convert_element_type3A_376, %dot_general3A_377 {dimension_numbers = #tpu.dot_dimension_numbers<[1], [0], [0], [1], [0, 0, 1, 1], [], []>, transpose_lhs_hint = false} : vector<64x64xbf16>, vector<64x64xbf16>, vector<64x64xf32> -> vector<64x64xf32>
    %convert_element_type3A_379 = arith.truncf %get3A_1 : vector<64x64xf32> to vector<64x64xbf16>
    %slice3A_380 = vector.extract_strided_slice %reshape3A_8 {offsets = [62, 0, 0], sizes = [1, 64, 64], strides = [1, 1, 1]} : vector<64x64x64xf32> to vector<1x64x64xf32>
    %squeeze3A_381 = vector.shape_cast %slice3A_380 : vector<1x64x64xf32> to vector<64x64xf32>
    %convert_element_type3A_382 = arith.truncf %squeeze3A_381 : vector<64x64xf32> to vector<64x64xbf16>
    %dot_general3A_383 = arith.constant dense<0.000000e+00> : vector<64x64xf32>
    %dot_general3A_384 = tpu.matmul %convert_element_type3A_379, %convert_element_type3A_382, %dot_general3A_383 {dimension_numbers = #tpu.dot_dimension_numbers<[1], [0], [0], [1], [0, 0, 1, 1], [], []>, transpose_lhs_hint = false} : vector<64x64xbf16>, vector<64x64xbf16>, vector<64x64xf32> -> vector<64x64xf32>
    %convert_element_type3A_385 = arith.truncf %get3A_1 : vector<64x64xf32> to vector<64x64xbf16>
    %slice3A_386 = vector.extract_strided_slice %reshape3A_8 {offsets = [63, 0, 0], sizes = [1, 64, 64], strides = [1, 1, 1]} : vector<64x64x64xf32> to vector<1x64x64xf32>
    %squeeze3A_387 = vector.shape_cast %slice3A_386 : vector<1x64x64xf32> to vector<64x64xf32>
    %convert_element_type3A_388 = arith.truncf %squeeze3A_387 : vector<64x64xf32> to vector<64x64xbf16>
    %dot_general3A_389 = arith.constant dense<0.000000e+00> : vector<64x64xf32>
    %dot_general3A_390 = tpu.matmul %convert_element_type3A_385, %convert_element_type3A_388, %dot_general3A_389 {dimension_numbers = #tpu.dot_dimension_numbers<[1], [0], [0], [1], [0, 0, 1, 1], [], []>, transpose_lhs_hint = false} : vector<64x64xbf16>, vector<64x64xbf16>, vector<64x64xf32> -> vector<64x64xf32>
    %stack3A = vector.shape_cast %dot_general3A_12 : vector<64x64xf32> to vector<1x64x64xf32>
    %stack3A_391 = vector.shape_cast %dot_general3A_18 : vector<64x64xf32> to vector<1x64x64xf32>
    %stack3A_392 = vector.shape_cast %dot_general3A_24 : vector<64x64xf32> to vector<1x64x64xf32>
    %stack3A_393 = vector.shape_cast %dot_general3A_30 : vector<64x64xf32> to vector<1x64x64xf32>
    %stack3A_394 = vector.shape_cast %dot_general3A_36 : vector<64x64xf32> to vector<1x64x64xf32>
    %stack3A_395 = vector.shape_cast %dot_general3A_42 : vector<64x64xf32> to vector<1x64x64xf32>
    %stack3A_396 = vector.shape_cast %dot_general3A_48 : vector<64x64xf32> to vector<1x64x64xf32>
    %stack3A_397 = vector.shape_cast %dot_general3A_54 : vector<64x64xf32> to vector<1x64x64xf32>
    %stack3A_398 = vector.shape_cast %dot_general3A_60 : vector<64x64xf32> to vector<1x64x64xf32>
    %stack3A_399 = vector.shape_cast %dot_general3A_66 : vector<64x64xf32> to vector<1x64x64xf32>
    %stack3A_400 = vector.shape_cast %dot_general3A_72 : vector<64x64xf32> to vector<1x64x64xf32>
    %stack3A_401 = vector.shape_cast %dot_general3A_78 : vector<64x64xf32> to vector<1x64x64xf32>
    %stack3A_402 = vector.shape_cast %dot_general3A_84 : vector<64x64xf32> to vector<1x64x64xf32>
    %stack3A_403 = vector.shape_cast %dot_general3A_90 : vector<64x64xf32> to vector<1x64x64xf32>
    %stack3A_404 = vector.shape_cast %dot_general3A_96 : vector<64x64xf32> to vector<1x64x64xf32>
    %stack3A_405 = vector.shape_cast %dot_general3A_102 : vector<64x64xf32> to vector<1x64x64xf32>
    %stack3A_406 = vector.shape_cast %dot_general3A_108 : vector<64x64xf32> to vector<1x64x64xf32>
    %stack3A_407 = vector.shape_cast %dot_general3A_114 : vector<64x64xf32> to vector<1x64x64xf32>
    %stack3A_408 = vector.shape_cast %dot_general3A_120 : vector<64x64xf32> to vector<1x64x64xf32>
    %stack3A_409 = vector.shape_cast %dot_general3A_126 : vector<64x64xf32> to vector<1x64x64xf32>
    %stack3A_410 = vector.shape_cast %dot_general3A_132 : vector<64x64xf32> to vector<1x64x64xf32>
    %stack3A_411 = vector.shape_cast %dot_general3A_138 : vector<64x64xf32> to vector<1x64x64xf32>
    %stack3A_412 = vector.shape_cast %dot_general3A_144 : vector<64x64xf32> to vector<1x64x64xf32>
    %stack3A_413 = vector.shape_cast %dot_general3A_150 : vector<64x64xf32> to vector<1x64x64xf32>
    %stack3A_414 = vector.shape_cast %dot_general3A_156 : vector<64x64xf32> to vector<1x64x64xf32>
    %stack3A_415 = vector.shape_cast %dot_general3A_162 : vector<64x64xf32> to vector<1x64x64xf32>
    %stack3A_416 = vector.shape_cast %dot_general3A_168 : vector<64x64xf32> to vector<1x64x64xf32>
    %stack3A_417 = vector.shape_cast %dot_general3A_174 : vector<64x64xf32> to vector<1x64x64xf32>
    %stack3A_418 = vector.shape_cast %dot_general3A_180 : vector<64x64xf32> to vector<1x64x64xf32>
    %stack3A_419 = vector.shape_cast %dot_general3A_186 : vector<64x64xf32> to vector<1x64x64xf32>
    %stack3A_420 = vector.shape_cast %dot_general3A_192 : vector<64x64xf32> to vector<1x64x64xf32>
    %stack3A_421 = vector.shape_cast %dot_general3A_198 : vector<64x64xf32> to vector<1x64x64xf32>
    %stack3A_422 = vector.shape_cast %dot_general3A_204 : vector<64x64xf32> to vector<1x64x64xf32>
    %stack3A_423 = vector.shape_cast %dot_general3A_210 : vector<64x64xf32> to vector<1x64x64xf32>
    %stack3A_424 = vector.shape_cast %dot_general3A_216 : vector<64x64xf32> to vector<1x64x64xf32>
    %stack3A_425 = vector.shape_cast %dot_general3A_222 : vector<64x64xf32> to vector<1x64x64xf32>
    %stack3A_426 = vector.shape_cast %dot_general3A_228 : vector<64x64xf32> to vector<1x64x64xf32>
    %stack3A_427 = vector.shape_cast %dot_general3A_234 : vector<64x64xf32> to vector<1x64x64xf32>
    %stack3A_428 = vector.shape_cast %dot_general3A_240 : vector<64x64xf32> to vector<1x64x64xf32>
    %stack3A_429 = vector.shape_cast %dot_general3A_246 : vector<64x64xf32> to vector<1x64x64xf32>
    %stack3A_430 = vector.shape_cast %dot_general3A_252 : vector<64x64xf32> to vector<1x64x64xf32>
    %stack3A_431 = vector.shape_cast %dot_general3A_258 : vector<64x64xf32> to vector<1x64x64xf32>
    %stack3A_432 = vector.shape_cast %dot_general3A_264 : vector<64x64xf32> to vector<1x64x64xf32>
    %stack3A_433 = vector.shape_cast %dot_general3A_270 : vector<64x64xf32> to vector<1x64x64xf32>
    %stack3A_434 = vector.shape_cast %dot_general3A_276 : vector<64x64xf32> to vector<1x64x64xf32>
    %stack3A_435 = vector.shape_cast %dot_general3A_282 : vector<64x64xf32> to vector<1x64x64xf32>
    %stack3A_436 = vector.shape_cast %dot_general3A_288 : vector<64x64xf32> to vector<1x64x64xf32>
    %stack3A_437 = vector.shape_cast %dot_general3A_294 : vector<64x64xf32> to vector<1x64x64xf32>
    %stack3A_438 = vector.shape_cast %dot_general3A_300 : vector<64x64xf32> to vector<1x64x64xf32>
    %stack3A_439 = vector.shape_cast %dot_general3A_306 : vector<64x64xf32> to vector<1x64x64xf32>
    %stack3A_440 = vector.shape_cast %dot_general3A_312 : vector<64x64xf32> to vector<1x64x64xf32>
    %stack3A_441 = vector.shape_cast %dot_general3A_318 : vector<64x64xf32> to vector<1x64x64xf32>
    %stack3A_442 = vector.shape_cast %dot_general3A_324 : vector<64x64xf32> to vector<1x64x64xf32>
    %stack3A_443 = vector.shape_cast %dot_general3A_330 : vector<64x64xf32> to vector<1x64x64xf32>
    %stack3A_444 = vector.shape_cast %dot_general3A_336 : vector<64x64xf32> to vector<1x64x64xf32>
    %stack3A_445 = vector.shape_cast %dot_general3A_342 : vector<64x64xf32> to vector<1x64x64xf32>
    %stack3A_446 = vector.shape_cast %dot_general3A_348 : vector<64x64xf32> to vector<1x64x64xf32>
    %stack3A_447 = vector.shape_cast %dot_general3A_354 : vector<64x64xf32> to vector<1x64x64xf32>
    %stack3A_448 = vector.shape_cast %dot_general3A_360 : vector<64x64xf32> to vector<1x64x64xf32>
    %stack3A_449 = vector.shape_cast %dot_general3A_366 : vector<64x64xf32> to vector<1x64x64xf32>
    %stack3A_450 = vector.shape_cast %dot_general3A_372 : vector<64x64xf32> to vector<1x64x64xf32>
    %stack3A_451 = vector.shape_cast %dot_general3A_378 : vector<64x64xf32> to vector<1x64x64xf32>
    %stack3A_452 = vector.shape_cast %dot_general3A_384 : vector<64x64xf32> to vector<1x64x64xf32>
    %stack3A_453 = vector.shape_cast %dot_general3A_390 : vector<64x64xf32> to vector<1x64x64xf32>
    %stack3A_454 = tpu.concatenate %stack3A, %stack3A_391, %stack3A_392, %stack3A_393, %stack3A_394, %stack3A_395, %stack3A_396, %stack3A_397, %stack3A_398, %stack3A_399, %stack3A_400, %stack3A_401, %stack3A_402, %stack3A_403, %stack3A_404, %stack3A_405, %stack3A_406, %stack3A_407, %stack3A_408, %stack3A_409, %stack3A_410, %stack3A_411, %stack3A_412, %stack3A_413, %stack3A_414, %stack3A_415, %stack3A_416, %stack3A_417, %stack3A_418, %stack3A_419, %stack3A_420, %stack3A_421, %stack3A_422, %stack3A_423, %stack3A_424, %stack3A_425, %stack3A_426, %stack3A_427, %stack3A_428, %stack3A_429, %stack3A_430, %stack3A_431, %stack3A_432, %stack3A_433, %stack3A_434, %stack3A_435, %stack3A_436, %stack3A_437, %stack3A_438, %stack3A_439, %stack3A_440, %stack3A_441, %stack3A_442, %stack3A_443, %stack3A_444, %stack3A_445, %stack3A_446, %stack3A_447, %stack3A_448, %stack3A_449, %stack3A_450, %stack3A_451, %stack3A_452, %stack3A_453 in 0 : vector<1x64x64xf32>, vector<1x64x64xf32>, vector<1x64x64xf32>, vector<1x64x64xf32>, vector<1x64x64xf32>, vector<1x64x64xf32>, vector<1x64x64xf32>, vector<1x64x64xf32>, vector<1x64x64xf32>, vector<1x64x64xf32>, vector<1x64x64xf32>, vector<1x64x64xf32>, vector<1x64x64xf32>, vector<1x64x64xf32>, vector<1x64x64xf32>, vector<1x64x64xf32>, vector<1x64x64xf32>, vector<1x64x64xf32>, vector<1x64x64xf32>, vector<1x64x64xf32>, vector<1x64x64xf32>, vector<1x64x64xf32>, vector<1x64x64xf32>, vector<1x64x64xf32>, vector<1x64x64xf32>, vector<1x64x64xf32>, vector<1x64x64xf32>, vector<1x64x64xf32>, vector<1x64x64xf32>, vector<1x64x64xf32>, vector<1x64x64xf32>, vector<1x64x64xf32>, vector<1x64x64xf32>, vector<1x64x64xf32>, vector<1x64x64xf32>, vector<1x64x64xf32>, vector<1x64x64xf32>, vector<1x64x64xf32>, vector<1x64x64xf32>, vector<1x64x64xf32>, vector<1x64x64xf32>, vector<1x64x64xf32>, vector<1x64x64xf32>, vector<1x64x64xf32>, vector<1x64x64xf32>, vector<1x64x64xf32>, vector<1x64x64xf32>, vector<1x64x64xf32>, vector<1x64x64xf32>, vector<1x64x64xf32>, vector<1x64x64xf32>, vector<1x64x64xf32>, vector<1x64x64xf32>, vector<1x64x64xf32>, vector<1x64x64xf32>, vector<1x64x64xf32>, vector<1x64x64xf32>, vector<1x64x64xf32>, vector<1x64x64xf32>, vector<1x64x64xf32>, vector<1x64x64xf32>, vector<1x64x64xf32>, vector<1x64x64xf32>, vector<1x64x64xf32> -> vector<64x64x64xf32>
    %reshape3A_455 = vector.shape_cast %stack3A_454 : vector<64x64x64xf32> to vector<4096x64xf32>
    %convert_element_type3A_456 = arith.truncf %reshape3A_455 : vector<4096x64xf32> to vector<4096x64xbf16>
    %convert_element_type3A_457 = arith.truncf %get3A_1 : vector<64x64xf32> to vector<64x64xbf16>
    %dot_general3A_458 = arith.constant dense<0.000000e+00> : vector<4096x64xf32>
    %dot_general3A_459 = tpu.matmul %convert_element_type3A_456, %convert_element_type3A_457, %dot_general3A_458 {dimension_numbers = #tpu.dot_dimension_numbers<[1], [0], [0], [1], [0, 0, 1, 1], [], []>, transpose_lhs_hint = false} : vector<4096x64xbf16>, vector<64x64xbf16>, vector<4096x64xf32> -> vector<4096x64xf32>
    %get3A_460 = arith.constant 0 : index
    %get3A_461 = arith.constant 0 : index
    %get3A_462 = arith.constant 0 : index
    %get3A_463 = vector.load %arg2[%get3A_460, %get3A_461, %get3A_462] : memref<64x64x64xf32, #tpu.memory_space<vmem>>, vector<64x64x64xf32>
    %reshape3A_464 = vector.shape_cast %dot_general3A_459 : vector<4096x64xf32> to vector<64x64x64xf32>
    %mul3A = arith.constant 5.000000e-03 : f32
    %mul3A_465 = vector.broadcast %mul3A : f32 to vector<64x64x64xf32>
    %mul3A_466 = arith.mulf %mul3A_465, %reshape3A_464 : vector<64x64x64xf32>
    %add3A = arith.addf %get3A_463, %mul3A_466 : vector<64x64x64xf32>
    %swap3A = arith.constant 0 : index
    %swap3A_467 = arith.constant 0 : index
    %swap3A_468 = arith.constant 0 : index
    %swap3A_469 = vector.load %arg3[%swap3A, %swap3A_467, %swap3A_468] : memref<64x64x64xf32, #tpu.memory_space<vmem>>, vector<64x64x64xf32>
    tpu.vector_store %arg3[%swap3A, %swap3A_467, %swap3A_468], %add3A {strides = array<i32>} : memref<64x64x64xf32, #tpu.memory_space<vmem>>, vector<64x64x64xf32>,
    return
  }
}

</mosaic_0001>

<sc_bundles>
// kernel: kernel.9.cloned.1.call-start
scs
__scs_entry_jumppad:
0x0: {  	(pc) =	sbr.rel $0x88, $3  }
0x1: {  	(tag) =	ssettag $0x0;
	lr =	simm.s32 $0x1  }
0x2: {  	[smem:$0x3F93] =	sst lr;
	_ =	strace $0xD0000000  }
0x3: {  	_ = 	snop  }
0x4: {  	_ = 	snop  }
0x5: {  	_ = 	snop  }
0x6: {  	_ = 	snop  }
0x7: {  	_ = 	snop  }
__scs_overlays_trampoline_lowered:
0x8: {  	[smem:$0x3FA2] =	sst s0  }
0x9: {  	[smem:$0x3FA3] =	sst s1  }
0xa: {  	[smem:$0x3FA4] =	sst s2  }
0xb: {  	[smem:$0x3FA5] =	sst s3  }
0xc: {  	[smem:$0x3FA6] =	sst s4  }
0xd: {  	[smem:$0x3FA7] =	sst s5  }
0xe: {  	[smem:$0x3FA8] =	sst s6  }
0xf: {  	[smem:$0x3FA9] =	sst s7  }
0x10: {  	[smem:$0x3FAA] =	sst s8  }
0x11: {  	[smem:$0x3FAB] =	sst s9;
	s0 =	simm.s32 @!p0 $0x0  }
0x12: {  	s1 =	sld [smem:$0x3F91];
	s0 =	simm.s32 @p0 $0x1  }
0x13: {  	[smem:$0x3FAC] =	sst s0;
	s0 =	simm.s32 @!p1 $0x0  }
0x14: {  	s2 =	sld [smem:$0x3F90];
	s0 =	simm.s32 @p1 $0x1  }
0x15: {  	[smem:$0x3FAD] =	sst s0;
	s0 =	simm.s32 @!p2 $0x0  }
0x16: {  	s3 =	sld [smem:$0x3FDB];
	s0 =	simm.s32 @p2 $0x1  }
0x17: {  	s4 =	simm.s32 $0x1BF5;
	[smem:$0x3FAF] =	sst s0  }
0x18: {  	s0 =	sld [smem:$0x3F92];
	_ =	swait.ge [sflag:s4], $0x0  }
0x19: {  	s7 =	sld [smem:$0x3F93]  }
0x1a: {  	s8 =	sadd.s32 $0xFFFFE003, lr  }
0x1b: {  	s9 =	sadd.s32 $0xFFFFFEF7, lr;
	s5 =	simm.s32 $0xFFFFFFFF;
	p2 =	slt.u32 s8, $0xFFFFF086  }
0x1c: {  	p1 =	slt.u32 s9, $0xF7A;
	s5 =	simm.s32 @!p2 $0x0  }
0x1d: {  	s5 =	simm.s32 @p1 $0x1;
	p0 =	seq.s32 s7, s2  }
0x1e: {  	s7 =	smul.u32 @!p0 $0xF7A, s2;
	p2 =	seq.s32 @!p0 s5, $0x0  }
0x1f: {  	s9 =	smul.u32 $0xF7A, s1;
	s8 =	simm.s32 @!p0 $0x1BF5;
	p2 =	por !p2, p0  }
0x20: {  	[sflag:s8] =	ssyncset.s32 @!p0 $0xFFFFF086;
	s6 =	sadd.s32 @!p0 s3, s7;
	s7 =	simm.s32 @!p0 $0x108  }
0x21: {  	s3 =	sadd.s32 s3, s9;
	s6 =	sadd.s32 @!p0 $0x88, s6;
	s7 =	simm.s32 @p2 $0x1082  }
0x22: {  	[simem:s7], [sflag:s8] =	dma.local @!p0 [hbm:s6], $0xF7A  }
0x23: {  	s9 =	sor.u32 $0xD0000000, s2;
	s6 =	simm.s32 $0x108;
	_ =	swait.ge @!p0 [sflag:s8], $0x0  }
0x24: {  	s3 =	sadd.s32 $0x88, s3;
	s6 =	simm.s32 @!p1 $0x1082;
	[sflag:s4] =	ssyncset.s32 $0xFFFFF086  }
0x25: {  	[simem:s6], [sflag:s4] =	dma.local [hbm:s3], $0xF7A  }
0x26: {  	[smem:$0x3F93] =	sst s1;
	(tag) =	ssettag s2;
	_ =	strace s9  }
0x27: {  	s1 =	sld [smem:$0x3FA3]  }
0x28: {  	s2 =	sld [smem:$0x3FA4]  }
0x29: {  	s4 =	sld [smem:$0x3FA6]  }
0x2a: {  	p0 =	seq.s32 s5, $0x0;
	s5 =	sld [smem:$0x3FA7]  }
0x2b: {  	s6 =	sld [smem:$0x3FA8]  }
0x2c: {  	s7 =	sld [smem:$0x3FA9]  }
0x2d: {  	s3 =	simm.s32 $0x108;
	s8 =	sld [smem:$0x3FAA]  }
0x2e: {  	s3 =	simm.s32 @!p0 $0x1082;
	s9 =	sld [smem:$0x3FAB]  }
0x2f: {  	lr =	sadd.s32 s0, s3;
	s0 =	sld [smem:$0x3FA2]  }
0x30: {  	s3 =	sld [smem:$0x3FA5]  }
0x31: {  	[smem:$0x3FAE] =	sst s10  }
0x32: {  	s10 =	sld [smem:$0x3FAC];
	_ =	sdelay $0x3  }
0x33: {  	p0 =	seq.s32 s10, $0x1;
	s10 =	sld [smem:$0x3FAE];
	_ =	sdelay $0x3  }
0x34: {  	[smem:$0x3FAE] =	sst s10  }
0x35: {  	s10 =	sld [smem:$0x3FAD];
	_ =	sdelay $0x3  }
0x36: {  	p1 =	seq.s32 s10, $0x1;
	s10 =	sld [smem:$0x3FAE];
	_ =	sdelay $0x3  }
0x37: {  	[smem:$0x3FAE] =	sst s10  }
0x38: {  	s10 =	sld [smem:$0x3FAF]  }
0x39: {  	_ = 	snop;
	(pc) =	sbr.ind lr, $3  }
0x3a: {  	_ = 	snop  }
0x3b: {  	_ = 	snop  }
0x3c: {  	p2 =	seq.s32 s10, $0x1;
	s10 =	sld [smem:$0x3FAE]  }
0x3d: {  	_ =	shalt  }
0x3e: {  	_ =	shalt  }
0x3f: {  	_ =	shalt  }
0x40: {  	_ =	shalt  }
0x41: {  	_ =	shalt  }
0x42: {  	_ =	shalt  }
0x43: {  	_ =	shalt  }
0x44: {  	_ =	shalt  }
0x45: {  	_ =	shalt  }
0x46: {  	_ =	shalt  }
0x47: {  	_ =	shalt  }
0x48: {  	_ =	shalt  }
0x49: {  	_ =	shalt  }
0x4a: {  	_ =	shalt  }
0x4b: {  	_ =	shalt  }
0x4c: {  	_ =	shalt  }
0x4d: {  	_ =	shalt  }
0x4e: {  	_ =	shalt  }
0x4f: {  	_ =	shalt  }
0x50: {  	_ =	shalt  }
0x51: {  	_ =	shalt  }
0x52: {  	_ =	shalt  }
0x53: {  	_ =	shalt  }
0x54: {  	_ =	shalt  }
0x55: {  	_ =	shalt  }
0x56: {  	_ =	shalt  }
0x57: {  	_ =	shalt  }
0x58: {  	_ =	shalt  }
0x59: {  	_ =	shalt  }
0x5a: {  	_ =	shalt  }
0x5b: {  	_ =	shalt  }
0x5c: {  	_ =	shalt  }
0x5d: {  	_ =	shalt  }
0x5e: {  	_ =	shalt  }
0x5f: {  	_ =	shalt  }
0x60: {  	_ =	shalt  }
0x61: {  	_ =	shalt  }
0x62: {  	_ =	shalt  }
0x63: {  	_ =	shalt  }
0x64: {  	_ =	shalt  }
0x65: {  	_ =	shalt  }
0x66: {  	_ =	shalt  }
0x67: {  	_ =	shalt  }
0x68: {  	_ =	shalt  }
0x69: {  	_ =	shalt  }
0x6a: {  	_ =	shalt  }
0x6b: {  	_ =	shalt  }
0x6c: {  	_ =	shalt  }
0x6d: {  	_ =	shalt  }
0x6e: {  	_ =	shalt  }
0x6f: {  	_ =	shalt  }
0x70: {  	_ =	shalt  }
0x71: {  	_ =	shalt  }
0x72: {  	_ =	shalt  }
0x73: {  	_ =	shalt  }
0x74: {  	_ =	shalt  }
0x75: {  	_ =	shalt  }
0x76: {  	_ =	shalt  }
0x77: {  	_ =	shalt  }
0x78: {  	_ =	shalt  }
0x79: {  	_ =	shalt  }
0x7a: {  	_ =	shalt  }
0x7b: {  	_ =	shalt  }
0x7c: {  	_ =	shalt  }
0x7d: {  	_ =	shalt  }
0x7e: {  	_ =	shalt  }
0x7f: {  	_ =	shalt  }
0x80: {  	_ =	shalt  }
0x81: {  	_ =	shalt  }
0x82: {  	_ =	shalt  }
0x83: {  	_ =	shalt  }
0x84: {  	_ =	shalt  }
0x85: {  	_ =	shalt  }
0x86: {  	_ =	shalt  }
0x87: {  	_ =	shalt  }
.Lfunc_end0:
.L_simem_size_0:
called_computation_lowered:
.L_overlay_start_0:
0x88: {  	s2 =	sld [smem:$0x3FD9]  }
0x89: {  	s3 =	sld [smem:$0x3FFE];
	_ =	sdelay $0x1  }
0x8a: {  	s1 =	srdreg.scid  }
0x8b: {  	s0 =	sand.u32 $0x1, s1  }
0x8c: {  	s14 =	sshll.u32 s0, $0xA;
	s2 =	sadd.s32 s3, s2  }
0x8d: {  	s2 =	sadd.s32 s2, s14  }
0x8e: {  	[smem:$0x3FBA] =	sst s2  }
0x8f: {  	_ = 	snop  }
0x90: {  	s2 =	sld [smem:$0x3FD0];
	_ =	sdelay $0x2  }
0x91: {  	s4 =	simm.s32 $0xA;
	s5 =	simm.s32 $0x10;
	s15 =	sld [smem:$0x3FC3]  }
0x92: {  	[smem:s5], [sflag:s4] =	dma.local [hbm:s2], $0x1  }
0x93: {  	_ =	swait.eq [sflag:s4], $0x1  }
0x94: {  	s16 =	sld [smem:$0x10]  }
0x95: {  	s17 =	sld [smem:$0x11];
	[sflag:s4] =	ssyncset.done $0x0  }
0x96: {  	s6 =	sld [smem:$0x12];
	[sflag:s4] =	ssyncadd.s32 $0xFFFFFFFF  }
0x97: {  	s18 =	sld [smem:$0x13];
	(tm) =	ssettm $0x1  }
0x98: {  	s7 =	sld [smem:$0x3FFB];
	_ =	sdelay $0x3  }
0x99: {  	_ =	strace s7  }
0x9a: {  	s7 =	sld [smem:$0x3FFC];
	_ =	sdelay $0x3  }
0x9b: {  	_ =	strace s7  }
0x9c: {  	s7 =	sld [smem:$0x3FFD];
	_ =	sdelay $0x3  }
0x9d: {  	_ =	strace s7  }
0x9e: {  	_ =	strace $0x8FFFFFFF  }
0x9f: {  	s19 =	sld [smem:$0x3FDB];
	_ =	sdelay $0x1  }
0xa0: {  	s8 =	simm.s32 $_scs_section_size  }
0xa1: {  	s9 =	simm.s32 $_size__tile_overlayer_lowered;
	s10 =	simm.s32 $_tile_overlayer_lowered  }
0xa2: {  	s22 =	simm.s32 $0x1BFF;
	s21 =	sshll.u32 s10, $0x1;
	s7 =	sadd.s32 s8, s19  }
0xa3: {  	s11 =	simm.s32 $0x0;
	s20 =	sshll.u32 s9, $0x1;
	s9 =	sadd.s32 s21, s7  }
0xa4: {  	[timem:s11], [sflag:s22] =	dma.local [hbm:s9], s20  }
0xa5: {  	_ =	swait.ge [sflag:s22], s20  }
0xa6: {  	s8 =	ssub.s32 $0x0, s20;
	[sflag:s22] =	ssyncset.done $0x0  }
0xa7: {  	[sflag:s22] =	ssyncadd.s32 s8;
	_ =	sdelay $0x1  }
0xa8: {  	s23 =	simm.s32 $0x1B8B  }
0xa9: {  	_ =	swait.ge [sflag:s23], $0x1  }
0xaa: {  	[sflag:s23] =	ssyncset.done $0x0  }
0xab: {  	s25 =	simm.s32 $0x1B8E;
	s24 =	sld [smem:$0x3FFE];
	[sflag:s23] =	ssyncadd.s32 $0xFFFFFFFF  }
0xac: {  	s26 =	simm.s32 $execute0_lowered;
	[smem:$0x3FD2] =	sst s25  }
0xad: {  	s9 =	sshll.u32 s26, $0x1;
	_ =	strace $0x80000046;
	[dreg:$0x1] =	wrdreg $0xFFFFFFFF  }
0xae: {  	s28 =	simm.s32 $_size_execute0_lowered;
	s7 =	sadd.s32 s7, s9;
	[dreg:$0x0] =	wrdreg $0x0  }
0xaf: {  	s9 =	sshll.u32 s28, $0x1;
	[dreg:$0x2] =	wrdreg s7  }
0xb0: {  	[dreg:$0x3] =	wrdreg s9  }
0xb1: {  	[dreg:$0x4] =	wrdreg $0xC0  }
0xb2: {  	_ =	task [dreg:s11], $0x5FFFF  }
0xb3: {  	[dreg:$0x1] =	wrdreg $0xFFFFFFFF  }
0xb4: {  	[dreg:$0x0] =	wrdreg $0x60  }
0xb5: {  	[dreg:$0x2] =	wrdreg s24  }
0xb6: {  	[dreg:$0x3] =	wrdreg s15  }
0xb7: {  	[dreg:$0x4] =	wrdreg s16  }
0xb8: {  	[dreg:$0x5] =	wrdreg s6  }
0xb9: {  	[dreg:$0x6] =	wrdreg s17  }
0xba: {  	[dreg:$0x7] =	wrdreg s18  }
0xbb: {  	[dreg:$0x8] =	wrdreg $0x9  }
0xbc: {  	_ =	task.clear_ibuf [dreg:s11], $0x9FFFF;
	_ =	strace $0x90000046  }
0xbd: {  	s29 =	simm.s32 $0x9;
	_ =	strace $0x80000048  }
0xbe: {  	_ =	swait.ge [sflag:s29], $0x1  }
0xbf: {  	[sflag:s29] =	ssyncadd.s32 $0xFFFFFFFF  }
0xc0: {  	_ =	strace $0x90000048  }
0xc1: {  	_ =	sfence  }
0xc2: {  	s30 =	sld [smem:$0x0];
	_ =	sdelay $0x2  }
0xc3: {  	s31 =	sshll.u32 s1, $0xD;
	s1 =	sshrl.u32 s1, $0x2  }
0xc4: {  	s3 =	sand.u32 $0x4000, s31;
	s1 =	sadd.s32 s1, s30  }
0xc5: {  	s0 =	sor.u32 s3, s0;
	s1 =	sshll.u32 s1, $0x11  }
0xc6: {  	s0 =	sor.u32 s1, s0  }
0xc7: {  	s0 =	sadd.s32 $0x8F2B, s0  }
0xc8: {  	[sflag:s0] =	ssyncadd.remote.s32 $0x1  }
0xc9: {  	_ =	sfence.sel $0xFFFF  }
0xca: {  	[dreg:$0x0] =	wrdreg $0xFFFFFFFF;
	(pc) =	sbr.abs _section_cstart, $3  }
0xcb: {  	[dreg:$0x1] =	wrdreg $0xFFFFFFFF  }
0xcc: {  	_ =	task.clear_ibuf [dreg:s11], $0x2FFFF;
	_ =	strace $0x9FFFFFFF  }
0xcd: {  	(tm) =	ssettm $0x7FFFFFFF  }
tec
execute0_lowered:
.L_overlay_start_1:
0x0: {  	(tag) =	ssettag $0x1  }
0x1: {  	s10 =	rddreg [dreg:$0x0]  }
0x2: {  	s1 =	rddreg [dreg:$0x1]  }
0x3: {  	s2 =	rddreg [dreg:$0x2]  }
0x4: {  	s3 =	rddreg [dreg:$0x3]  }
0x5: {  	s5 =	rddreg [dreg:$0x4]  }
0x6: {  	s6 =	rddreg [dreg:$0x5];
	s7 =	srdreg.scid  }
0x7: {  	s0 =	rddreg [dreg:$0x6];
	s4 =	stileid.u32  }
0x8: {  	s17 =	simm.s32 $0x2;
	s18 =	simm.s32 $0x100;
	s19 =	simm.s32 $0x20  }
0x9: {  	s20 =	simm.s32 $0x80;
	s21 =	simm.s32 $0x1100;
	s22 =	simm.s32 $0x1  }
0xa: {  	s23 =	simm.s32 $0x0;
	s8 =	sand.u32 $0x1, s7;
	s7 =	simm.s32 $0x0  }
0xb: {  	s9 =	sshll.u32 s4, $0x6;
	s11 =	sshll.u32 s8, $0x5;
	[smem:$0x7FF] =	sst s7  }
0xc: {  	s12 =	ssub.s32 $0x2, s8;
	s8 =	sadd.s32 $0xD1000, s10;
	s9 =	sor.u32 s11, s9  }
0xd: {  	_ =	strace $0x80000047;
	s13 =	sshrl.u32 s12, $0x1;
	s11 =	sshrl.u32 s9, $0x3  }
0xe: {  	s9 =	sshll.u32 s9, $0x4;
	s16 =	ssub.s32 s12, s13;
	s11 =	sadd.s32 s11, s10  }
0xf: {  	s15 =	sadd.s32 s9, s10;
	s9 =	sadd.s32 $0x1600, s10;
	s10 =	sadd.s32 $0xC4C00, s10  }
0x10: {  	s16 =	smax.u32 s16, $0x1;
	s11 =	sadd.s32 $0xD4200, s11;
	s12 =	sadd.s32 $0xD4400, s15  }
0x11: {  	s13 =	sadd.s32 $0xD8400, s15;
	s14 =	sadd.s32 $0xDC400, s15;
	s15 =	sadd.s32 $0xE0400, s15  }
.LBB2_1:
0x12: {  	[tilespmem:s7], [sflag:$0x2] =	stream.linear.gather [hbm4b:s11+s7], $0x20, $0x38;
	[tilespmem:$0x2100] =	vst v63  }
0x13: {  	_ =	swait.ge [sflag:s17], $0x20  }
0x14: {  	[sflag:s17] =	ssyncset.done $0x0  }
0x15: {  	[sflag:s17] =	ssyncadd.s32 $0xFFFFFFE0  }
0x16: {  	v0 =	vld [tilespmem:$0x0]  }
0x17: {  	v1 =	vld [tilespmem:$0x10];
	_ =	sdelay $0x3  }
0x18: {  	[tilespmem:$0x80] =	vst v0  }
0x19: {  	[tilespmem:$0x90] =	vst v1  }
0x1a: {  	[tilespmem:s18], [sflag:$0x2] =	stream.linear.gather [hbm4b:s12+s7], $0x1000, $0x38;
	[tilespmem:$0x2100] =	vst v63  }
0x1b: {  	_ =	swait.ge [sflag:s17], $0x1000  }
0x1c: {  	[sflag:s17] =	ssyncset.done $0x0  }
0x1d: {  	[sflag:s17] =	ssyncadd.s32 $0xFFFFF000  }
0x1e: {  	[tilespmem:s21], [sflag:$0x1] =	stream.indirect.gather [hbm4b:s1+s19], $0x80, s20, s19, $0xb8;
	[tilespmem:$0x2100] =	vst v63  }
0x1f: {  	_ =	swait.ge [sflag:s22], $0x1000  }
0x20: {  	[sflag:s22] =	ssyncset.done $0x0  }
0x21: {  	s24 =	simm.s32 $0x0;
	[sflag:s22] =	ssyncadd.s32 $0xFFFFF000  }
0x22: {  	v7 =	vld [tilespmem:s24+$0x100]  }
0x23: {  	v11 =	vld [tilespmem:s24+$0x110]  }
0x24: {  	v5 =	vld [tilespmem:s24+$0x120]  }
0x25: {  	v4 =	vld [tilespmem:s24+$0x130]  }
0x26: {  	v3 =	vld [tilespmem:s24+$0x140]  }
0x27: {  	v2 =	vld [tilespmem:s24+$0x150]  }
0x28: {  	v1 =	vld [tilespmem:s24+$0x160]  }
0x29: {  	v0 =	vld [tilespmem:s24+$0x170]  }
0x2a: {  	v12 =	vld [tilespmem:s24+$0x1100]  }
0x2b: {  	v13 =	vld [tilespmem:s24+$0x1110]  }
0x2c: {  	v10 =	vld [tilespmem:s24+$0x1120]  }
0x2d: {  	v9 =	vld [tilespmem:s24+$0x1130]  }
0x2e: {  	v8 =	vld [tilespmem:s24+$0x1140]  }
0x2f: {  	v6 =	vld [tilespmem:s24+$0x1150];
	v12 =	vadd.f32 v7, v12  }
0x30: {  	s25 =	simm.s32 $0x200;
	v11 =	vadd.f32 v11, v13;
	v7 =	vld [tilespmem:s24+$0x1160]  }
.LBB2_2:
0x31: {  	s26 =	sshra.s32 s25, $0x2;
	p0 =	sne.s32 s25, $0x3E00;
	[tilespmem:s24+$0x1100] =	vst v12;
	v5 =	vadd.f32 v5, v10;
	v10 =	vld [tilespmem:s24+$0x1170]  }
0x32: {  	v12 =	vld [tilespmem:s26+$0x100];
	[tilespmem:s24+$0x1110] =	vst v11;
	v4 =	vadd.f32 v4, v9  }
0x33: {  	v11 =	vld [tilespmem:s26+$0x110];
	[tilespmem:s24+$0x1120] =	vst v5;
	v3 =	vadd.f32 v3, v8  }
0x34: {  	v5 =	vld [tilespmem:s26+$0x120];
	[tilespmem:s24+$0x1130] =	vst v4;
	v2 =	vadd.f32 v2, v6  }
0x35: {  	v4 =	vld [tilespmem:s26+$0x130];
	[tilespmem:s24+$0x1140] =	vst v3;
	v1 =	vadd.f32 v1, v7  }
0x36: {  	v3 =	vld [tilespmem:s26+$0x140];
	[tilespmem:s24+$0x1150] =	vst v2;
	v0 =	vadd.f32 v0, v10  }
0x37: {  	v2 =	vld [tilespmem:s26+$0x150];
	[tilespmem:s24+$0x1160] =	vst v1  }
0x38: {  	v1 =	vld [tilespmem:s26+$0x160];
	[tilespmem:s24+$0x1170] =	vst v0;
	s24 =	smov.u32 s26  }
0x39: {  	v0 =	vld [tilespmem:s24+$0x170]  }
0x3a: {  	v6 =	vld [tilespmem:s24+$0x1100]  }
0x3b: {  	v7 =	vld [tilespmem:s24+$0x1110]  }
.Ltmp0:
0x3c: {  	v10 =	vld [tilespmem:s24+$0x1120];
	(pc) =	sbr.rel @p0 .LBB2_2-.Ltmp0, $4  }
0x3d: {  	v9 =	vld [tilespmem:s24+$0x1130]  }
0x3e: {  	v8 =	vld [tilespmem:s24+$0x1140]  }
0x3f: {  	v12 =	vadd.f32 v12, v6;
	v6 =	vld [tilespmem:s24+$0x1150]  }
0x40: {  	s25 =	sadd.s32 $0x200, s25;
	v11 =	vadd.f32 v11, v7;
	v7 =	vld [tilespmem:s24+$0x1160]  }
0x41: {  	[tilespmem:s24+$0x1100] =	vst v12;
	v5 =	vadd.f32 v5, v10;
	v10 =	vld [tilespmem:s24+$0x1170]  }
0x42: {  	[tilespmem:s24+$0x1110] =	vst v11;
	v4 =	vadd.f32 v4, v9  }
0x43: {  	[tilespmem:s24+$0x1120] =	vst v5;
	v3 =	vadd.f32 v3, v8  }
0x44: {  	[tilespmem:s24+$0x1130] =	vst v4;
	v2 =	vadd.f32 v2, v6  }
0x45: {  	[tilespmem:s24+$0x1140] =	vst v3;
	v1 =	vadd.f32 v1, v7  }
0x46: {  	[tilespmem:s24+$0x1150] =	vst v2;
	v0 =	vadd.f32 v0, v10  }
0x47: {  	[tilespmem:s24+$0x1160] =	vst v1  }
0x48: {  	[tilespmem:s24+$0x1170] =	vst v0  }
0x49: {  	[hbm4b:s5+s19] =	stream.indirect.scatter [tilespmem:s21], [sflag:$0x2], $0x80, s20, s19, $0xb8;
	[tilespmem:$0x2100] =	vst v63  }
0x4a: {  	_ =	swait.ge [sflag:s17], $0x1000  }
0x4b: {  	[sflag:s17] =	ssyncset.done $0x0  }
0x4c: {  	[sflag:s17] =	ssyncadd.s32 $0xFFFFF000  }
0x4d: {  	v0 =	vld [tilespmem:$0x0]  }
0x4e: {  	v1 =	vld [tilespmem:$0x10];
	_ =	sdelay $0x3  }
0x4f: {  	v0 =	vshrl.u32 v0, $0x1  }
0x50: {  	[tilespmem:$0x80] =	vst v0;
	v0 =	vshrl.u32 v1, $0x1  }
0x51: {  	s31 =	simm.s32 $0x0;
	[tilespmem:$0x90] =	vst v0  }
0x52: {  	[tilespmem:s18], [sflag:$0x2] =	stream.linear.gather [hbm4b:s13+s31], $0x1000, $0x38;
	[tilespmem:$0x2100] =	vst v63  }
0x53: {  	_ =	swait.ge [sflag:s17], $0x1000  }
0x54: {  	[sflag:s17] =	ssyncset.done $0x0  }
0x55: {  	[sflag:s17] =	ssyncadd.s32 $0xFFFFF000  }
0x56: {  	[tilespmem:s21], [sflag:$0x1] =	stream.indirect.gather [hbm4b:s2+s19], $0x80, s20, s19, $0xb8;
	[tilespmem:$0x2100] =	vst v63  }
0x57: {  	_ =	swait.ge [sflag:s22], $0x1000  }
0x58: {  	[sflag:s22] =	ssyncset.done $0x0  }
0x59: {  	s24 =	simm.s32 $0x0;
	[sflag:s22] =	ssyncadd.s32 $0xFFFFF000  }
0x5a: {  	v7 =	vld [tilespmem:s24+$0x100]  }
0x5b: {  	v11 =	vld [tilespmem:s24+$0x110]  }
0x5c: {  	v5 =	vld [tilespmem:s24+$0x120]  }
0x5d: {  	v4 =	vld [tilespmem:s24+$0x130]  }
0x5e: {  	v3 =	vld [tilespmem:s24+$0x140]  }
0x5f: {  	v2 =	vld [tilespmem:s24+$0x150]  }
0x60: {  	v1 =	vld [tilespmem:s24+$0x160]  }
0x61: {  	v0 =	vld [tilespmem:s24+$0x170]  }
0x62: {  	v12 =	vld [tilespmem:s24+$0x1100]  }
0x63: {  	v13 =	vld [tilespmem:s24+$0x1110]  }
0x64: {  	v10 =	vld [tilespmem:s24+$0x1120]  }
0x65: {  	v9 =	vld [tilespmem:s24+$0x1130]  }
0x66: {  	v8 =	vld [tilespmem:s24+$0x1140]  }
0x67: {  	v6 =	vld [tilespmem:s24+$0x1150];
	v12 =	vadd.f32 v7, v12  }
0x68: {  	s25 =	simm.s32 $0x200;
	v11 =	vadd.f32 v11, v13;
	v7 =	vld [tilespmem:s24+$0x1160]  }
.LBB2_4:
0x69: {  	s26 =	sshra.s32 s25, $0x2;
	p0 =	sne.s32 s25, $0x3E00;
	[tilespmem:s24+$0x1100] =	vst v12;
	v5 =	vadd.f32 v5, v10;
	v10 =	vld [tilespmem:s24+$0x1170]  }
0x6a: {  	v12 =	vld [tilespmem:s26+$0x100];
	[tilespmem:s24+$0x1110] =	vst v11;
	v4 =	vadd.f32 v4, v9  }
0x6b: {  	v11 =	vld [tilespmem:s26+$0x110];
	[tilespmem:s24+$0x1120] =	vst v5;
	v3 =	vadd.f32 v3, v8  }
0x6c: {  	v5 =	vld [tilespmem:s26+$0x120];
	[tilespmem:s24+$0x1130] =	vst v4;
	v2 =	vadd.f32 v2, v6  }
0x6d: {  	v4 =	vld [tilespmem:s26+$0x130];
	[tilespmem:s24+$0x1140] =	vst v3;
	v1 =	vadd.f32 v1, v7  }
0x6e: {  	v3 =	vld [tilespmem:s26+$0x140];
	[tilespmem:s24+$0x1150] =	vst v2;
	v0 =	vadd.f32 v0, v10  }
0x6f: {  	v2 =	vld [tilespmem:s26+$0x150];
	[tilespmem:s24+$0x1160] =	vst v1  }
0x70: {  	v1 =	vld [tilespmem:s26+$0x160];
	[tilespmem:s24+$0x1170] =	vst v0;
	s24 =	smov.u32 s26  }
0x71: {  	v0 =	vld [tilespmem:s24+$0x170]  }
0x72: {  	v6 =	vld [tilespmem:s24+$0x1100]  }
0x73: {  	v7 =	vld [tilespmem:s24+$0x1110]  }
.Ltmp1:
0x74: {  	v10 =	vld [tilespmem:s24+$0x1120];
	(pc) =	sbr.rel @p0 .LBB2_4-.Ltmp1, $4  }
0x75: {  	v9 =	vld [tilespmem:s24+$0x1130]  }
0x76: {  	v8 =	vld [tilespmem:s24+$0x1140]  }
0x77: {  	v12 =	vadd.f32 v12, v6;
	v6 =	vld [tilespmem:s24+$0x1150]  }
0x78: {  	s25 =	sadd.s32 $0x200, s25;
	v11 =	vadd.f32 v11, v7;
	v7 =	vld [tilespmem:s24+$0x1160]  }
0x79: {  	[tilespmem:s24+$0x1100] =	vst v12;
	v5 =	vadd.f32 v5, v10;
	v10 =	vld [tilespmem:s24+$0x1170]  }
0x7a: {  	[tilespmem:s24+$0x1110] =	vst v11;
	v4 =	vadd.f32 v4, v9  }
0x7b: {  	[tilespmem:s24+$0x1120] =	vst v5;
	v3 =	vadd.f32 v3, v8  }
0x7c: {  	[tilespmem:s24+$0x1130] =	vst v4;
	v2 =	vadd.f32 v2, v6  }
0x7d: {  	[tilespmem:s24+$0x1140] =	vst v3;
	v1 =	vadd.f32 v1, v7  }
0x7e: {  	[tilespmem:s24+$0x1150] =	vst v2;
	v0 =	vadd.f32 v0, v10  }
0x7f: {  	[tilespmem:s24+$0x1160] =	vst v1  }
0x80: {  	[tilespmem:s24+$0x1170] =	vst v0  }
0x81: {  	[hbm4b:s9+s19] =	stream.indirect.scatter [tilespmem:s21], [sflag:$0x2], $0x80, s20, s19, $0xb8;
	[tilespmem:$0x2100] =	vst v63  }
0x82: {  	_ =	swait.ge [sflag:s17], $0x1000  }
0x83: {  	[sflag:s17] =	ssyncset.done $0x0  }
0x84: {  	[sflag:s17] =	ssyncadd.s32 $0xFFFFF000  }
0x85: {  	v0 =	vld [tilespmem:$0x0]  }
0x86: {  	v1 =	vld [tilespmem:$0x10];
	_ =	sdelay $0x3  }
0x87: {  	v0 =	vshrl.u32 v0, $0x5  }
0x88: {  	[tilespmem:$0x80] =	vst v0;
	v0 =	vshrl.u32 v1, $0x5  }
0x89: {  	s31 =	simm.s32 $0x0;
	[tilespmem:$0x90] =	vst v0  }
0x8a: {  	[tilespmem:s18], [sflag:$0x2] =	stream.linear.gather [hbm4b:s14+s31], $0x1000, $0x38;
	[tilespmem:$0x2100] =	vst v63  }
0x8b: {  	_ =	swait.ge [sflag:s17], $0x1000  }
0x8c: {  	[sflag:s17] =	ssyncset.done $0x0  }
0x8d: {  	[sflag:s17] =	ssyncadd.s32 $0xFFFFF000  }
0x8e: {  	[tilespmem:s21], [sflag:$0x1] =	stream.indirect.gather [hbm4b:s3+s19], $0x80, s20, s19, $0xb8;
	[tilespmem:$0x2100] =	vst v63  }
0x8f: {  	_ =	swait.ge [sflag:s22], $0x1000  }
0x90: {  	[sflag:s22] =	ssyncset.done $0x0  }
0x91: {  	s24 =	simm.s32 $0x0;
	[sflag:s22] =	ssyncadd.s32 $0xFFFFF000  }
0x92: {  	v7 =	vld [tilespmem:s24+$0x100]  }
0x93: {  	v11 =	vld [tilespmem:s24+$0x110]  }
0x94: {  	v5 =	vld [tilespmem:s24+$0x120]  }
0x95: {  	v4 =	vld [tilespmem:s24+$0x130]  }
0x96: {  	v3 =	vld [tilespmem:s24+$0x140]  }
0x97: {  	v2 =	vld [tilespmem:s24+$0x150]  }
0x98: {  	v1 =	vld [tilespmem:s24+$0x160]  }
0x99: {  	v0 =	vld [tilespmem:s24+$0x170]  }
0x9a: {  	v12 =	vld [tilespmem:s24+$0x1100]  }
0x9b: {  	v13 =	vld [tilespmem:s24+$0x1110]  }
0x9c: {  	v10 =	vld [tilespmem:s24+$0x1120]  }
0x9d: {  	v9 =	vld [tilespmem:s24+$0x1130]  }
0x9e: {  	v8 =	vld [tilespmem:s24+$0x1140]  }
0x9f: {  	v6 =	vld [tilespmem:s24+$0x1150];
	v12 =	vadd.f32 v7, v12  }
0xa0: {  	s25 =	simm.s32 $0x200;
	v11 =	vadd.f32 v11, v13;
	v7 =	vld [tilespmem:s24+$0x1160]  }
.LBB2_6:
0xa1: {  	s26 =	sshra.s32 s25, $0x2;
	p0 =	sne.s32 s25, $0x3E00;
	[tilespmem:s24+$0x1100] =	vst v12;
	v5 =	vadd.f32 v5, v10;
	v10 =	vld [tilespmem:s24+$0x1170]  }
0xa2: {  	v12 =	vld [tilespmem:s26+$0x100];
	[tilespmem:s24+$0x1110] =	vst v11;
	v4 =	vadd.f32 v4, v9  }
0xa3: {  	v11 =	vld [tilespmem:s26+$0x110];
	[tilespmem:s24+$0x1120] =	vst v5;
	v3 =	vadd.f32 v3, v8  }
0xa4: {  	v5 =	vld [tilespmem:s26+$0x120];
	[tilespmem:s24+$0x1130] =	vst v4;
	v2 =	vadd.f32 v2, v6  }
0xa5: {  	v4 =	vld [tilespmem:s26+$0x130];
	[tilespmem:s24+$0x1140] =	vst v3;
	v1 =	vadd.f32 v1, v7  }
0xa6: {  	v3 =	vld [tilespmem:s26+$0x140];
	[tilespmem:s24+$0x1150] =	vst v2;
	v0 =	vadd.f32 v0, v10  }
0xa7: {  	v2 =	vld [tilespmem:s26+$0x150];
	[tilespmem:s24+$0x1160] =	vst v1  }
0xa8: {  	v1 =	vld [tilespmem:s26+$0x160];
	[tilespmem:s24+$0x1170] =	vst v0;
	s24 =	smov.u32 s26  }
0xa9: {  	v0 =	vld [tilespmem:s24+$0x170]  }
0xaa: {  	v6 =	vld [tilespmem:s24+$0x1100]  }
0xab: {  	v7 =	vld [tilespmem:s24+$0x1110]  }
.Ltmp2:
0xac: {  	v10 =	vld [tilespmem:s24+$0x1120];
	(pc) =	sbr.rel @p0 .LBB2_6-.Ltmp2, $4  }
0xad: {  	v9 =	vld [tilespmem:s24+$0x1130]  }
0xae: {  	v8 =	vld [tilespmem:s24+$0x1140]  }
0xaf: {  	v12 =	vadd.f32 v12, v6;
	v6 =	vld [tilespmem:s24+$0x1150]  }
0xb0: {  	s25 =	sadd.s32 $0x200, s25;
	v11 =	vadd.f32 v11, v7;
	v7 =	vld [tilespmem:s24+$0x1160]  }
0xb1: {  	[tilespmem:s24+$0x1100] =	vst v12;
	v5 =	vadd.f32 v5, v10;
	v10 =	vld [tilespmem:s24+$0x1170]  }
0xb2: {  	[tilespmem:s24+$0x1110] =	vst v11;
	v4 =	vadd.f32 v4, v9  }
0xb3: {  	[tilespmem:s24+$0x1120] =	vst v5;
	v3 =	vadd.f32 v3, v8  }
0xb4: {  	[tilespmem:s24+$0x1130] =	vst v4;
	v2 =	vadd.f32 v2, v6  }
0xb5: {  	[tilespmem:s24+$0x1140] =	vst v3;
	v1 =	vadd.f32 v1, v7  }
0xb6: {  	[tilespmem:s24+$0x1150] =	vst v2;
	v0 =	vadd.f32 v0, v10  }
0xb7: {  	[tilespmem:s24+$0x1160] =	vst v1  }
0xb8: {  	[tilespmem:s24+$0x1170] =	vst v0  }
0xb9: {  	[hbm4b:s10+s19] =	stream.indirect.scatter [tilespmem:s21], [sflag:$0x2], $0x80, s20, s19, $0xb8;
	[tilespmem:$0x2100] =	vst v63  }
0xba: {  	_ =	swait.ge [sflag:s17], $0x1000  }
0xbb: {  	[sflag:s17] =	ssyncset.done $0x0  }
0xbc: {  	[sflag:s17] =	ssyncadd.s32 $0xFFFFF000  }
0xbd: {  	v0 =	vld [tilespmem:$0x0]  }
0xbe: {  	v1 =	vld [tilespmem:$0x10];
	_ =	sdelay $0x3  }
0xbf: {  	v0 =	vshrl.u32 v0, $0x7  }
0xc0: {  	[tilespmem:$0x80] =	vst v0;
	v0 =	vshrl.u32 v1, $0x7  }
0xc1: {  	s31 =	simm.s32 $0x0;
	[tilespmem:$0x90] =	vst v0  }
0xc2: {  	[tilespmem:s18], [sflag:$0x2] =	stream.linear.gather [hbm4b:s15+s31], $0x1000, $0x38;
	[tilespmem:$0x2100] =	vst v63  }
0xc3: {  	_ =	swait.ge [sflag:s17], $0x1000  }
0xc4: {  	[sflag:s17] =	ssyncset.done $0x0  }
0xc5: {  	[sflag:s17] =	ssyncadd.s32 $0xFFFFF000  }
0xc6: {  	[tilespmem:s21], [sflag:$0x1] =	stream.indirect.gather [hbm4b:s8+s19], $0x80, s20, s19, $0xb8;
	[tilespmem:$0x2100] =	vst v63  }
0xc7: {  	_ =	swait.ge [sflag:s22], $0x1000  }
0xc8: {  	[sflag:s22] =	ssyncset.done $0x0  }
0xc9: {  	s24 =	simm.s32 $0x0;
	[sflag:s22] =	ssyncadd.s32 $0xFFFFF000  }
0xca: {  	v7 =	vld [tilespmem:s24+$0x100]  }
0xcb: {  	v11 =	vld [tilespmem:s24+$0x110]  }
0xcc: {  	v5 =	vld [tilespmem:s24+$0x120]  }
0xcd: {  	v4 =	vld [tilespmem:s24+$0x130]  }
0xce: {  	v3 =	vld [tilespmem:s24+$0x140]  }
0xcf: {  	v2 =	vld [tilespmem:s24+$0x150]  }
0xd0: {  	v1 =	vld [tilespmem:s24+$0x160]  }
0xd1: {  	v0 =	vld [tilespmem:s24+$0x170]  }
0xd2: {  	v12 =	vld [tilespmem:s24+$0x1100]  }
0xd3: {  	v13 =	vld [tilespmem:s24+$0x1110]  }
0xd4: {  	v10 =	vld [tilespmem:s24+$0x1120]  }
0xd5: {  	v9 =	vld [tilespmem:s24+$0x1130]  }
0xd6: {  	v8 =	vld [tilespmem:s24+$0x1140]  }
0xd7: {  	v6 =	vld [tilespmem:s24+$0x1150];
	v12 =	vadd.f32 v7, v12  }
0xd8: {  	s25 =	simm.s32 $0x200;
	v11 =	vadd.f32 v11, v13;
	v7 =	vld [tilespmem:s24+$0x1160]  }
.LBB2_8:
0xd9: {  	s26 =	sshra.s32 s25, $0x2;
	p0 =	sne.s32 s25, $0x3E00;
	[tilespmem:s24+$0x1100] =	vst v12;
	v5 =	vadd.f32 v5, v10;
	v10 =	vld [tilespmem:s24+$0x1170]  }
0xda: {  	v12 =	vld [tilespmem:s26+$0x100];
	[tilespmem:s24+$0x1110] =	vst v11;
	v4 =	vadd.f32 v4, v9  }
0xdb: {  	v11 =	vld [tilespmem:s26+$0x110];
	[tilespmem:s24+$0x1120] =	vst v5;
	v3 =	vadd.f32 v3, v8  }
0xdc: {  	v5 =	vld [tilespmem:s26+$0x120];
	[tilespmem:s24+$0x1130] =	vst v4;
	v2 =	vadd.f32 v2, v6  }
0xdd: {  	v4 =	vld [tilespmem:s26+$0x130];
	[tilespmem:s24+$0x1140] =	vst v3;
	v1 =	vadd.f32 v1, v7  }
0xde: {  	v3 =	vld [tilespmem:s26+$0x140];
	[tilespmem:s24+$0x1150] =	vst v2;
	v0 =	vadd.f32 v0, v10  }
0xdf: {  	v2 =	vld [tilespmem:s26+$0x150];
	[tilespmem:s24+$0x1160] =	vst v1  }
0xe0: {  	v1 =	vld [tilespmem:s26+$0x160];
	[tilespmem:s24+$0x1170] =	vst v0;
	s24 =	smov.u32 s26  }
0xe1: {  	v0 =	vld [tilespmem:s24+$0x170]  }
0xe2: {  	v6 =	vld [tilespmem:s24+$0x1100]  }
0xe3: {  	v7 =	vld [tilespmem:s24+$0x1110]  }
.Ltmp3:
0xe4: {  	v10 =	vld [tilespmem:s24+$0x1120];
	(pc) =	sbr.rel @p0 .LBB2_8-.Ltmp3, $4  }
0xe5: {  	v9 =	vld [tilespmem:s24+$0x1130]  }
0xe6: {  	v8 =	vld [tilespmem:s24+$0x1140]  }
0xe7: {  	v12 =	vadd.f32 v12, v6;
	v6 =	vld [tilespmem:s24+$0x1150]  }
0xe8: {  	s25 =	sadd.s32 $0x200, s25;
	v11 =	vadd.f32 v11, v7;
	v7 =	vld [tilespmem:s24+$0x1160]  }
0xe9: {  	[tilespmem:s24+$0x1100] =	vst v12;
	v5 =	vadd.f32 v5, v10;
	v63 =	vld [tilespmem:s24+$0x1170]  }
0xea: {  	[tilespmem:s24+$0x1110] =	vst v11;
	v4 =	vadd.f32 v4, v9  }
0xeb: {  	[tilespmem:s24+$0x1120] =	vst v5;
	v3 =	vadd.f32 v3, v8  }
0xec: {  	[tilespmem:s24+$0x1130] =	vst v4;
	v2 =	vadd.f32 v2, v6  }
0xed: {  	[tilespmem:s24+$0x1140] =	vst v3;
	v1 =	vadd.f32 v1, v7  }
0xee: {  	s23 =	sadd.s32 $0x1, s23;
	[tilespmem:s24+$0x1150] =	vst v2;
	v0 =	vadd.f32 v0, v63  }
0xef: {  	p0 =	sne.s32 s23, s16;
	[tilespmem:s24+$0x1160] =	vst v1  }
.Ltmp4:
0xf0: {  	[tilespmem:s24+$0x1170] =	vst v0;
	(pc) =	sbr.rel @p0 .LBB2_1-.Ltmp4, $4  }
0xf1: {  	[hbm4b:s6+s19] =	stream.indirect.scatter [tilespmem:s21], [sflag:$0x2], $0x80, s20, s19, $0xb8;
	[tilespmem:$0x2100] =	vst v63  }
0xf2: {  	_ =	swait.ge [sflag:s17], $0x1000  }
0xf3: {  	[sflag:s17] =	ssyncset.done $0x0  }
0xf4: {  	[sflag:s17] =	ssyncadd.s32 $0xFFFFF000  }
0xf5: {  	_ =	sfence.sel $0x180000  }
0xf6: {  	[bflag:$0x0] =	sbarrier.arrive $0xFFFF  }
0xf7: {  	p0 =	sne.s32 s4, $0x0;
	_ =	strace $0x90000047  }
0xf8: {  	s0 =	sadd.s32 @!p0 $0x100000, s0;
	[bflag:$0x2] =	sbarrier.arrive $0xFFFF  }
0xf9: {  	[sflag:s0] =	ssyncadd.tile.s32 @!p0 $0x1;
	_ =	shalt  }
.Lfunc_end2:
_tile_overlayer_lowered:
.L_overlay_start_2:
0xfa: {  	(tag) =	ssettag $0x2  }
0xfb: {  	s0 =	rddreg [dreg:$0x0];
	s2 =	stileid.u32  }
0xfc: {  	s1 =	rddreg [dreg:$0x1];
	p0 =	sne.s32 s2, $0x0  }
0xfd: {  	s3 =	rddreg [dreg:$0x2];
	[bflag:$0x3] =	sbarrier.arrive $0xFFFF;
	s2 =	simm.s32 @!p0 $0x1C02  }
0xfe: {  	[timem:s3], [sflag:s2] =	dma.local @!p0 [hbm:s0], s1  }
0xff: {  	s0 =	simm.s32 @!p0 $0x2  }
0x100: {  	_ =	swait.ge @!p0 [sflag:s0], s1  }
0x101: {  	s1 =	ssub.s32 @!p0 $0x0, s1;
	[sflag:s0] =	ssyncset.done @!p0 $0x0  }
0x102: {  	[sflag:s0] =	ssyncadd.s32 @!p0 s1  }
0x103: {  	[bflag:$0x3] =	sbarrier.arrive $0xFFFF  }
0x104: {  	_ =	shalt  }

</sc_bundles>
